<compile_context>
chip_gen: v7x
topology: tpu7x:2x2x1
jax: 0.10.2.dev20260603
libtpu: 0.0.44.dev20260713+nightly
codegen_flags: <defaults>
</compile_context>

<pallas_src>
import functools

import jax
import jax.numpy as jnp
from jax import lax
from jax.experimental import pallas as pl
from jax.experimental.pallas import tpu as pltpu
from jax.experimental.pallas import tpu_sc as plsc

E = 64
K = 2
D = 2048
F = 1408
T = 2048
N = T * K
BM = 128
S = N // BM + E
NP = S * BM
BF = 128
NF = F // BF


def _ffn_body(eids_ref, xs_ref, w0_ref, w1_ref, w2_ref,
              s0_ref, s1_ref, s2_ref, rw_ref, y_ref, acc_ref):
    j = pl.program_id(1)
    xb = xs_ref[...]
    g = lax.dot_general(xb, w0_ref[0], (((1,), (1,)), ((), ())),
                        precision=lax.Precision.DEFAULT,
                        preferred_element_type=jnp.float32)
    u = lax.dot_general(xb, w1_ref[0], (((1,), (1,)), ((), ())),
                        precision=lax.Precision.DEFAULT,
                        preferred_element_type=jnp.float32)
    col = pl.ds(pl.multiple_of(j * BF, BF), BF)
    g = g * s0_ref[0, :, col]
    u = u * s1_ref[0, :, col]
    h = g * jax.nn.sigmoid(g) * u
    contrib = lax.dot_general(h, w2_ref[0], (((1,), (1,)), ((), ())),
                              precision=lax.Precision.DEFAULT,
                              preferred_element_type=jnp.float32)

    @pl.when(j == 0)
    def _first():
        acc_ref[...] = contrib

    @pl.when((j > 0) & (j < NF - 1))
    def _mid():
        acc_ref[...] += contrib

    @pl.when(j == NF - 1)
    def _last():
        y_ref[...] = ((acc_ref[...] + contrib)
                      * s2_ref[0] * rw_ref[...])


def _grouped_ffn(eids, total_tiles, xs_pad, w0, w1, w2, s0, s1, s2, rw_pad):
    grid_spec = pltpu.PrefetchScalarGridSpec(
        num_scalar_prefetch=1,
        grid=(total_tiles, NF),
        in_specs=[
            pl.BlockSpec((BM, D), lambda s, j, e: (s, 0)),
            pl.BlockSpec((1, BF, D), lambda s, j, e: (e[s], j, 0)),
            pl.BlockSpec((1, BF, D), lambda s, j, e: (e[s], j, 0)),
            pl.BlockSpec((1, D, BF), lambda s, j, e: (e[s], 0, j)),
            pl.BlockSpec((1, 1, F), lambda s, j, e: (e[s], 0, 0)),
            pl.BlockSpec((1, 1, F), lambda s, j, e: (e[s], 0, 0)),
            pl.BlockSpec((1, 1, D), lambda s, j, e: (e[s], 0, 0)),
            pl.BlockSpec((BM, 1), lambda s, j, e: (s, 0)),
        ],
        out_specs=pl.BlockSpec((BM, D), lambda s, j, e: (s, 0)),
        scratch_shapes=[pltpu.VMEM((BM, D), jnp.float32)],
    )
    return pl.pallas_call(
        _ffn_body,
        grid_spec=grid_spec,
        out_shape=jax.ShapeDtypeStruct((NP, D), jnp.float32),
        compiler_params=pltpu.CompilerParams(
            dimension_semantics=("arbitrary", "arbitrary")),
    )(eids, xs_pad, w0, w1, w2,
      s0.reshape(E, 1, F), s1.reshape(E, 1, F),
      s2.reshape(E, 1, D), rw_pad)


_NC = 2
_NS = 16
_NW = _NC * _NS
_CH = 32
_ROWS_W = N // _NW
_NCHUNK = _ROWS_W // _CH


def _permute_rows(src, src_idx, dst_idx, out_rows):
    mesh = plsc.VectorSubcoreMesh(core_axis_name="c", subcore_axis_name="s")

    @functools.partial(
        pl.kernel,
        out_type=jax.ShapeDtypeStruct((out_rows, D), jnp.float32),
        mesh=mesh,
        scratch_types=[
            pltpu.VMEM((_CH,), jnp.int32),
            pltpu.VMEM((_CH,), jnp.int32),
            pltpu.VMEM((_CH, D), jnp.float32),
            pltpu.SemaphoreType.DMA,
        ],
    )
    def _body(src_hbm, sidx_hbm, didx_hbm, out_hbm, si_v, di_v, rows_v, sem):
        wid = lax.axis_index("s") * _NC + lax.axis_index("c")
        for c in range(_NCHUNK):
            base = wid * _ROWS_W + c * _CH
            pltpu.sync_copy(sidx_hbm.at[pl.ds(base, _CH)], si_v)
            pltpu.async_copy(src_hbm.at[si_v], rows_v, sem).wait()
            pltpu.sync_copy(didx_hbm.at[pl.ds(base, _CH)], di_v)
            pltpu.async_copy(rows_v, out_hbm.at[di_v], sem).wait()

    return _body(src, src_idx, dst_idx)


def _route(selected_experts, routing_weights):
    se = selected_experts.reshape(N).astype(jnp.int32)
    rwf = routing_weights.reshape(N)
    onehot = (se[:, None] == jnp.arange(E, dtype=jnp.int32)[None, :])
    ranks_mat = jnp.cumsum(onehot.astype(jnp.int32), axis=0)
    counts = ranks_mat[-1]
    rank = jnp.take_along_axis(ranks_mat, se[:, None], axis=1)[:, 0] - 1
    ntiles = (counts + BM - 1) // BM
    csum_t = jnp.cumsum(ntiles)
    tile_start = (csum_t - ntiles).astype(jnp.int32)
    total_tiles = csum_t[-1].astype(jnp.int32)

    eids = jnp.zeros((S,), jnp.int32).at[tile_start].max(
        jnp.arange(E, dtype=jnp.int32), mode="drop")
    eids = lax.cummax(eids, axis=0)

    pos = tile_start[se] * BM + rank
    tok = jnp.arange(N, dtype=jnp.int32) // K
    pair = jnp.arange(N, dtype=jnp.int32)
    rw_pad = jnp.zeros((NP, 1), jnp.float32).at[pos, 0].set(rwf)
    return eids, total_tiles, tok, pos, pair, rw_pad


def kernel(x, selected_experts, routing_weights, w0, w1, w2, s0, s1, s2):
    eids, total_tiles, tok_q, p_q, order, rw_pad = _route(
        selected_experts, routing_weights)
    xs_pad = _permute_rows(x, tok_q, p_q, NP)
    y_pad = _grouped_ffn(eids, total_tiles, xs_pad, w0, w1, w2, s0, s1, s2,
                         rw_pad)
    out_flat = _permute_rows(y_pad, p_q, order, N)
    return out_flat.reshape(T, K, D)

# --- scband reference (transcript-rebuilt; emitter-appended) ---
"""Pipeline reference for scband-deepseek-mo-eblock-1297080123444 (READ-ONLY COPY).

The authoritative reference and input builder live on the scoring server;
editing this copy changes nothing except your own understanding.
"""

import jax, jax.numpy as jnp
import numpy as np

E = 64          # num_experts
K = 2           # num_experts_per_tok
D = 2048        # d_model
F = 1408        # moe intermediate (d_ff)
T = 2048        # tokens = batch(1) * seq_len(2048)


def setup_inputs(seed: int = 0) -> dict:
    key = jax.random.key(seed)
    ks = jax.random.split(key, 10)
    x = jax.random.normal(ks[0], (T, D), dtype=jnp.float32)
    selected_experts = jax.random.randint(ks[1], (T, K), 0, E, dtype=jnp.int32)
    rw = jax.random.uniform(ks[2], (T, K), dtype=jnp.float32)
    routing_weights = rw / jnp.sum(rw, axis=-1, keepdims=True)
    w0 = jax.random.normal(ks[3], (E, F, D), dtype=jnp.float32) * 0.02  # gate proj
    w1 = jax.random.normal(ks[4], (E, F, D), dtype=jnp.float32) * 0.02  # up proj
    w2 = jax.random.normal(ks[5], (E, D, F), dtype=jnp.float32) * 0.02  # down proj
    s0 = jnp.ones((E, F), dtype=jnp.float32)  # per-channel scales (quant scales)
    s1 = jnp.ones((E, F), dtype=jnp.float32)
    s2 = jnp.ones((E, D), dtype=jnp.float32)
    return {
        "x": x,
        "selected_experts": selected_experts,
        "routing_weights": routing_weights,
        "w0": w0, "w1": w1, "w2": w2,
        "s0": s0, "s1": s1, "s2": s2,
    }


def reference(x, selected_experts, routing_weights, w0, w1, w2, s0, s1, s2):
    # Faithful emulation of fused_moe_fused_experts: for each (token, slot),
    # run the selected expert's SiLU-gated FFN with per-channel scales and
    # weight by routing_weights. Output buffer: [T, K, D].
    out = jnp.zeros((x.shape[0], K, D), dtype=x.dtype)
    for e in range(E):
        g = (x @ w0[e].T) * s0[e]
        u = (x @ w1[e].T) * s1[e]
        h = jax.nn.silu(g) * u
        y = (h @ w2[e].T) * s2[e]                 # [T, D]
        yk = y[:, None, :] * routing_weights[..., None]  # [T, K, D]
        mask = (selected_experts == e)[..., None]        # [T, K, 1]
        out = jnp.where(mask, yk, out)            # scatter-overwrite
    return out

if __name__ == "__main__":
    import jax
    _d = setup_inputs()
    print(jax.jit(kernel)(*tuple(_d.values())))

</pallas_src>

<mosaic_0001>
#map = affine_map<(d0, d1) -> (0, 0)>
#map1 = affine_map<(d0, d1) -> (0)>
module attributes {stable_mosaic.version = 14 : i64} {
  func.func @_body(%arg0: i32, %arg1: i32, %arg2: memref<12288x2048xf32, #tpu.memory_space<hbm>>, %arg3: memref<4096xi32, #tpu.memory_space<hbm>>, %arg4: memref<4096xi32, #tpu.memory_space<hbm>>, %arg5: memref<4096x2048xf32, #tpu.memory_space<hbm>>, %arg6: memref<32xi32, #tpu.memory_space<vmem>>, %arg7: memref<32xi32, #tpu.memory_space<vmem>>, %arg8: memref<32x2048xf32, #tpu.memory_space<vmem>>, %arg9: memref<!tpu.dma_semaphore, #tpu.memory_space<semaphore_mem>>) attributes {dimension_semantics = [#tpu.dimension_semantics<core_parallel>, #tpu.dimension_semantics<subcore_parallel>], iteration_bounds = array<i64: 2, 16>, scalar_prefetch = 0 : i64, scratch_operands = 4 : i64, tpu.core_type = #tpu.core_type<sc_vector_subcore>, window_params = [{transform_indices = #map}, {transform_indices = #map1}, {transform_indices = #map1}, {transform_indices = #map}]} {
    %mul3A = arith.constant 2 : i32
    %mul3A_0 = arith.muli %arg1, %mul3A : i32
    %add3A = arith.addi %mul3A_0, %arg0 : i32
    %mul3A_1 = arith.constant 128 : i32
    %mul3A_2 = arith.muli %add3A, %mul3A_1 : i32
    %add3A_3 = arith.constant 0 : i32
    %add3A_4 = arith.addi %mul3A_2, %add3A_3 : i32
    "tpu.region"() ({
      %run_scoped3A = tpu.sem_alloc : memref<!tpu.dma_semaphore, #tpu.memory_space<semaphore_mem>>
      %dma_start3A_63 = tpu.memref_slice %arg3[%add3A_4] : memref<4096xi32, #tpu.memory_space<hbm>> -> memref<32xi32, #tpu.memory_space<hbm>>
      %dma_start3A_64 = tpu.memref_slice %arg3[%add3A_4] : memref<4096xi32, #tpu.memory_space<hbm>> -> memref<32xi32, #tpu.memory_space<hbm>>
      tpu.enqueue_dma source(%dma_start3A_64 : memref<32xi32, #tpu.memory_space<hbm>>) target(%arg6 : memref<32xi32, #tpu.memory_space<vmem>>) target_semaphore(%run_scoped3A : memref<!tpu.dma_semaphore, #tpu.memory_space<semaphore_mem>>)
      %dma_wait3A_65 = tpu.memref_slice %arg3[%add3A_4] : memref<4096xi32, #tpu.memory_space<hbm>> -> memref<32xi32, #tpu.memory_space<hbm>>
      %dma_wait3A_66 = tpu.memref_slice %arg3[%add3A_4] : memref<4096xi32, #tpu.memory_space<hbm>> -> memref<32xi32, #tpu.memory_space<hbm>>
      tpu.wait_dma2 semaphore(%run_scoped3A : memref<!tpu.dma_semaphore, #tpu.memory_space<semaphore_mem>>) src(%dma_wait3A_66 : memref<32xi32, #tpu.memory_space<hbm>>) dst(%arg6 : memref<32xi32, #tpu.memory_space<vmem>>)
      tpu.yield
    }) : () -> ()
    %dma_start3A = arith.constant 0 : i32
    %dma_start3A_5 = arith.constant 0 : i32
    %dma_start3A_6 = tpu.memref_slice %arg2[%dma_start3A, %dma_start3A_5] : memref<12288x2048xf32, #tpu.memory_space<hbm>> -> memref<12288x2048xf32, #tpu.memory_space<hbm>>
    tpu.enqueue_indirect_dma source(%dma_start3A_6 : memref<12288x2048xf32, #tpu.memory_space<hbm>>) target(%arg8 : memref<32x2048xf32, #tpu.memory_space<vmem>>) offsets(%arg6 : memref<32xi32, #tpu.memory_space<vmem>>) semaphore(%arg9 : memref<!tpu.dma_semaphore, #tpu.memory_space<semaphore_mem>>)
    %dma_wait3A = arith.constant 0 : i32
    %dma_wait3A_7 = arith.constant 0 : i32
    %dma_wait3A_8 = tpu.memref_slice %arg2[%dma_wait3A, %dma_wait3A_7] : memref<12288x2048xf32, #tpu.memory_space<hbm>> -> memref<12288x2048xf32, #tpu.memory_space<hbm>>
    tpu.wait_indirect_dma semaphore(%arg9 : memref<!tpu.dma_semaphore, #tpu.memory_space<semaphore_mem>>) src(%dma_wait3A_8 : memref<12288x2048xf32, #tpu.memory_space<hbm>>) dst(%arg8 : memref<32x2048xf32, #tpu.memory_space<vmem>>)
    "tpu.region"() ({
      %run_scoped3A = tpu.sem_alloc : memref<!tpu.dma_semaphore, #tpu.memory_space<semaphore_mem>>
      %dma_start3A_63 = tpu.memref_slice %arg4[%add3A_4] : memref<4096xi32, #tpu.memory_space<hbm>> -> memref<32xi32, #tpu.memory_space<hbm>>
      %dma_start3A_64 = tpu.memref_slice %arg4[%add3A_4] : memref<4096xi32, #tpu.memory_space<hbm>> -> memref<32xi32, #tpu.memory_space<hbm>>
      tpu.enqueue_dma source(%dma_start3A_64 : memref<32xi32, #tpu.memory_space<hbm>>) target(%arg7 : memref<32xi32, #tpu.memory_space<vmem>>) target_semaphore(%run_scoped3A : memref<!tpu.dma_semaphore, #tpu.memory_space<semaphore_mem>>)
      %dma_wait3A_65 = tpu.memref_slice %arg4[%add3A_4] : memref<4096xi32, #tpu.memory_space<hbm>> -> memref<32xi32, #tpu.memory_space<hbm>>
      %dma_wait3A_66 = tpu.memref_slice %arg4[%add3A_4] : memref<4096xi32, #tpu.memory_space<hbm>> -> memref<32xi32, #tpu.memory_space<hbm>>
      tpu.wait_dma2 semaphore(%run_scoped3A : memref<!tpu.dma_semaphore, #tpu.memory_space<semaphore_mem>>) src(%dma_wait3A_66 : memref<32xi32, #tpu.memory_space<hbm>>) dst(%arg7 : memref<32xi32, #tpu.memory_space<vmem>>)
      tpu.yield
    }) : () -> ()
    %dma_start3A_9 = arith.constant 0 : i32
    %dma_start3A_10 = arith.constant 0 : i32
    %dma_start3A_11 = tpu.memref_slice %arg5[%dma_start3A_9, %dma_start3A_10] : memref<4096x2048xf32, #tpu.memory_space<hbm>> -> memref<4096x2048xf32, #tpu.memory_space<hbm>>
    tpu.enqueue_indirect_dma source(%arg8 : memref<32x2048xf32, #tpu.memory_space<vmem>>) target(%dma_start3A_11 : memref<4096x2048xf32, #tpu.memory_space<hbm>>) offsets(%arg7 : memref<32xi32, #tpu.memory_space<vmem>>) semaphore(%arg9 : memref<!tpu.dma_semaphore, #tpu.memory_space<semaphore_mem>>)
    %dma_wait3A_12 = arith.constant 0 : i32
    %dma_wait3A_13 = arith.constant 0 : i32
    %dma_wait3A_14 = tpu.memref_slice %arg5[%dma_wait3A_12, %dma_wait3A_13] : memref<4096x2048xf32, #tpu.memory_space<hbm>> -> memref<4096x2048xf32, #tpu.memory_space<hbm>>
    tpu.wait_indirect_dma semaphore(%arg9 : memref<!tpu.dma_semaphore, #tpu.memory_space<semaphore_mem>>) src(%arg8 : memref<32x2048xf32, #tpu.memory_space<vmem>>) dst(%dma_wait3A_14 : memref<4096x2048xf32, #tpu.memory_space<hbm>>)
    %mul3A_15 = arith.constant 128 : i32
    %mul3A_16 = arith.muli %add3A, %mul3A_15 : i32
    %add3A_17 = arith.constant 32 : i32
    %add3A_18 = arith.addi %mul3A_16, %add3A_17 : i32
    "tpu.region"() ({
      %run_scoped3A = tpu.sem_alloc : memref<!tpu.dma_semaphore, #tpu.memory_space<semaphore_mem>>
      %dma_start3A_63 = tpu.memref_slice %arg3[%add3A_18] : memref<4096xi32, #tpu.memory_space<hbm>> -> memref<32xi32, #tpu.memory_space<hbm>>
      %dma_start3A_64 = tpu.memref_slice %arg3[%add3A_18] : memref<4096xi32, #tpu.memory_space<hbm>> -> memref<32xi32, #tpu.memory_space<hbm>>
      tpu.enqueue_dma source(%dma_start3A_64 : memref<32xi32, #tpu.memory_space<hbm>>) target(%arg6 : memref<32xi32, #tpu.memory_space<vmem>>) target_semaphore(%run_scoped3A : memref<!tpu.dma_semaphore, #tpu.memory_space<semaphore_mem>>)
      %dma_wait3A_65 = tpu.memref_slice %arg3[%add3A_18] : memref<4096xi32, #tpu.memory_space<hbm>> -> memref<32xi32, #tpu.memory_space<hbm>>
      %dma_wait3A_66 = tpu.memref_slice %arg3[%add3A_18] : memref<4096xi32, #tpu.memory_space<hbm>> -> memref<32xi32, #tpu.memory_space<hbm>>
      tpu.wait_dma2 semaphore(%run_scoped3A : memref<!tpu.dma_semaphore, #tpu.memory_space<semaphore_mem>>) src(%dma_wait3A_66 : memref<32xi32, #tpu.memory_space<hbm>>) dst(%arg6 : memref<32xi32, #tpu.memory_space<vmem>>)
      tpu.yield
    }) : () -> ()
    %dma_start3A_19 = arith.constant 0 : i32
    %dma_start3A_20 = arith.constant 0 : i32
    %dma_start3A_21 = tpu.memref_slice %arg2[%dma_start3A_19, %dma_start3A_20] : memref<12288x2048xf32, #tpu.memory_space<hbm>> -> memref<12288x2048xf32, #tpu.memory_space<hbm>>
    tpu.enqueue_indirect_dma source(%dma_start3A_21 : memref<12288x2048xf32, #tpu.memory_space<hbm>>) target(%arg8 : memref<32x2048xf32, #tpu.memory_space<vmem>>) offsets(%arg6 : memref<32xi32, #tpu.memory_space<vmem>>) semaphore(%arg9 : memref<!tpu.dma_semaphore, #tpu.memory_space<semaphore_mem>>)
    %dma_wait3A_22 = arith.constant 0 : i32
    %dma_wait3A_23 = arith.constant 0 : i32
    %dma_wait3A_24 = tpu.memref_slice %arg2[%dma_wait3A_22, %dma_wait3A_23] : memref<12288x2048xf32, #tpu.memory_space<hbm>> -> memref<12288x2048xf32, #tpu.memory_space<hbm>>
    tpu.wait_indirect_dma semaphore(%arg9 : memref<!tpu.dma_semaphore, #tpu.memory_space<semaphore_mem>>) src(%dma_wait3A_24 : memref<12288x2048xf32, #tpu.memory_space<hbm>>) dst(%arg8 : memref<32x2048xf32, #tpu.memory_space<vmem>>)
    "tpu.region"() ({
      %run_scoped3A = tpu.sem_alloc : memref<!tpu.dma_semaphore, #tpu.memory_space<semaphore_mem>>
      %dma_start3A_63 = tpu.memref_slice %arg4[%add3A_18] : memref<4096xi32, #tpu.memory_space<hbm>> -> memref<32xi32, #tpu.memory_space<hbm>>
      %dma_start3A_64 = tpu.memref_slice %arg4[%add3A_18] : memref<4096xi32, #tpu.memory_space<hbm>> -> memref<32xi32, #tpu.memory_space<hbm>>
      tpu.enqueue_dma source(%dma_start3A_64 : memref<32xi32, #tpu.memory_space<hbm>>) target(%arg7 : memref<32xi32, #tpu.memory_space<vmem>>) target_semaphore(%run_scoped3A : memref<!tpu.dma_semaphore, #tpu.memory_space<semaphore_mem>>)
      %dma_wait3A_65 = tpu.memref_slice %arg4[%add3A_18] : memref<4096xi32, #tpu.memory_space<hbm>> -> memref<32xi32, #tpu.memory_space<hbm>>
      %dma_wait3A_66 = tpu.memref_slice %arg4[%add3A_18] : memref<4096xi32, #tpu.memory_space<hbm>> -> memref<32xi32, #tpu.memory_space<hbm>>
      tpu.wait_dma2 semaphore(%run_scoped3A : memref<!tpu.dma_semaphore, #tpu.memory_space<semaphore_mem>>) src(%dma_wait3A_66 : memref<32xi32, #tpu.memory_space<hbm>>) dst(%arg7 : memref<32xi32, #tpu.memory_space<vmem>>)
      tpu.yield
    }) : () -> ()
    %dma_start3A_25 = arith.constant 0 : i32
    %dma_start3A_26 = arith.constant 0 : i32
    %dma_start3A_27 = tpu.memref_slice %arg5[%dma_start3A_25, %dma_start3A_26] : memref<4096x2048xf32, #tpu.memory_space<hbm>> -> memref<4096x2048xf32, #tpu.memory_space<hbm>>
    tpu.enqueue_indirect_dma source(%arg8 : memref<32x2048xf32, #tpu.memory_space<vmem>>) target(%dma_start3A_27 : memref<4096x2048xf32, #tpu.memory_space<hbm>>) offsets(%arg7 : memref<32xi32, #tpu.memory_space<vmem>>) semaphore(%arg9 : memref<!tpu.dma_semaphore, #tpu.memory_space<semaphore_mem>>)
    %dma_wait3A_28 = arith.constant 0 : i32
    %dma_wait3A_29 = arith.constant 0 : i32
    %dma_wait3A_30 = tpu.memref_slice %arg5[%dma_wait3A_28, %dma_wait3A_29] : memref<4096x2048xf32, #tpu.memory_space<hbm>> -> memref<4096x2048xf32, #tpu.memory_space<hbm>>
    tpu.wait_indirect_dma semaphore(%arg9 : memref<!tpu.dma_semaphore, #tpu.memory_space<semaphore_mem>>) src(%arg8 : memref<32x2048xf32, #tpu.memory_space<vmem>>) dst(%dma_wait3A_30 : memref<4096x2048xf32, #tpu.memory_space<hbm>>)
    %mul3A_31 = arith.constant 128 : i32
    %mul3A_32 = arith.muli %add3A, %mul3A_31 : i32
    %add3A_33 = arith.constant 64 : i32
    %add3A_34 = arith.addi %mul3A_32, %add3A_33 : i32
    "tpu.region"() ({
      %run_scoped3A = tpu.sem_alloc : memref<!tpu.dma_semaphore, #tpu.memory_space<semaphore_mem>>
      %dma_start3A_63 = tpu.memref_slice %arg3[%add3A_34] : memref<4096xi32, #tpu.memory_space<hbm>> -> memref<32xi32, #tpu.memory_space<hbm>>
      %dma_start3A_64 = tpu.memref_slice %arg3[%add3A_34] : memref<4096xi32, #tpu.memory_space<hbm>> -> memref<32xi32, #tpu.memory_space<hbm>>
      tpu.enqueue_dma source(%dma_start3A_64 : memref<32xi32, #tpu.memory_space<hbm>>) target(%arg6 : memref<32xi32, #tpu.memory_space<vmem>>) target_semaphore(%run_scoped3A : memref<!tpu.dma_semaphore, #tpu.memory_space<semaphore_mem>>)
      %dma_wait3A_65 = tpu.memref_slice %arg3[%add3A_34] : memref<4096xi32, #tpu.memory_space<hbm>> -> memref<32xi32, #tpu.memory_space<hbm>>
      %dma_wait3A_66 = tpu.memref_slice %arg3[%add3A_34] : memref<4096xi32, #tpu.memory_space<hbm>> -> memref<32xi32, #tpu.memory_space<hbm>>
      tpu.wait_dma2 semaphore(%run_scoped3A : memref<!tpu.dma_semaphore, #tpu.memory_space<semaphore_mem>>) src(%dma_wait3A_66 : memref<32xi32, #tpu.memory_space<hbm>>) dst(%arg6 : memref<32xi32, #tpu.memory_space<vmem>>)
      tpu.yield
    }) : () -> ()
    %dma_start3A_35 = arith.constant 0 : i32
    %dma_start3A_36 = arith.constant 0 : i32
    %dma_start3A_37 = tpu.memref_slice %arg2[%dma_start3A_35, %dma_start3A_36] : memref<12288x2048xf32, #tpu.memory_space<hbm>> -> memref<12288x2048xf32, #tpu.memory_space<hbm>>
    tpu.enqueue_indirect_dma source(%dma_start3A_37 : memref<12288x2048xf32, #tpu.memory_space<hbm>>) target(%arg8 : memref<32x2048xf32, #tpu.memory_space<vmem>>) offsets(%arg6 : memref<32xi32, #tpu.memory_space<vmem>>) semaphore(%arg9 : memref<!tpu.dma_semaphore, #tpu.memory_space<semaphore_mem>>)
    %dma_wait3A_38 = arith.constant 0 : i32
    %dma_wait3A_39 = arith.constant 0 : i32
    %dma_wait3A_40 = tpu.memref_slice %arg2[%dma_wait3A_38, %dma_wait3A_39] : memref<12288x2048xf32, #tpu.memory_space<hbm>> -> memref<12288x2048xf32, #tpu.memory_space<hbm>>
    tpu.wait_indirect_dma semaphore(%arg9 : memref<!tpu.dma_semaphore, #tpu.memory_space<semaphore_mem>>) src(%dma_wait3A_40 : memref<12288x2048xf32, #tpu.memory_space<hbm>>) dst(%arg8 : memref<32x2048xf32, #tpu.memory_space<vmem>>)
    "tpu.region"() ({
      %run_scoped3A = tpu.sem_alloc : memref<!tpu.dma_semaphore, #tpu.memory_space<semaphore_mem>>
      %dma_start3A_63 = tpu.memref_slice %arg4[%add3A_34] : memref<4096xi32, #tpu.memory_space<hbm>> -> memref<32xi32, #tpu.memory_space<hbm>>
      %dma_start3A_64 = tpu.memref_slice %arg4[%add3A_34] : memref<4096xi32, #tpu.memory_space<hbm>> -> memref<32xi32, #tpu.memory_space<hbm>>
      tpu.enqueue_dma source(%dma_start3A_64 : memref<32xi32, #tpu.memory_space<hbm>>) target(%arg7 : memref<32xi32, #tpu.memory_space<vmem>>) target_semaphore(%run_scoped3A : memref<!tpu.dma_semaphore, #tpu.memory_space<semaphore_mem>>)
      %dma_wait3A_65 = tpu.memref_slice %arg4[%add3A_34] : memref<4096xi32, #tpu.memory_space<hbm>> -> memref<32xi32, #tpu.memory_space<hbm>>
      %dma_wait3A_66 = tpu.memref_slice %arg4[%add3A_34] : memref<4096xi32, #tpu.memory_space<hbm>> -> memref<32xi32, #tpu.memory_space<hbm>>
      tpu.wait_dma2 semaphore(%run_scoped3A : memref<!tpu.dma_semaphore, #tpu.memory_space<semaphore_mem>>) src(%dma_wait3A_66 : memref<32xi32, #tpu.memory_space<hbm>>) dst(%arg7 : memref<32xi32, #tpu.memory_space<vmem>>)
      tpu.yield
    }) : () -> ()
    %dma_start3A_41 = arith.constant 0 : i32
    %dma_start3A_42 = arith.constant 0 : i32
    %dma_start3A_43 = tpu.memref_slice %arg5[%dma_start3A_41, %dma_start3A_42] : memref<4096x2048xf32, #tpu.memory_space<hbm>> -> memref<4096x2048xf32, #tpu.memory_space<hbm>>
    tpu.enqueue_indirect_dma source(%arg8 : memref<32x2048xf32, #tpu.memory_space<vmem>>) target(%dma_start3A_43 : memref<4096x2048xf32, #tpu.memory_space<hbm>>) offsets(%arg7 : memref<32xi32, #tpu.memory_space<vmem>>) semaphore(%arg9 : memref<!tpu.dma_semaphore, #tpu.memory_space<semaphore_mem>>)
    %dma_wait3A_44 = arith.constant 0 : i32
    %dma_wait3A_45 = arith.constant 0 : i32
    %dma_wait3A_46 = tpu.memref_slice %arg5[%dma_wait3A_44, %dma_wait3A_45] : memref<4096x2048xf32, #tpu.memory_space<hbm>> -> memref<4096x2048xf32, #tpu.memory_space<hbm>>
    tpu.wait_indirect_dma semaphore(%arg9 : memref<!tpu.dma_semaphore, #tpu.memory_space<semaphore_mem>>) src(%arg8 : memref<32x2048xf32, #tpu.memory_space<vmem>>) dst(%dma_wait3A_46 : memref<4096x2048xf32, #tpu.memory_space<hbm>>)
    %mul3A_47 = arith.constant 128 : i32
    %mul3A_48 = arith.muli %add3A, %mul3A_47 : i32
    %add3A_49 = arith.constant 96 : i32
    %add3A_50 = arith.addi %mul3A_48, %add3A_49 : i32
    "tpu.region"() ({
      %run_scoped3A = tpu.sem_alloc : memref<!tpu.dma_semaphore, #tpu.memory_space<semaphore_mem>>
      %dma_start3A_63 = tpu.memref_slice %arg3[%add3A_50] : memref<4096xi32, #tpu.memory_space<hbm>> -> memref<32xi32, #tpu.memory_space<hbm>>
      %dma_start3A_64 = tpu.memref_slice %arg3[%add3A_50] : memref<4096xi32, #tpu.memory_space<hbm>> -> memref<32xi32, #tpu.memory_space<hbm>>
      tpu.enqueue_dma source(%dma_start3A_64 : memref<32xi32, #tpu.memory_space<hbm>>) target(%arg6 : memref<32xi32, #tpu.memory_space<vmem>>) target_semaphore(%run_scoped3A : memref<!tpu.dma_semaphore, #tpu.memory_space<semaphore_mem>>)
      %dma_wait3A_65 = tpu.memref_slice %arg3[%add3A_50] : memref<4096xi32, #tpu.memory_space<hbm>> -> memref<32xi32, #tpu.memory_space<hbm>>
      %dma_wait3A_66 = tpu.memref_slice %arg3[%add3A_50] : memref<4096xi32, #tpu.memory_space<hbm>> -> memref<32xi32, #tpu.memory_space<hbm>>
      tpu.wait_dma2 semaphore(%run_scoped3A : memref<!tpu.dma_semaphore, #tpu.memory_space<semaphore_mem>>) src(%dma_wait3A_66 : memref<32xi32, #tpu.memory_space<hbm>>) dst(%arg6 : memref<32xi32, #tpu.memory_space<vmem>>)
      tpu.yield
    }) : () -> ()
    %dma_start3A_51 = arith.constant 0 : i32
    %dma_start3A_52 = arith.constant 0 : i32
    %dma_start3A_53 = tpu.memref_slice %arg2[%dma_start3A_51, %dma_start3A_52] : memref<12288x2048xf32, #tpu.memory_space<hbm>> -> memref<12288x2048xf32, #tpu.memory_space<hbm>>
    tpu.enqueue_indirect_dma source(%dma_start3A_53 : memref<12288x2048xf32, #tpu.memory_space<hbm>>) target(%arg8 : memref<32x2048xf32, #tpu.memory_space<vmem>>) offsets(%arg6 : memref<32xi32, #tpu.memory_space<vmem>>) semaphore(%arg9 : memref<!tpu.dma_semaphore, #tpu.memory_space<semaphore_mem>>)
    %dma_wait3A_54 = arith.constant 0 : i32
    %dma_wait3A_55 = arith.constant 0 : i32
    %dma_wait3A_56 = tpu.memref_slice %arg2[%dma_wait3A_54, %dma_wait3A_55] : memref<12288x2048xf32, #tpu.memory_space<hbm>> -> memref<12288x2048xf32, #tpu.memory_space<hbm>>
    tpu.wait_indirect_dma semaphore(%arg9 : memref<!tpu.dma_semaphore, #tpu.memory_space<semaphore_mem>>) src(%dma_wait3A_56 : memref<12288x2048xf32, #tpu.memory_space<hbm>>) dst(%arg8 : memref<32x2048xf32, #tpu.memory_space<vmem>>)
    "tpu.region"() ({
      %run_scoped3A = tpu.sem_alloc : memref<!tpu.dma_semaphore, #tpu.memory_space<semaphore_mem>>
      %dma_start3A_63 = tpu.memref_slice %arg4[%add3A_50] : memref<4096xi32, #tpu.memory_space<hbm>> -> memref<32xi32, #tpu.memory_space<hbm>>
      %dma_start3A_64 = tpu.memref_slice %arg4[%add3A_50] : memref<4096xi32, #tpu.memory_space<hbm>> -> memref<32xi32, #tpu.memory_space<hbm>>
      tpu.enqueue_dma source(%dma_start3A_64 : memref<32xi32, #tpu.memory_space<hbm>>) target(%arg7 : memref<32xi32, #tpu.memory_space<vmem>>) target_semaphore(%run_scoped3A : memref<!tpu.dma_semaphore, #tpu.memory_space<semaphore_mem>>)
      %dma_wait3A_65 = tpu.memref_slice %arg4[%add3A_50] : memref<4096xi32, #tpu.memory_space<hbm>> -> memref<32xi32, #tpu.memory_space<hbm>>
      %dma_wait3A_66 = tpu.memref_slice %arg4[%add3A_50] : memref<4096xi32, #tpu.memory_space<hbm>> -> memref<32xi32, #tpu.memory_space<hbm>>
      tpu.wait_dma2 semaphore(%run_scoped3A : memref<!tpu.dma_semaphore, #tpu.memory_space<semaphore_mem>>) src(%dma_wait3A_66 : memref<32xi32, #tpu.memory_space<hbm>>) dst(%arg7 : memref<32xi32, #tpu.memory_space<vmem>>)
      tpu.yield
    }) : () -> ()
    %dma_start3A_57 = arith.constant 0 : i32
    %dma_start3A_58 = arith.constant 0 : i32
    %dma_start3A_59 = tpu.memref_slice %arg5[%dma_start3A_57, %dma_start3A_58] : memref<4096x2048xf32, #tpu.memory_space<hbm>> -> memref<4096x2048xf32, #tpu.memory_space<hbm>>
    tpu.enqueue_indirect_dma source(%arg8 : memref<32x2048xf32, #tpu.memory_space<vmem>>) target(%dma_start3A_59 : memref<4096x2048xf32, #tpu.memory_space<hbm>>) offsets(%arg7 : memref<32xi32, #tpu.memory_space<vmem>>) semaphore(%arg9 : memref<!tpu.dma_semaphore, #tpu.memory_space<semaphore_mem>>)
    %dma_wait3A_60 = arith.constant 0 : i32
    %dma_wait3A_61 = arith.constant 0 : i32
    %dma_wait3A_62 = tpu.memref_slice %arg5[%dma_wait3A_60, %dma_wait3A_61] : memref<4096x2048xf32, #tpu.memory_space<hbm>> -> memref<4096x2048xf32, #tpu.memory_space<hbm>>
    tpu.wait_indirect_dma semaphore(%arg9 : memref<!tpu.dma_semaphore, #tpu.memory_space<semaphore_mem>>) src(%arg8 : memref<32x2048xf32, #tpu.memory_space<vmem>>) dst(%dma_wait3A_62 : memref<4096x2048xf32, #tpu.memory_space<hbm>>)
    return
  }
}

#map = affine_map<(d0, d1) -> (0, 0)>
#map1 = affine_map<(d0, d1) -> (0)>
module attributes {stable_mosaic.version = 14 : i64} {
  func.func @_body(%arg0: i32, %arg1: i32, %arg2: memref<2048x2048xf32, #tpu.memory_space<hbm>>, %arg3: memref<4096xi32, #tpu.memory_space<hbm>>, %arg4: memref<4096xi32, #tpu.memory_space<hbm>>, %arg5: memref<12288x2048xf32, #tpu.memory_space<hbm>>, %arg6: memref<32xi32, #tpu.memory_space<vmem>>, %arg7: memref<32xi32, #tpu.memory_space<vmem>>, %arg8: memref<32x2048xf32, #tpu.memory_space<vmem>>, %arg9: memref<!tpu.dma_semaphore, #tpu.memory_space<semaphore_mem>>) attributes {dimension_semantics = [#tpu.dimension_semantics<core_parallel>, #tpu.dimension_semantics<subcore_parallel>], iteration_bounds = array<i64: 2, 16>, scalar_prefetch = 0 : i64, scratch_operands = 4 : i64, tpu.core_type = #tpu.core_type<sc_vector_subcore>, window_params = [{transform_indices = #map}, {transform_indices = #map1}, {transform_indices = #map1}, {transform_indices = #map}]} {
    %mul3A = arith.constant 2 : i32
    %mul3A_0 = arith.muli %arg1, %mul3A : i32
    %add3A = arith.addi %mul3A_0, %arg0 : i32
    %mul3A_1 = arith.constant 128 : i32
    %mul3A_2 = arith.muli %add3A, %mul3A_1 : i32
    %add3A_3 = arith.constant 0 : i32
    %add3A_4 = arith.addi %mul3A_2, %add3A_3 : i32
    "tpu.region"() ({
      %run_scoped3A = tpu.sem_alloc : memref<!tpu.dma_semaphore, #tpu.memory_space<semaphore_mem>>
      %dma_start3A_63 = tpu.memref_slice %arg3[%add3A_4] : memref<4096xi32, #tpu.memory_space<hbm>> -> memref<32xi32, #tpu.memory_space<hbm>>
      %dma_start3A_64 = tpu.memref_slice %arg3[%add3A_4] : memref<4096xi32, #tpu.memory_space<hbm>> -> memref<32xi32, #tpu.memory_space<hbm>>
      tpu.enqueue_dma source(%dma_start3A_64 : memref<32xi32, #tpu.memory_space<hbm>>) target(%arg6 : memref<32xi32, #tpu.memory_space<vmem>>) target_semaphore(%run_scoped3A : memref<!tpu.dma_semaphore, #tpu.memory_space<semaphore_mem>>)
      %dma_wait3A_65 = tpu.memref_slice %arg3[%add3A_4] : memref<4096xi32, #tpu.memory_space<hbm>> -> memref<32xi32, #tpu.memory_space<hbm>>
      %dma_wait3A_66 = tpu.memref_slice %arg3[%add3A_4] : memref<4096xi32, #tpu.memory_space<hbm>> -> memref<32xi32, #tpu.memory_space<hbm>>
      tpu.wait_dma2 semaphore(%run_scoped3A : memref<!tpu.dma_semaphore, #tpu.memory_space<semaphore_mem>>) src(%dma_wait3A_66 : memref<32xi32, #tpu.memory_space<hbm>>) dst(%arg6 : memref<32xi32, #tpu.memory_space<vmem>>)
      tpu.yield
    }) : () -> ()
    %dma_start3A = arith.constant 0 : i32
    %dma_start3A_5 = arith.constant 0 : i32
    %dma_start3A_6 = tpu.memref_slice %arg2[%dma_start3A, %dma_start3A_5] : memref<2048x2048xf32, #tpu.memory_space<hbm>> -> memref<2048x2048xf32, #tpu.memory_space<hbm>>
    tpu.enqueue_indirect_dma source(%dma_start3A_6 : memref<2048x2048xf32, #tpu.memory_space<hbm>>) target(%arg8 : memref<32x2048xf32, #tpu.memory_space<vmem>>) offsets(%arg6 : memref<32xi32, #tpu.memory_space<vmem>>) semaphore(%arg9 : memref<!tpu.dma_semaphore, #tpu.memory_space<semaphore_mem>>)
    %dma_wait3A = arith.constant 0 : i32
    %dma_wait3A_7 = arith.constant 0 : i32
    %dma_wait3A_8 = tpu.memref_slice %arg2[%dma_wait3A, %dma_wait3A_7] : memref<2048x2048xf32, #tpu.memory_space<hbm>> -> memref<2048x2048xf32, #tpu.memory_space<hbm>>
    tpu.wait_indirect_dma semaphore(%arg9 : memref<!tpu.dma_semaphore, #tpu.memory_space<semaphore_mem>>) src(%dma_wait3A_8 : memref<2048x2048xf32, #tpu.memory_space<hbm>>) dst(%arg8 : memref<32x2048xf32, #tpu.memory_space<vmem>>)
    "tpu.region"() ({
      %run_scoped3A = tpu.sem_alloc : memref<!tpu.dma_semaphore, #tpu.memory_space<semaphore_mem>>
      %dma_start3A_63 = tpu.memref_slice %arg4[%add3A_4] : memref<4096xi32, #tpu.memory_space<hbm>> -> memref<32xi32, #tpu.memory_space<hbm>>
      %dma_start3A_64 = tpu.memref_slice %arg4[%add3A_4] : memref<4096xi32, #tpu.memory_space<hbm>> -> memref<32xi32, #tpu.memory_space<hbm>>
      tpu.enqueue_dma source(%dma_start3A_64 : memref<32xi32, #tpu.memory_space<hbm>>) target(%arg7 : memref<32xi32, #tpu.memory_space<vmem>>) target_semaphore(%run_scoped3A : memref<!tpu.dma_semaphore, #tpu.memory_space<semaphore_mem>>)
      %dma_wait3A_65 = tpu.memref_slice %arg4[%add3A_4] : memref<4096xi32, #tpu.memory_space<hbm>> -> memref<32xi32, #tpu.memory_space<hbm>>
      %dma_wait3A_66 = tpu.memref_slice %arg4[%add3A_4] : memref<4096xi32, #tpu.memory_space<hbm>> -> memref<32xi32, #tpu.memory_space<hbm>>
      tpu.wait_dma2 semaphore(%run_scoped3A : memref<!tpu.dma_semaphore, #tpu.memory_space<semaphore_mem>>) src(%dma_wait3A_66 : memref<32xi32, #tpu.memory_space<hbm>>) dst(%arg7 : memref<32xi32, #tpu.memory_space<vmem>>)
      tpu.yield
    }) : () -> ()
    %dma_start3A_9 = arith.constant 0 : i32
    %dma_start3A_10 = arith.constant 0 : i32
    %dma_start3A_11 = tpu.memref_slice %arg5[%dma_start3A_9, %dma_start3A_10] : memref<12288x2048xf32, #tpu.memory_space<hbm>> -> memref<12288x2048xf32, #tpu.memory_space<hbm>>
    tpu.enqueue_indirect_dma source(%arg8 : memref<32x2048xf32, #tpu.memory_space<vmem>>) target(%dma_start3A_11 : memref<12288x2048xf32, #tpu.memory_space<hbm>>) offsets(%arg7 : memref<32xi32, #tpu.memory_space<vmem>>) semaphore(%arg9 : memref<!tpu.dma_semaphore, #tpu.memory_space<semaphore_mem>>)
    %dma_wait3A_12 = arith.constant 0 : i32
    %dma_wait3A_13 = arith.constant 0 : i32
    %dma_wait3A_14 = tpu.memref_slice %arg5[%dma_wait3A_12, %dma_wait3A_13] : memref<12288x2048xf32, #tpu.memory_space<hbm>> -> memref<12288x2048xf32, #tpu.memory_space<hbm>>
    tpu.wait_indirect_dma semaphore(%arg9 : memref<!tpu.dma_semaphore, #tpu.memory_space<semaphore_mem>>) src(%arg8 : memref<32x2048xf32, #tpu.memory_space<vmem>>) dst(%dma_wait3A_14 : memref<12288x2048xf32, #tpu.memory_space<hbm>>)
    %mul3A_15 = arith.constant 128 : i32
    %mul3A_16 = arith.muli %add3A, %mul3A_15 : i32
    %add3A_17 = arith.constant 32 : i32
    %add3A_18 = arith.addi %mul3A_16, %add3A_17 : i32
    "tpu.region"() ({
      %run_scoped3A = tpu.sem_alloc : memref<!tpu.dma_semaphore, #tpu.memory_space<semaphore_mem>>
      %dma_start3A_63 = tpu.memref_slice %arg3[%add3A_18] : memref<4096xi32, #tpu.memory_space<hbm>> -> memref<32xi32, #tpu.memory_space<hbm>>
      %dma_start3A_64 = tpu.memref_slice %arg3[%add3A_18] : memref<4096xi32, #tpu.memory_space<hbm>> -> memref<32xi32, #tpu.memory_space<hbm>>
      tpu.enqueue_dma source(%dma_start3A_64 : memref<32xi32, #tpu.memory_space<hbm>>) target(%arg6 : memref<32xi32, #tpu.memory_space<vmem>>) target_semaphore(%run_scoped3A : memref<!tpu.dma_semaphore, #tpu.memory_space<semaphore_mem>>)
      %dma_wait3A_65 = tpu.memref_slice %arg3[%add3A_18] : memref<4096xi32, #tpu.memory_space<hbm>> -> memref<32xi32, #tpu.memory_space<hbm>>
      %dma_wait3A_66 = tpu.memref_slice %arg3[%add3A_18] : memref<4096xi32, #tpu.memory_space<hbm>> -> memref<32xi32, #tpu.memory_space<hbm>>
      tpu.wait_dma2 semaphore(%run_scoped3A : memref<!tpu.dma_semaphore, #tpu.memory_space<semaphore_mem>>) src(%dma_wait3A_66 : memref<32xi32, #tpu.memory_space<hbm>>) dst(%arg6 : memref<32xi32, #tpu.memory_space<vmem>>)
      tpu.yield
    }) : () -> ()
    %dma_start3A_19 = arith.constant 0 : i32
    %dma_start3A_20 = arith.constant 0 : i32
    %dma_start3A_21 = tpu.memref_slice %arg2[%dma_start3A_19, %dma_start3A_20] : memref<2048x2048xf32, #tpu.memory_space<hbm>> -> memref<2048x2048xf32, #tpu.memory_space<hbm>>
    tpu.enqueue_indirect_dma source(%dma_start3A_21 : memref<2048x2048xf32, #tpu.memory_space<hbm>>) target(%arg8 : memref<32x2048xf32, #tpu.memory_space<vmem>>) offsets(%arg6 : memref<32xi32, #tpu.memory_space<vmem>>) semaphore(%arg9 : memref<!tpu.dma_semaphore, #tpu.memory_space<semaphore_mem>>)
    %dma_wait3A_22 = arith.constant 0 : i32
    %dma_wait3A_23 = arith.constant 0 : i32
    %dma_wait3A_24 = tpu.memref_slice %arg2[%dma_wait3A_22, %dma_wait3A_23] : memref<2048x2048xf32, #tpu.memory_space<hbm>> -> memref<2048x2048xf32, #tpu.memory_space<hbm>>
    tpu.wait_indirect_dma semaphore(%arg9 : memref<!tpu.dma_semaphore, #tpu.memory_space<semaphore_mem>>) src(%dma_wait3A_24 : memref<2048x2048xf32, #tpu.memory_space<hbm>>) dst(%arg8 : memref<32x2048xf32, #tpu.memory_space<vmem>>)
    "tpu.region"() ({
      %run_scoped3A = tpu.sem_alloc : memref<!tpu.dma_semaphore, #tpu.memory_space<semaphore_mem>>
      %dma_start3A_63 = tpu.memref_slice %arg4[%add3A_18] : memref<4096xi32, #tpu.memory_space<hbm>> -> memref<32xi32, #tpu.memory_space<hbm>>
      %dma_start3A_64 = tpu.memref_slice %arg4[%add3A_18] : memref<4096xi32, #tpu.memory_space<hbm>> -> memref<32xi32, #tpu.memory_space<hbm>>
      tpu.enqueue_dma source(%dma_start3A_64 : memref<32xi32, #tpu.memory_space<hbm>>) target(%arg7 : memref<32xi32, #tpu.memory_space<vmem>>) target_semaphore(%run_scoped3A : memref<!tpu.dma_semaphore, #tpu.memory_space<semaphore_mem>>)
      %dma_wait3A_65 = tpu.memref_slice %arg4[%add3A_18] : memref<4096xi32, #tpu.memory_space<hbm>> -> memref<32xi32, #tpu.memory_space<hbm>>
      %dma_wait3A_66 = tpu.memref_slice %arg4[%add3A_18] : memref<4096xi32, #tpu.memory_space<hbm>> -> memref<32xi32, #tpu.memory_space<hbm>>
      tpu.wait_dma2 semaphore(%run_scoped3A : memref<!tpu.dma_semaphore, #tpu.memory_space<semaphore_mem>>) src(%dma_wait3A_66 : memref<32xi32, #tpu.memory_space<hbm>>) dst(%arg7 : memref<32xi32, #tpu.memory_space<vmem>>)
      tpu.yield
    }) : () -> ()
    %dma_start3A_25 = arith.constant 0 : i32
    %dma_start3A_26 = arith.constant 0 : i32
    %dma_start3A_27 = tpu.memref_slice %arg5[%dma_start3A_25, %dma_start3A_26] : memref<12288x2048xf32, #tpu.memory_space<hbm>> -> memref<12288x2048xf32, #tpu.memory_space<hbm>>
    tpu.enqueue_indirect_dma source(%arg8 : memref<32x2048xf32, #tpu.memory_space<vmem>>) target(%dma_start3A_27 : memref<12288x2048xf32, #tpu.memory_space<hbm>>) offsets(%arg7 : memref<32xi32, #tpu.memory_space<vmem>>) semaphore(%arg9 : memref<!tpu.dma_semaphore, #tpu.memory_space<semaphore_mem>>)
    %dma_wait3A_28 = arith.constant 0 : i32
    %dma_wait3A_29 = arith.constant 0 : i32
    %dma_wait3A_30 = tpu.memref_slice %arg5[%dma_wait3A_28, %dma_wait3A_29] : memref<12288x2048xf32, #tpu.memory_space<hbm>> -> memref<12288x2048xf32, #tpu.memory_space<hbm>>
    tpu.wait_indirect_dma semaphore(%arg9 : memref<!tpu.dma_semaphore, #tpu.memory_space<semaphore_mem>>) src(%arg8 : memref<32x2048xf32, #tpu.memory_space<vmem>>) dst(%dma_wait3A_30 : memref<12288x2048xf32, #tpu.memory_space<hbm>>)
    %mul3A_31 = arith.constant 128 : i32
    %mul3A_32 = arith.muli %add3A, %mul3A_31 : i32
    %add3A_33 = arith.constant 64 : i32
    %add3A_34 = arith.addi %mul3A_32, %add3A_33 : i32
    "tpu.region"() ({
      %run_scoped3A = tpu.sem_alloc : memref<!tpu.dma_semaphore, #tpu.memory_space<semaphore_mem>>
      %dma_start3A_63 = tpu.memref_slice %arg3[%add3A_34] : memref<4096xi32, #tpu.memory_space<hbm>> -> memref<32xi32, #tpu.memory_space<hbm>>
      %dma_start3A_64 = tpu.memref_slice %arg3[%add3A_34] : memref<4096xi32, #tpu.memory_space<hbm>> -> memref<32xi32, #tpu.memory_space<hbm>>
      tpu.enqueue_dma source(%dma_start3A_64 : memref<32xi32, #tpu.memory_space<hbm>>) target(%arg6 : memref<32xi32, #tpu.memory_space<vmem>>) target_semaphore(%run_scoped3A : memref<!tpu.dma_semaphore, #tpu.memory_space<semaphore_mem>>)
      %dma_wait3A_65 = tpu.memref_slice %arg3[%add3A_34] : memref<4096xi32, #tpu.memory_space<hbm>> -> memref<32xi32, #tpu.memory_space<hbm>>
      %dma_wait3A_66 = tpu.memref_slice %arg3[%add3A_34] : memref<4096xi32, #tpu.memory_space<hbm>> -> memref<32xi32, #tpu.memory_space<hbm>>
      tpu.wait_dma2 semaphore(%run_scoped3A : memref<!tpu.dma_semaphore, #tpu.memory_space<semaphore_mem>>) src(%dma_wait3A_66 : memref<32xi32, #tpu.memory_space<hbm>>) dst(%arg6 : memref<32xi32, #tpu.memory_space<vmem>>)
      tpu.yield
    }) : () -> ()
    %dma_start3A_35 = arith.constant 0 : i32
    %dma_start3A_36 = arith.constant 0 : i32
    %dma_start3A_37 = tpu.memref_slice %arg2[%dma_start3A_35, %dma_start3A_36] : memref<2048x2048xf32, #tpu.memory_space<hbm>> -> memref<2048x2048xf32, #tpu.memory_space<hbm>>
    tpu.enqueue_indirect_dma source(%dma_start3A_37 : memref<2048x2048xf32, #tpu.memory_space<hbm>>) target(%arg8 : memref<32x2048xf32, #tpu.memory_space<vmem>>) offsets(%arg6 : memref<32xi32, #tpu.memory_space<vmem>>) semaphore(%arg9 : memref<!tpu.dma_semaphore, #tpu.memory_space<semaphore_mem>>)
    %dma_wait3A_38 = arith.constant 0 : i32
    %dma_wait3A_39 = arith.constant 0 : i32
    %dma_wait3A_40 = tpu.memref_slice %arg2[%dma_wait3A_38, %dma_wait3A_39] : memref<2048x2048xf32, #tpu.memory_space<hbm>> -> memref<2048x2048xf32, #tpu.memory_space<hbm>>
    tpu.wait_indirect_dma semaphore(%arg9 : memref<!tpu.dma_semaphore, #tpu.memory_space<semaphore_mem>>) src(%dma_wait3A_40 : memref<2048x2048xf32, #tpu.memory_space<hbm>>) dst(%arg8 : memref<32x2048xf32, #tpu.memory_space<vmem>>)
    "tpu.region"() ({
      %run_scoped3A = tpu.sem_alloc : memref<!tpu.dma_semaphore, #tpu.memory_space<semaphore_mem>>
      %dma_start3A_63 = tpu.memref_slice %arg4[%add3A_34] : memref<4096xi32, #tpu.memory_space<hbm>> -> memref<32xi32, #tpu.memory_space<hbm>>
      %dma_start3A_64 = tpu.memref_slice %arg4[%add3A_34] : memref<4096xi32, #tpu.memory_space<hbm>> -> memref<32xi32, #tpu.memory_space<hbm>>
      tpu.enqueue_dma source(%dma_start3A_64 : memref<32xi32, #tpu.memory_space<hbm>>) target(%arg7 : memref<32xi32, #tpu.memory_space<vmem>>) target_semaphore(%run_scoped3A : memref<!tpu.dma_semaphore, #tpu.memory_space<semaphore_mem>>)
      %dma_wait3A_65 = tpu.memref_slice %arg4[%add3A_34] : memref<4096xi32, #tpu.memory_space<hbm>> -> memref<32xi32, #tpu.memory_space<hbm>>
      %dma_wait3A_66 = tpu.memref_slice %arg4[%add3A_34] : memref<4096xi32, #tpu.memory_space<hbm>> -> memref<32xi32, #tpu.memory_space<hbm>>
      tpu.wait_dma2 semaphore(%run_scoped3A : memref<!tpu.dma_semaphore, #tpu.memory_space<semaphore_mem>>) src(%dma_wait3A_66 : memref<32xi32, #tpu.memory_space<hbm>>) dst(%arg7 : memref<32xi32, #tpu.memory_space<vmem>>)
      tpu.yield
    }) : () -> ()
    %dma_start3A_41 = arith.constant 0 : i32
    %dma_start3A_42 = arith.constant 0 : i32
    %dma_start3A_43 = tpu.memref_slice %arg5[%dma_start3A_41, %dma_start3A_42] : memref<12288x2048xf32, #tpu.memory_space<hbm>> -> memref<12288x2048xf32, #tpu.memory_space<hbm>>
    tpu.enqueue_indirect_dma source(%arg8 : memref<32x2048xf32, #tpu.memory_space<vmem>>) target(%dma_start3A_43 : memref<12288x2048xf32, #tpu.memory_space<hbm>>) offsets(%arg7 : memref<32xi32, #tpu.memory_space<vmem>>) semaphore(%arg9 : memref<!tpu.dma_semaphore, #tpu.memory_space<semaphore_mem>>)
    %dma_wait3A_44 = arith.constant 0 : i32
    %dma_wait3A_45 = arith.constant 0 : i32
    %dma_wait3A_46 = tpu.memref_slice %arg5[%dma_wait3A_44, %dma_wait3A_45] : memref<12288x2048xf32, #tpu.memory_space<hbm>> -> memref<12288x2048xf32, #tpu.memory_space<hbm>>
    tpu.wait_indirect_dma semaphore(%arg9 : memref<!tpu.dma_semaphore, #tpu.memory_space<semaphore_mem>>) src(%arg8 : memref<32x2048xf32, #tpu.memory_space<vmem>>) dst(%dma_wait3A_46 : memref<12288x2048xf32, #tpu.memory_space<hbm>>)
    %mul3A_47 = arith.constant 128 : i32
    %mul3A_48 = arith.muli %add3A, %mul3A_47 : i32
    %add3A_49 = arith.constant 96 : i32
    %add3A_50 = arith.addi %mul3A_48, %add3A_49 : i32
    "tpu.region"() ({
      %run_scoped3A = tpu.sem_alloc : memref<!tpu.dma_semaphore, #tpu.memory_space<semaphore_mem>>
      %dma_start3A_63 = tpu.memref_slice %arg3[%add3A_50] : memref<4096xi32, #tpu.memory_space<hbm>> -> memref<32xi32, #tpu.memory_space<hbm>>
      %dma_start3A_64 = tpu.memref_slice %arg3[%add3A_50] : memref<4096xi32, #tpu.memory_space<hbm>> -> memref<32xi32, #tpu.memory_space<hbm>>
      tpu.enqueue_dma source(%dma_start3A_64 : memref<32xi32, #tpu.memory_space<hbm>>) target(%arg6 : memref<32xi32, #tpu.memory_space<vmem>>) target_semaphore(%run_scoped3A : memref<!tpu.dma_semaphore, #tpu.memory_space<semaphore_mem>>)
      %dma_wait3A_65 = tpu.memref_slice %arg3[%add3A_50] : memref<4096xi32, #tpu.memory_space<hbm>> -> memref<32xi32, #tpu.memory_space<hbm>>
      %dma_wait3A_66 = tpu.memref_slice %arg3[%add3A_50] : memref<4096xi32, #tpu.memory_space<hbm>> -> memref<32xi32, #tpu.memory_space<hbm>>
      tpu.wait_dma2 semaphore(%run_scoped3A : memref<!tpu.dma_semaphore, #tpu.memory_space<semaphore_mem>>) src(%dma_wait3A_66 : memref<32xi32, #tpu.memory_space<hbm>>) dst(%arg6 : memref<32xi32, #tpu.memory_space<vmem>>)
      tpu.yield
    }) : () -> ()
    %dma_start3A_51 = arith.constant 0 : i32
    %dma_start3A_52 = arith.constant 0 : i32
    %dma_start3A_53 = tpu.memref_slice %arg2[%dma_start3A_51, %dma_start3A_52] : memref<2048x2048xf32, #tpu.memory_space<hbm>> -> memref<2048x2048xf32, #tpu.memory_space<hbm>>
    tpu.enqueue_indirect_dma source(%dma_start3A_53 : memref<2048x2048xf32, #tpu.memory_space<hbm>>) target(%arg8 : memref<32x2048xf32, #tpu.memory_space<vmem>>) offsets(%arg6 : memref<32xi32, #tpu.memory_space<vmem>>) semaphore(%arg9 : memref<!tpu.dma_semaphore, #tpu.memory_space<semaphore_mem>>)
    %dma_wait3A_54 = arith.constant 0 : i32
    %dma_wait3A_55 = arith.constant 0 : i32
    %dma_wait3A_56 = tpu.memref_slice %arg2[%dma_wait3A_54, %dma_wait3A_55] : memref<2048x2048xf32, #tpu.memory_space<hbm>> -> memref<2048x2048xf32, #tpu.memory_space<hbm>>
    tpu.wait_indirect_dma semaphore(%arg9 : memref<!tpu.dma_semaphore, #tpu.memory_space<semaphore_mem>>) src(%dma_wait3A_56 : memref<2048x2048xf32, #tpu.memory_space<hbm>>) dst(%arg8 : memref<32x2048xf32, #tpu.memory_space<vmem>>)
    "tpu.region"() ({
      %run_scoped3A = tpu.sem_alloc : memref<!tpu.dma_semaphore, #tpu.memory_space<semaphore_mem>>
      %dma_start3A_63 = tpu.memref_slice %arg4[%add3A_50] : memref<4096xi32, #tpu.memory_space<hbm>> -> memref<32xi32, #tpu.memory_space<hbm>>
      %dma_start3A_64 = tpu.memref_slice %arg4[%add3A_50] : memref<4096xi32, #tpu.memory_space<hbm>> -> memref<32xi32, #tpu.memory_space<hbm>>
      tpu.enqueue_dma source(%dma_start3A_64 : memref<32xi32, #tpu.memory_space<hbm>>) target(%arg7 : memref<32xi32, #tpu.memory_space<vmem>>) target_semaphore(%run_scoped3A : memref<!tpu.dma_semaphore, #tpu.memory_space<semaphore_mem>>)
      %dma_wait3A_65 = tpu.memref_slice %arg4[%add3A_50] : memref<4096xi32, #tpu.memory_space<hbm>> -> memref<32xi32, #tpu.memory_space<hbm>>
      %dma_wait3A_66 = tpu.memref_slice %arg4[%add3A_50] : memref<4096xi32, #tpu.memory_space<hbm>> -> memref<32xi32, #tpu.memory_space<hbm>>
      tpu.wait_dma2 semaphore(%run_scoped3A : memref<!tpu.dma_semaphore, #tpu.memory_space<semaphore_mem>>) src(%dma_wait3A_66 : memref<32xi32, #tpu.memory_space<hbm>>) dst(%arg7 : memref<32xi32, #tpu.memory_space<vmem>>)
      tpu.yield
    }) : () -> ()
    %dma_start3A_57 = arith.constant 0 : i32
    %dma_start3A_58 = arith.constant 0 : i32
    %dma_start3A_59 = tpu.memref_slice %arg5[%dma_start3A_57, %dma_start3A_58] : memref<12288x2048xf32, #tpu.memory_space<hbm>> -> memref<12288x2048xf32, #tpu.memory_space<hbm>>
    tpu.enqueue_indirect_dma source(%arg8 : memref<32x2048xf32, #tpu.memory_space<vmem>>) target(%dma_start3A_59 : memref<12288x2048xf32, #tpu.memory_space<hbm>>) offsets(%arg7 : memref<32xi32, #tpu.memory_space<vmem>>) semaphore(%arg9 : memref<!tpu.dma_semaphore, #tpu.memory_space<semaphore_mem>>)
    %dma_wait3A_60 = arith.constant 0 : i32
    %dma_wait3A_61 = arith.constant 0 : i32
    %dma_wait3A_62 = tpu.memref_slice %arg5[%dma_wait3A_60, %dma_wait3A_61] : memref<12288x2048xf32, #tpu.memory_space<hbm>> -> memref<12288x2048xf32, #tpu.memory_space<hbm>>
    tpu.wait_indirect_dma semaphore(%arg9 : memref<!tpu.dma_semaphore, #tpu.memory_space<semaphore_mem>>) src(%arg8 : memref<32x2048xf32, #tpu.memory_space<vmem>>) dst(%dma_wait3A_62 : memref<12288x2048xf32, #tpu.memory_space<hbm>>)
    return
  }
}

module attributes {stable_mosaic.version = 14 : i64} {
  func.func @_ffn_body(%arg0: i32, %arg1: i32, %arg2: memref<96xi32, #tpu.memory_space<smem>>, %arg3: memref<128x2048xf32, #tpu.memory_space<vmem>>, %arg4: memref<1x128x2048xf32, #tpu.memory_space<vmem>>, %arg5: memref<1x128x2048xf32, #tpu.memory_space<vmem>>, %arg6: memref<1x2048x128xf32, #tpu.memory_space<vmem>>, %arg7: memref<1x1x1408xf32, #tpu.memory_space<vmem>>, %arg8: memref<1x1x1408xf32, #tpu.memory_space<vmem>>, %arg9: memref<1x1x2048xf32, #tpu.memory_space<vmem>>, %arg10: memref<128x1xf32, #tpu.memory_space<vmem>>, %arg11: memref<128x2048xf32, #tpu.memory_space<vmem>>, %arg12: memref<128x2048xf32, #tpu.memory_space<vmem>>) attributes {dimension_semantics = [#tpu.dimension_semantics<arbitrary>, #tpu.dimension_semantics<arbitrary>], iteration_bounds = array<i64: -9223372036854775808, 11>, scalar_prefetch = 1 : i64, scratch_operands = 1 : i64, tpu.core_type = #tpu.core_type<tc>, window_params = [{transform_indices = @transform_0, window_bounds = array<i64: 128, 2048>}, {transform_indices = @transform_1, window_bounds = array<i64: 1, 128, 2048>}, {transform_indices = @transform_2, window_bounds = array<i64: 1, 128, 2048>}, {transform_indices = @transform_3, window_bounds = array<i64: 1, 2048, 128>}, {transform_indices = @transform_4, window_bounds = array<i64: 1, 1, 1408>}, {transform_indices = @transform_5, window_bounds = array<i64: 1, 1, 1408>}, {transform_indices = @transform_6, window_bounds = array<i64: 1, 1, 2048>}, {transform_indices = @transform_7, window_bounds = array<i64: 128, 1>}, {transform_indices = @transform_8, window_bounds = array<i64: 128, 2048>}]} {
    %get3A = arith.constant 0 : index
    %get3A_0 = arith.constant 0 : index
    %get3A_1 = vector.load %arg3[%get3A, %get3A_0] : memref<128x2048xf32, #tpu.memory_space<vmem>>, vector<128x2048xf32>
    %get3A_2 = arith.constant 0 : index
    %get3A_3 = arith.constant 0 : index
    %get3A_4 = arith.constant 0 : index
    %get3A_5 = vector.load %arg4[%get3A_2, %get3A_3, %get3A_4] : memref<1x128x2048xf32, #tpu.memory_space<vmem>>, vector<1x128x2048xf32>
    %get3A_6 = vector.shape_cast %get3A_5 : vector<1x128x2048xf32> to vector<128x2048xf32>
    %dot_general3A = arith.constant dense<0.000000e+00> : vector<128x128xf32>
    %dot_general3A_7 = tpu.matmul %get3A_1, %get3A_6, %dot_general3A {dimension_numbers = #tpu.dot_dimension_numbers<[1], [1], [0], [0], [0, 0, 1, 0], [], []>, transpose_lhs_hint = false} : vector<128x2048xf32>, vector<128x2048xf32>, vector<128x128xf32> -> vector<128x128xf32>
    %get3A_8 = arith.constant 0 : index
    %get3A_9 = arith.constant 0 : index
    %get3A_10 = arith.constant 0 : index
    %get3A_11 = vector.load %arg5[%get3A_8, %get3A_9, %get3A_10] : memref<1x128x2048xf32, #tpu.memory_space<vmem>>, vector<1x128x2048xf32>
    %get3A_12 = vector.shape_cast %get3A_11 : vector<1x128x2048xf32> to vector<128x2048xf32>
    %dot_general3A_13 = arith.constant dense<0.000000e+00> : vector<128x128xf32>
    %dot_general3A_14 = tpu.matmul %get3A_1, %get3A_12, %dot_general3A_13 {dimension_numbers = #tpu.dot_dimension_numbers<[1], [1], [0], [0], [0, 0, 1, 0], [], []>, transpose_lhs_hint = false} : vector<128x2048xf32>, vector<128x2048xf32>, vector<128x128xf32> -> vector<128x128xf32>
    %mul3A = arith.constant 128 : i32
    %mul3A_15 = arith.muli %arg1, %mul3A : i32
    %multiple_of3A = tpu.assume_multiple %mul3A_15, 128 : i32
    %get3A_16 = arith.constant 0 : index
    %get3A_17 = arith.constant 0 : index
    %get3A_18 = arith.index_cast %multiple_of3A : i32 to index
    %get3A_19 = vector.load %arg7[%get3A_16, %get3A_17, %get3A_18] : memref<1x1x1408xf32, #tpu.memory_space<vmem>>, vector<1x1x128xf32>
    %get3A_20 = vector.shape_cast %get3A_19 : vector<1x1x128xf32> to vector<1x128xf32>
    %mul3A_21 = vector.broadcast %get3A_20 : vector<1x128xf32> to vector<128x128xf32>
    %mul3A_22 = arith.mulf %dot_general3A_7, %mul3A_21 : vector<128x128xf32>
    %get3A_23 = arith.constant 0 : index
    %get3A_24 = arith.constant 0 : index
    %get3A_25 = arith.index_cast %multiple_of3A : i32 to index
    %get3A_26 = vector.load %arg8[%get3A_23, %get3A_24, %get3A_25] : memref<1x1x1408xf32, #tpu.memory_space<vmem>>, vector<1x1x128xf32>
    %get3A_27 = vector.shape_cast %get3A_26 : vector<1x1x128xf32> to vector<1x128xf32>
    %mul3A_28 = vector.broadcast %get3A_27 : vector<1x128xf32> to vector<128x128xf32>
    %mul3A_29 = arith.mulf %dot_general3A_14, %mul3A_28 : vector<128x128xf32>
    %logistic3A = arith.negf %mul3A_22 : vector<128x128xf32>
    %logistic3A_30 = math.exp %logistic3A : vector<128x128xf32>
    %logistic3A_31 = arith.constant 1.000000e+00 : f32
    %logistic3A_32 = vector.broadcast %logistic3A_31 : f32 to vector<128x128xf32>
    %logistic3A_33 = arith.addf %logistic3A_32, %logistic3A_30 : vector<128x128xf32>
    %logistic3A_34 = arith.divf %logistic3A_32, %logistic3A_33 : vector<128x128xf32>
    %mul3A_35 = arith.mulf %mul3A_22, %logistic3A_34 : vector<128x128xf32>
    %mul3A_36 = arith.mulf %mul3A_35, %mul3A_29 : vector<128x128xf32>
    %get3A_37 = arith.constant 0 : index
    %get3A_38 = arith.constant 0 : index
    %get3A_39 = arith.constant 0 : index
    %get3A_40 = vector.load %arg6[%get3A_37, %get3A_38, %get3A_39] : memref<1x2048x128xf32, #tpu.memory_space<vmem>>, vector<1x2048x128xf32>
    %get3A_41 = vector.shape_cast %get3A_40 : vector<1x2048x128xf32> to vector<2048x128xf32>
    %dot_general3A_42 = arith.constant dense<0.000000e+00> : vector<128x2048xf32>
    %dot_general3A_43 = tpu.matmul %mul3A_36, %get3A_41, %dot_general3A_42 {dimension_numbers = #tpu.dot_dimension_numbers<[1], [1], [0], [0], [0, 0, 1, 0], [], []>, transpose_lhs_hint = false} : vector<128x128xf32>, vector<2048x128xf32>, vector<128x2048xf32> -> vector<128x2048xf32>
    %eq3A = arith.constant 0 : i32
    %eq3A_44 = arith.cmpi eq, %arg1, %eq3A : i32
    %convert_element_type3A = arith.extui %eq3A_44 : i1 to i32
    %cond3A = arith.constant 0 : i32
    %cond3A_45 = arith.cmpi ne, %convert_element_type3A, %cond3A : i32
    scf.if %cond3A_45 {
      %swap3A = arith.constant 0 : index
      %swap3A_56 = arith.constant 0 : index
      %swap3A_57 = vector.load %arg12[%swap3A, %swap3A_56] : memref<128x2048xf32, #tpu.memory_space<vmem>>, vector<128x2048xf32>
      tpu.vector_store %arg12[%swap3A, %swap3A_56], %dot_general3A_43 {strides = array<i32>} : memref<128x2048xf32, #tpu.memory_space<vmem>>, vector<128x2048xf32>,
    } else {
    }
    %gt3A = arith.constant 0 : i32
    %gt3A_46 = arith.cmpi sgt, %arg1, %gt3A : i32
    %lt3A = arith.constant 10 : i32
    %lt3A_47 = arith.cmpi slt, %arg1, %lt3A : i32
    %and3A = arith.andi %gt3A_46, %lt3A_47 : i1
    %convert_element_type3A_48 = arith.extui %and3A : i1 to i32
    %cond3A_49 = arith.constant 0 : i32
    %cond3A_50 = arith.cmpi ne, %convert_element_type3A_48, %cond3A_49 : i32
    scf.if %cond3A_50 {
      %get3A_56 = arith.constant 0 : index
      %get3A_57 = arith.constant 0 : index
      %get3A_58 = vector.load %arg12[%get3A_56, %get3A_57] : memref<128x2048xf32, #tpu.memory_space<vmem>>, vector<128x2048xf32>
      %add3A = arith.addf %get3A_58, %dot_general3A_43 : vector<128x2048xf32>
      %swap3A = arith.constant 0 : index
      %swap3A_59 = arith.constant 0 : index
      %swap3A_60 = vector.load %arg12[%swap3A, %swap3A_59] : memref<128x2048xf32, #tpu.memory_space<vmem>>, vector<128x2048xf32>
      tpu.vector_store %arg12[%swap3A, %swap3A_59], %add3A {strides = array<i32>} : memref<128x2048xf32, #tpu.memory_space<vmem>>, vector<128x2048xf32>,
    } else {
    }
    %eq3A_51 = arith.constant 10 : i32
    %eq3A_52 = arith.cmpi eq, %arg1, %eq3A_51 : i32
    %convert_element_type3A_53 = arith.extui %eq3A_52 : i1 to i32
    %cond3A_54 = arith.constant 0 : i32
    %cond3A_55 = arith.cmpi ne, %convert_element_type3A_53, %cond3A_54 : i32
    scf.if %cond3A_55 {
      %get3A_56 = arith.constant 0 : index
      %get3A_57 = arith.constant 0 : index
      %get3A_58 = vector.load %arg12[%get3A_56, %get3A_57] : memref<128x2048xf32, #tpu.memory_space<vmem>>, vector<128x2048xf32>
      %add3A = arith.addf %get3A_58, %dot_general3A_43 : vector<128x2048xf32>
      %get3A_59 = arith.constant 0 : index
      %get3A_60 = arith.constant 0 : index
      %get3A_61 = arith.constant 0 : index
      %get3A_62 = vector.load %arg9[%get3A_59, %get3A_60, %get3A_61] : memref<1x1x2048xf32, #tpu.memory_space<vmem>>, vector<1x1x2048xf32>
      %get3A_63 = vector.shape_cast %get3A_62 : vector<1x1x2048xf32> to vector<1x2048xf32>
      %mul3A_64 = vector.broadcast %get3A_63 : vector<1x2048xf32> to vector<128x2048xf32>
      %mul3A_65 = arith.mulf %add3A, %mul3A_64 : vector<128x2048xf32>
      %get3A_66 = arith.constant 0 : index
      %get3A_67 = arith.constant 0 : index
      %get3A_68 = vector.load %arg10[%get3A_66, %get3A_67] : memref<128x1xf32, #tpu.memory_space<vmem>>, vector<128x1xf32>
      %mul3A_69 = vector.broadcast %get3A_68 : vector<128x1xf32> to vector<128x2048xf32>
      %mul3A_70 = arith.mulf %mul3A_65, %mul3A_69 : vector<128x2048xf32>
      %swap3A = arith.constant 0 : index
      %swap3A_71 = arith.constant 0 : index
      %swap3A_72 = vector.load %arg11[%swap3A, %swap3A_71] : memref<128x2048xf32, #tpu.memory_space<vmem>>, vector<128x2048xf32>
      tpu.vector_store %arg11[%swap3A, %swap3A_71], %mul3A_70 {strides = array<i32>} : memref<128x2048xf32, #tpu.memory_space<vmem>>, vector<128x2048xf32>,
    } else {
    }
    return
  }
  func.func @transform_0(%arg0: i32, %arg1: i32, %arg2: memref<96xi32, #tpu.memory_space<smem>>) -> (i32, i32) {
    %c0_i32 = arith.constant 0 : i32
    %c0_i32_0 = arith.constant 0 : i32
    return %arg0, %c0_i32 : i32, i32
  }
  func.func @transform_1(%arg0: i32, %arg1: i32, %arg2: memref<96xi32, #tpu.memory_space<smem>>) -> (i32, i32, i32) {
    %get3A = arith.index_cast %arg0 : i32 to index
    %get3A_0 = memref.load %arg2[%get3A] : memref<96xi32, #tpu.memory_space<smem>>
    %c0_i32 = arith.constant 0 : i32
    %c0_i32_1 = arith.constant 0 : i32
    return %get3A_0, %arg1, %c0_i32 : i32, i32, i32
  }
  func.func @transform_2(%arg0: i32, %arg1: i32, %arg2: memref<96xi32, #tpu.memory_space<smem>>) -> (i32, i32, i32) {
    %get3A = arith.index_cast %arg0 : i32 to index
    %get3A_0 = memref.load %arg2[%get3A] : memref<96xi32, #tpu.memory_space<smem>>
    %c0_i32 = arith.constant 0 : i32
    %c0_i32_1 = arith.constant 0 : i32
    return %get3A_0, %arg1, %c0_i32 : i32, i32, i32
  }
  func.func @transform_3(%arg0: i32, %arg1: i32, %arg2: memref<96xi32, #tpu.memory_space<smem>>) -> (i32, i32, i32) {
    %get3A = arith.index_cast %arg0 : i32 to index
    %get3A_0 = memref.load %arg2[%get3A] : memref<96xi32, #tpu.memory_space<smem>>
    %c0_i32 = arith.constant 0 : i32
    %c0_i32_1 = arith.constant 0 : i32
    return %get3A_0, %c0_i32, %arg1 : i32, i32, i32
  }
  func.func @transform_4(%arg0: i32, %arg1: i32, %arg2: memref<96xi32, #tpu.memory_space<smem>>) -> (i32, i32, i32) {
    %get3A = arith.index_cast %arg0 : i32 to index
    %get3A_0 = memref.load %arg2[%get3A] : memref<96xi32, #tpu.memory_space<smem>>
    %c0_i32 = arith.constant 0 : i32
    %c0_i32_1 = arith.constant 0 : i32
    %c0_i32_2 = arith.constant 0 : i32
    return %get3A_0, %c0_i32, %c0_i32_1 : i32, i32, i32
  }
  func.func @transform_5(%arg0: i32, %arg1: i32, %arg2: memref<96xi32, #tpu.memory_space<smem>>) -> (i32, i32, i32) {
    %get3A = arith.index_cast %arg0 : i32 to index
    %get3A_0 = memref.load %arg2[%get3A] : memref<96xi32, #tpu.memory_space<smem>>
    %c0_i32 = arith.constant 0 : i32
    %c0_i32_1 = arith.constant 0 : i32
    %c0_i32_2 = arith.constant 0 : i32
    return %get3A_0, %c0_i32, %c0_i32_1 : i32, i32, i32
  }
  func.func @transform_6(%arg0: i32, %arg1: i32, %arg2: memref<96xi32, #tpu.memory_space<smem>>) -> (i32, i32, i32) {
    %get3A = arith.index_cast %arg0 : i32 to index
    %get3A_0 = memref.load %arg2[%get3A] : memref<96xi32, #tpu.memory_space<smem>>
    %c0_i32 = arith.constant 0 : i32
    %c0_i32_1 = arith.constant 0 : i32
    %c0_i32_2 = arith.constant 0 : i32
    return %get3A_0, %c0_i32, %c0_i32_1 : i32, i32, i32
  }
  func.func @transform_7(%arg0: i32, %arg1: i32, %arg2: memref<96xi32, #tpu.memory_space<smem>>) -> (i32, i32) {
    %c0_i32 = arith.constant 0 : i32
    %c0_i32_0 = arith.constant 0 : i32
    return %arg0, %c0_i32 : i32, i32
  }
  func.func @transform_8(%arg0: i32, %arg1: i32, %arg2: memref<96xi32, #tpu.memory_space<smem>>) -> (i32, i32) {
    %c0_i32 = arith.constant 0 : i32
    %c0_i32_0 = arith.constant 0 : i32
    return %arg0, %c0_i32 : i32, i32
  }
}

</mosaic_0001>

<sc_bundles>
// kernel: gather_offload_async_start
scs
__scs_entry_jumppad:
0x0: {  	(pc) =	sbr.rel $0x88, $3  }
0x1: {  	(tag) =	ssettag $0x0;
	lr =	simm.s32 $0x1  }
0x2: {  	[smem:$0x3F98] =	sst lr;
	_ =	strace $0xD0000000  }
0x3: {  	_ = 	snop  }
0x4: {  	_ = 	snop  }
0x5: {  	_ = 	snop  }
0x6: {  	_ = 	snop  }
0x7: {  	_ = 	snop  }
__scs_overlays_trampoline_lowered:
0x8: {  	[smem:$0x3FA7] =	sst s0  }
0x9: {  	[smem:$0x3FA8] =	sst s1  }
0xa: {  	[smem:$0x3FA9] =	sst s2  }
0xb: {  	[smem:$0x3FAA] =	sst s3  }
0xc: {  	[smem:$0x3FAB] =	sst s4  }
0xd: {  	[smem:$0x3FAC] =	sst s5  }
0xe: {  	[smem:$0x3FAD] =	sst s6  }
0xf: {  	[smem:$0x3FAE] =	sst s7  }
0x10: {  	[smem:$0x3FAF] =	sst s8  }
0x11: {  	[smem:$0x3FB0] =	sst s9;
	s0 =	simm.s32 @!p0 $0x0  }
0x12: {  	s1 =	sld [smem:$0x3F96];
	s0 =	simm.s32 @p0 $0x1  }
0x13: {  	[smem:$0x3FB1] =	sst s0;
	s0 =	simm.s32 @!p1 $0x0  }
0x14: {  	s2 =	sld [smem:$0x3F95];
	s0 =	simm.s32 @p1 $0x1  }
0x15: {  	[smem:$0x3FB2] =	sst s0;
	s0 =	simm.s32 @!p2 $0x0  }
0x16: {  	s3 =	sld [smem:$0x3FDB];
	s0 =	simm.s32 @p2 $0x1  }
0x17: {  	s4 =	simm.s32 $0x1BF5;
	[smem:$0x3FB4] =	sst s0  }
0x18: {  	s0 =	sld [smem:$0x3F97];
	_ =	swait.ge [sflag:s4], $0x0  }
0x19: {  	s7 =	sld [smem:$0x3F98]  }
0x1a: {  	s8 =	sadd.s32 $0xFFFFE003, lr  }
0x1b: {  	s9 =	sadd.s32 $0xFFFFFEF7, lr;
	s5 =	simm.s32 $0xFFFFFFFF;
	p2 =	slt.u32 s8, $0xFFFFF086  }
0x1c: {  	p1 =	slt.u32 s9, $0xF7A;
	s5 =	simm.s32 @!p2 $0x0  }
0x1d: {  	s5 =	simm.s32 @p1 $0x1;
	p0 =	seq.s32 s7, s2  }
0x1e: {  	s7 =	smul.u32 @!p0 $0xF7A, s2;
	p2 =	seq.s32 @!p0 s5, $0x0  }
0x1f: {  	s9 =	smul.u32 $0xF7A, s1;
	s8 =	simm.s32 @!p0 $0x1BF5;
	p2 =	por !p2, p0  }
0x20: {  	[sflag:s8] =	ssyncset.s32 @!p0 $0xFFFFF086;
	s6 =	sadd.s32 @!p0 s3, s7;
	s7 =	simm.s32 @!p0 $0x108  }
0x21: {  	s3 =	sadd.s32 s3, s9;
	s6 =	sadd.s32 @!p0 $0x88, s6;
	s7 =	simm.s32 @p2 $0x1082  }
0x22: {  	[simem:s7], [sflag:s8] =	dma.local @!p0 [hbm:s6], $0xF7A  }
0x23: {  	s9 =	sor.u32 $0xD0000000, s2;
	s6 =	simm.s32 $0x108;
	_ =	swait.ge @!p0 [sflag:s8], $0x0  }
0x24: {  	s3 =	sadd.s32 $0x88, s3;
	s6 =	simm.s32 @!p1 $0x1082;
	[sflag:s4] =	ssyncset.s32 $0xFFFFF086  }
0x25: {  	[simem:s6], [sflag:s4] =	dma.local [hbm:s3], $0xF7A  }
0x26: {  	[smem:$0x3F98] =	sst s1;
	(tag) =	ssettag s2;
	_ =	strace s9  }
0x27: {  	s1 =	sld [smem:$0x3FA8]  }
0x28: {  	s2 =	sld [smem:$0x3FA9]  }
0x29: {  	s4 =	sld [smem:$0x3FAB]  }
0x2a: {  	p0 =	seq.s32 s5, $0x0;
	s5 =	sld [smem:$0x3FAC]  }
0x2b: {  	s6 =	sld [smem:$0x3FAD]  }
0x2c: {  	s7 =	sld [smem:$0x3FAE]  }
0x2d: {  	s3 =	simm.s32 $0x108;
	s8 =	sld [smem:$0x3FAF]  }
0x2e: {  	s3 =	simm.s32 @!p0 $0x1082;
	s9 =	sld [smem:$0x3FB0]  }
0x2f: {  	lr =	sadd.s32 s0, s3;
	s0 =	sld [smem:$0x3FA7]  }
0x30: {  	s3 =	sld [smem:$0x3FAA]  }
0x31: {  	[smem:$0x3FB3] =	sst s10  }
0x32: {  	s10 =	sld [smem:$0x3FB1];
	_ =	sdelay $0x3  }
0x33: {  	p0 =	seq.s32 s10, $0x1;
	s10 =	sld [smem:$0x3FB3];
	_ =	sdelay $0x3  }
0x34: {  	[smem:$0x3FB3] =	sst s10  }
0x35: {  	s10 =	sld [smem:$0x3FB2];
	_ =	sdelay $0x3  }
0x36: {  	p1 =	seq.s32 s10, $0x1;
	s10 =	sld [smem:$0x3FB3];
	_ =	sdelay $0x3  }
0x37: {  	[smem:$0x3FB3] =	sst s10  }
0x38: {  	s10 =	sld [smem:$0x3FB4]  }
0x39: {  	_ = 	snop;
	(pc) =	sbr.ind lr, $3  }
0x3a: {  	_ = 	snop  }
0x3b: {  	_ = 	snop  }
0x3c: {  	p2 =	seq.s32 s10, $0x1;
	s10 =	sld [smem:$0x3FB3]  }
0x3d: {  	_ =	shalt  }
0x3e: {  	_ =	shalt  }
0x3f: {  	_ =	shalt  }
0x40: {  	_ =	shalt  }
0x41: {  	_ =	shalt  }
0x42: {  	_ =	shalt  }
0x43: {  	_ =	shalt  }
0x44: {  	_ =	shalt  }
0x45: {  	_ =	shalt  }
0x46: {  	_ =	shalt  }
0x47: {  	_ =	shalt  }
0x48: {  	_ =	shalt  }
0x49: {  	_ =	shalt  }
0x4a: {  	_ =	shalt  }
0x4b: {  	_ =	shalt  }
0x4c: {  	_ =	shalt  }
0x4d: {  	_ =	shalt  }
0x4e: {  	_ =	shalt  }
0x4f: {  	_ =	shalt  }
0x50: {  	_ =	shalt  }
0x51: {  	_ =	shalt  }
0x52: {  	_ =	shalt  }
0x53: {  	_ =	shalt  }
0x54: {  	_ =	shalt  }
0x55: {  	_ =	shalt  }
0x56: {  	_ =	shalt  }
0x57: {  	_ =	shalt  }
0x58: {  	_ =	shalt  }
0x59: {  	_ =	shalt  }
0x5a: {  	_ =	shalt  }
0x5b: {  	_ =	shalt  }
0x5c: {  	_ =	shalt  }
0x5d: {  	_ =	shalt  }
0x5e: {  	_ =	shalt  }
0x5f: {  	_ =	shalt  }
0x60: {  	_ =	shalt  }
0x61: {  	_ =	shalt  }
0x62: {  	_ =	shalt  }
0x63: {  	_ =	shalt  }
0x64: {  	_ =	shalt  }
0x65: {  	_ =	shalt  }
0x66: {  	_ =	shalt  }
0x67: {  	_ =	shalt  }
0x68: {  	_ =	shalt  }
0x69: {  	_ =	shalt  }
0x6a: {  	_ =	shalt  }
0x6b: {  	_ =	shalt  }
0x6c: {  	_ =	shalt  }
0x6d: {  	_ =	shalt  }
0x6e: {  	_ =	shalt  }
0x6f: {  	_ =	shalt  }
0x70: {  	_ =	shalt  }
0x71: {  	_ =	shalt  }
0x72: {  	_ =	shalt  }
0x73: {  	_ =	shalt  }
0x74: {  	_ =	shalt  }
0x75: {  	_ =	shalt  }
0x76: {  	_ =	shalt  }
0x77: {  	_ =	shalt  }
0x78: {  	_ =	shalt  }
0x79: {  	_ =	shalt  }
0x7a: {  	_ =	shalt  }
0x7b: {  	_ =	shalt  }
0x7c: {  	_ =	shalt  }
0x7d: {  	_ =	shalt  }
0x7e: {  	_ =	shalt  }
0x7f: {  	_ =	shalt  }
0x80: {  	_ =	shalt  }
0x81: {  	_ =	shalt  }
0x82: {  	_ =	shalt  }
0x83: {  	_ =	shalt  }
0x84: {  	_ =	shalt  }
0x85: {  	_ =	shalt  }
0x86: {  	_ =	shalt  }
0x87: {  	_ =	shalt  }
.Lfunc_end0:
.L_simem_size_0:
called_computation.1_lowered:
.L_overlay_start_0:
0x88: {  	s2 =	sld [smem:$0x3FD9]  }
0x89: {  	s3 =	sld [smem:$0x3FFE];
	_ =	sdelay $0x1  }
0x8a: {  	s1 =	srdreg.scid  }
0x8b: {  	s0 =	sand.u32 $0x1, s1  }
0x8c: {  	s17 =	sshll.u32 s0, $0xA;
	s2 =	sadd.s32 s3, s2  }
0x8d: {  	s2 =	sadd.s32 s2, s17  }
0x8e: {  	[smem:$0x3FBF] =	sst s2  }
0x8f: {  	_ = 	snop  }
0x90: {  	s2 =	sld [smem:$0x3FD0];
	(tm) =	ssettm $0x1  }
0x91: {  	s18 =	sld [smem:$0x3FFB];
	_ =	sdelay $0x3  }
0x92: {  	_ =	strace s18  }
0x93: {  	s3 =	sld [smem:$0x3FFC];
	_ =	sdelay $0x3  }
0x94: {  	_ =	strace s3  }
0x95: {  	s3 =	sld [smem:$0x3FFD];
	_ =	sdelay $0x3  }
0x96: {  	_ =	strace s3  }
0x97: {  	_ =	strace $0x8FFFFFFF  }
0x98: {  	s19 =	sld [smem:$0x3FDB];
	_ =	sdelay $0x1  }
0x99: {  	s4 =	simm.s32 $_scs_section_size  }
0x9a: {  	s5 =	simm.s32 $_size__tile_overlayer_lowered;
	s6 =	simm.s32 $_tile_overlayer_lowered  }
0x9b: {  	s22 =	simm.s32 $0x1BFF;
	s21 =	sshll.u32 s6, $0x1;
	s3 =	sadd.s32 s4, s19  }
0x9c: {  	s7 =	simm.s32 $0x0;
	s20 =	sshll.u32 s5, $0x1;
	s5 =	sadd.s32 s21, s3  }
0x9d: {  	[timem:s7], [sflag:s22] =	dma.local [hbm:s5], s20  }
0x9e: {  	_ =	swait.ge [sflag:s22], s20  }
0x9f: {  	s4 =	ssub.s32 $0x0, s20;
	[sflag:s22] =	ssyncset.done $0x0  }
0xa0: {  	[sflag:s22] =	ssyncadd.s32 s4;
	_ =	sdelay $0x1  }
0xa1: {  	s23 =	simm.s32 $0x1B8B  }
0xa2: {  	_ =	swait.ge [sflag:s23], $0x1  }
0xa3: {  	[sflag:s23] =	ssyncset.done $0x0  }
0xa4: {  	s25 =	simm.s32 $0x1B8E;
	s24 =	sld [smem:$0x3FFE];
	[sflag:s23] =	ssyncadd.s32 $0xFFFFFFFF  }
0xa5: {  	s26 =	simm.s32 $execute0_lowered;
	[smem:$0x3FD2] =	sst s25  }
0xa6: {  	s5 =	sshll.u32 s26, $0x1;
	_ =	strace $0x80000046;
	[dreg:$0x1] =	wrdreg $0xFFFFFFFF  }
0xa7: {  	s28 =	simm.s32 $_size_execute0_lowered;
	s3 =	sadd.s32 s3, s5;
	[dreg:$0x0] =	wrdreg $0x0  }
0xa8: {  	s5 =	sshll.u32 s28, $0x1;
	[dreg:$0x2] =	wrdreg s3  }
0xa9: {  	[dreg:$0x3] =	wrdreg s5  }
0xaa: {  	[dreg:$0x4] =	wrdreg $0xC0  }
0xab: {  	_ =	task [dreg:s7], $0x5FFFF  }
0xac: {  	[dreg:$0x1] =	wrdreg $0xFFFFFFFF  }
0xad: {  	[dreg:$0x0] =	wrdreg $0x60  }
0xae: {  	[dreg:$0x2] =	wrdreg s2  }
0xaf: {  	[dreg:$0x3] =	wrdreg s24  }
0xb0: {  	[dreg:$0x4] =	wrdreg $0x9  }
0xb1: {  	_ =	task.clear_ibuf [dreg:s7], $0x5FFFF;
	_ =	strace $0x90000046  }
0xb2: {  	s29 =	simm.s32 $0x9;
	_ =	strace $0x80000048  }
0xb3: {  	_ =	swait.ge [sflag:s29], $0x1  }
0xb4: {  	[sflag:s29] =	ssyncadd.s32 $0xFFFFFFFF  }
0xb5: {  	_ =	strace $0x90000048  }
0xb6: {  	_ =	sfence  }
0xb7: {  	s30 =	sld [smem:$0x0];
	_ =	sdelay $0x2  }
0xb8: {  	s31 =	sshll.u32 s1, $0xD;
	s1 =	sshrl.u32 s1, $0x2  }
0xb9: {  	s3 =	sand.u32 $0x4000, s31;
	s1 =	sadd.s32 s1, s30  }
0xba: {  	s0 =	sor.u32 s3, s0;
	s1 =	sshll.u32 s1, $0x11  }
0xbb: {  	s0 =	sor.u32 s1, s0  }
0xbc: {  	s0 =	sadd.s32 $0x8F2B, s0  }
0xbd: {  	[sflag:s0] =	ssyncadd.remote.s32 $0x1  }
0xbe: {  	_ =	sfence.sel $0xFFFF  }
0xbf: {  	[dreg:$0x0] =	wrdreg $0xFFFFFFFF;
	(pc) =	sbr.abs _section_cstart, $3  }
0xc0: {  	[dreg:$0x1] =	wrdreg $0xFFFFFFFF  }
0xc1: {  	_ =	task.clear_ibuf [dreg:s7], $0x2FFFF;
	_ =	strace $0x9FFFFFFF  }
0xc2: {  	(tm) =	ssettm $0x7FFFFFFF  }
0xc3: {  	_ =	shalt  }
tec
execute0_lowered:
.L_overlay_start_1:
0x0: {  	(tag) =	ssettag $0x1  }
0x1: {  	s1 =	srdreg.scid;
	s2 =	rddreg [dreg:$0x0]  }
0x2: {  	s0 =	stileid.u32;
	s3 =	rddreg [dreg:$0x1]  }
0x3: {  	s6 =	simm.s32 $0x1;
	s9 =	simm.s32 $0x1;
	s1 =	sshll.u32 s1, $0x6  }
0x4: {  	s10 =	simm.s32 $0x3;
	s4 =	sshll.u32 s0, $0x7;
	s5 =	sand.u32 $0x40, s1  }
0x5: {  	s13 =	simm.s32 $0x0;
	s12 =	simm.s32 $0x0;
	s4 =	sor.u32 s4, s5  }
0x6: {  	s1 =	rddreg [dreg:$0x2];
	_ =	strace $0x80000047;
	s8 =	ssub.s32 $0x1000, s4  }
.Ltmp0:
0x7: {  	s5 =	sadd.s32 $0x200, s3;
	s7 =	sand.u32 $0x7C0, s8;
	(pc) =	sbr.rel .LBB2_1-.Ltmp0, $4  }
0x8: {  	[sflag:s6] =	ssyncpa.u1 $0x0;
	s11 =	smov.u32 s4;
	p0 =	sne.s32 s7, $0x0  }
0x9: {  	s8 =	sshrl.u32 s8, $0xB;
	s7 =	simm.s32 $0x2;
	s9 =	simm.s32 @!p0 $0x0  }
0xa: {  	[sflag:s7] =	ssyncpa.u1 $0x0;
	p0 =	por $0x0, $0x0;
	s8 =	sadd.s32 s9, s8  }
0xb: {  	vm0 =	vmmov $0xffff;
	[sflag:s10] =	ssyncpa.u1 $0x0;
	s10 =	simm.s32 $0x0;
	s9 =	sadd.s32 $0x1, s8  }
.LBB2_4:
0xc: {  	v5 =	vshrl.u32 v1, $0xC;
	v6 =	vshll.u32 v1, $0x7  }
0xd: {  	vm1 =	veq.s32 v1, $0x80000000;
	v58 =	vand.u32 $0x3F, v5;
	v59 =	vand.u32 $0x7FF80, v6  }
0xe: {  	v1 =	vsel vm1, $0xFFFFFFFF, v58;
	v5 =	vsel vm1, $0xFFFFFF80, v59  }
0xf: {  	v3 =	vor.u32 v4, v3;
	v60 =	vand.u32 $0xFFFFFC00, v5;
	v61 =	vand.u32 $0xFFFFFC00, v1  }
0x10: {  	v2 =	vor.u32 v2, v3;
	v63 =	vand.u32 $0x380, v5;
	v62 =	vadd.s32 v61, v60  }
0x11: {  	v1 =	vand.u32 $0x7F, v1;
	v3 =	vor.u32 v63, v62  }
0x12: {  	v1 =	vor.u32 v1, v3  }
0x13: {  	[tilespmem:s15], [sflag:$0x1] =	stream.indirect_vreg.gather [hbm4b:s2+s10], $0x1, v0, vm0, $0x4038;
	[tilespmem:$0x100] =	vst v63  }
0x14: {  	(ifvalue) =	ssetifvalue $0x7FFFFFFF  }
0x15: {  	[tilespmem:s16], [sflag:$0x1] =	stream.indirect_vreg.gather [hbm4b:s2+s10], $0x1, v2, vm0, $0x4038;
	[tilespmem:$0x100] =	vst v63  }
0x16: {  	s29 =	sadd.s32 $0x10, s16;
	(ifvalue) =	ssetifvalue $0x7FFFFFFF  }
0x17: {  	[tilespmem:s29], [sflag:$0x1] =	stream.indirect_vreg.gather [hbm4b:s2+s10], $0x1, v1, vm0, $0x4038;
	[tilespmem:$0x100] =	vst v63  }
0x18: {  	_ =	swait.ge [sflag:s6], $0x40  }
0x19: {  	s30 =	sshrl.u32 s13, $0x3;
	[sflag:s6] =	ssyncset.done $0x0  }
0x1a: {  	s31 =	sand.u32 $0x7, s13;
	s15 =	sadd.s32 s5, s30;
	[sflag:s6] =	ssyncadd.s32 $0xFFFFFFC0  }
0x1b: {  	[hbm4b:s15+s31] =	stream.linear.scatter [tilespmem:s14], [sflag:$0x3], $0x40, $0x38;
	[tilespmem:$0x100] =	vst v63  }
.LBB2_5:
0x1c: {  	s15 =	sadd.s32 $0x800, s11  }
0x1d: {  	p2 =	sgt.s32 s15, $0xFFF  }
0x1e: {  	s15 =	smov.u32 @p2 s4;
	p2 =	sne.s32 s12, s9  }
.Ltmp1:
0x1f: {  	p1 =	slt.u32 s12, $0x2;
	(pc) =	sbr.rel @!p2 .LBB2_6-.Ltmp1, $4  }
0x20: {  	s14 =	simm.s32 @!p1 $0x3  }
0x21: {  	s16 =	sadd.s32 $0x1, s12;
	_ =	swait.ge @!p1 [sflag:s14], $0x40  }
0x22: {  	s13 =	smov.u32 s11;
	p0 =	por !p0, !p0;
	[sflag:s14] =	ssyncset.done @!p1 $0x0  }
0x23: {  	s12 =	smov.u32 s16;
	s11 =	smov.u32 s15;
	[sflag:s14] =	ssyncadd.s32 @!p1 $0xFFFFFFC0  }
.LBB2_1:
0x24: {  	p1 =	sge.u32 s12, s8  }
0x25: {  	s14 =	sxor.u32 @!p1 $0xFFFFFFFF, s12  }
0x26: {  	s31 =	sadd.s32 $0xFFFFFFFF, s12;
	s15 =	sshrl.u32 @!p1 s11, $0x3;
	s14 =	sshll.u32 @!p1 s14, $0x6  }
0x27: {  	s16 =	sand.u32 @!p1 $0x7, s11;
	s15 =	sadd.s32 @!p1 s3, s15;
	s14 =	sand.u32 @!p1 $0x40, s14  }
0x28: {  	[tilespmem:s14], [sflag:$0x2] =	stream.linear.gather @!p1 [hbm4b:s15+s16], $0x40, $0x38;
	[tilespmem:$0x100] =	vst v63  }
0x29: {  	p1 =	sge.u32 s31, s8  }
.Ltmp2:
0x2a: {  	_ = 	snop;
	(pc) =	sbr.rel @p1 .LBB2_5-.Ltmp2, $1  }
0x2b: {  	_ =	sdelay $0x3  }
0x2c: {  	s14 =	simm.s32 $0x1  }
0x2d: {  	_ =	swait.ge [sflag:s7], $0x40;
	s14 =	simm.s32 @!p0 $0x0  }
0x2e: {  	[sflag:s7] =	ssyncset.done $0x0;
	s14 =	sshll.u32 s14, $0x6  }
0x2f: {  	[sflag:s7] =	ssyncadd.s32 $0xFFFFFFC0;
	(ifvalue) =	ssetifvalue $0x7FFFFFFF;
	v0 =	vld.msk [tilespmem:s14+$0x0 ss:$0x1], $0xffff;
	_ =	sdelay $0x4  }
0x30: {  	s15 =	sadd.s32 $0x10, s14;
	v2 =	vshrl.u32 v0, $0xC;
	v3 =	vshll.u32 v0, $0x7  }
0x31: {  	v1 =	vld.msk [tilespmem:s15+$0x0 ss:$0x1], $0xffff;
	vm1 =	veq.s32 v0, $0x80000000;
	v0 =	vand.u32 $0x3F, v2;
	v2 =	vand.u32 $0x7FF80, v3  }
0x32: {  	v0 =	vsel vm1, $0xFFFFFFFF, v0;
	v2 =	vsel vm1, $0xFFFFFF80, v2  }
0x33: {  	v3 =	vand.u32 $0xFFFFFC00, v2;
	v4 =	vand.u32 $0xFFFFFC00, v0  }
0x34: {  	v2 =	vand.u32 $0x380, v2;
	v3 =	vadd.s32 v4, v3  }
0x35: {  	v0 =	vand.u32 $0x7F, v0;
	v2 =	vor.u32 v2, v3  }
0x36: {  	v5 =	vshll.u32 v1, $0x7;
	v4 =	vshrl.u32 v1, $0xC;
	v0 =	vor.u32 v0, v2  }
0x37: {  	s16 =	sshll.u32 s12, $0x6;
	vm1 =	veq.s32 v1, $0x80000000;
	v1 =	vand.u32 $0x3F, v4;
	v4 =	vand.u32 $0x7FF80, v5  }
0x38: {  	s16 =	sand.u32 $0x40, s16;
	s18 =	sadd.s32 $0x10, s15;
	v3 =	vsel vm1, $0xFFFFFFFF, v1;
	v4 =	vsel vm1, $0xFFFFFF80, v4  }
0x39: {  	s17 =	simm.s32 $0x20;
	s15 =	sor.u32 $0x80, s14;
	s14 =	sor.u32 $0x80, s16;
	v1 =	vld.msk [tilespmem:s18+$0x0 ss:$0x1], $0xffff;
	v5 =	vand.u32 $0xFFFFFC00, v4;
	v6 =	vand.u32 $0xFFFFFC00, v3  }
0x3a: {  	s16 =	sadd.s32 $0x10, s15;
	s18 =	sadd.s32 $0x10, s18;
	(ifvalue) =	ssetifvalue $0x7FFFFFFF;
	v2 =	vand.u32 $0x7F, v3;
	v4 =	vand.u32 $0x380, v4;
	v3 =	vadd.s32 v6, v5  }
.LBB2_3:
0x3b: {  	[tilespmem:s15], [sflag:$0x1] =	stream.indirect_vreg.gather [hbm4b:s2+s10], $0x1, v0, vm0, $0x4038;
	[tilespmem:$0x100] =	vst v63  }
0x3c: {  	s17 =	sadd.s32 $0x10, s17  }
0x3d: {  	v3 =	vor.u32 v4, v3;
	p1 =	slt.u32 s17, $0x30  }
.Ltmp3:
0x3e: {  	v4 =	vshrl.u32 v1, $0xC;
	v5 =	vshll.u32 v1, $0x7;
	s15 =	smov.u32 s16;
	v0 =	vor.u32 v2, v3;
	v2 =	vmovc v1;
	v1 =	vld.msk [tilespmem:s18+$0x0 ss:$0x1], $0xffff;
	(pc) =	sbr.rel @p1 .LBB2_3-.Ltmp3, $4  }
0x3f: {  	v3 =	vand.u32 $0x7FF80, v5;
	vm1 =	veq.s32 v2, $0x80000000;
	v2 =	vand.u32 $0x3F, v4  }
0x40: {  	v4 =	vsel vm1, $0xFFFFFFFF, v2;
	v5 =	vsel vm1, $0xFFFFFF80, v3  }
0x41: {  	v2 =	vand.u32 $0x7F, v4;
	v3 =	vand.u32 $0xFFFFFC00, v5;
	v4 =	vand.u32 $0xFFFFFC00, v4  }
0x42: {  	s16 =	sadd.s32 $0x10, s16;
	s18 =	sadd.s32 $0x10, s18;
	v3 =	vadd.s32 v4, v3;
	v4 =	vand.u32 $0x380, v5;
	(ifvalue) =	ssetifvalue $0x7FFFFFFF  }
.Ltmp4:
0x43: {  	_ = 	snop;
	(pc) =	sbr.rel .LBB2_4-.Ltmp4, $1  }
0x44: {  	_ =	sdelay $0x3  }
.LBB2_6:
0x45: {  	_ =	sfence.sel $0x180000  }
0x46: {  	s2 =	simm.s32 $0x2;
	[bflag:$0x0] =	sbarrier.arrive $0xFFFF  }
0x47: {  	s30 =	simm.s32 $0x3;
	[sflag:s2] =	ssyncpa.u1 $0x1  }
0x48: {  	s31 =	simm.s32 $0x1;
	[sflag:s30] =	ssyncpa.u1 $0x1  }
0x49: {  	[sflag:s31] =	ssyncpa.u1 $0x1  }
0x4a: {  	p0 =	sne.s32 s0, $0x0;
	_ =	strace $0x90000047  }
0x4b: {  	s0 =	sadd.s32 @!p0 $0x100000, s1;
	[bflag:$0x2] =	sbarrier.arrive $0xFFFF  }
0x4c: {  	[sflag:s0] =	ssyncadd.tile.s32 @!p0 $0x1;
	_ =	shalt  }
.Lfunc_end2:
_tile_overlayer_lowered:
.L_overlay_start_2:
0x4d: {  	(tag) =	ssettag $0x2  }
0x4e: {  	s0 =	rddreg [dreg:$0x0];
	s2 =	stileid.u32  }
0x4f: {  	s1 =	rddreg [dreg:$0x1];
	p0 =	sne.s32 s2, $0x0  }
0x50: {  	s3 =	rddreg [dreg:$0x2];
	[bflag:$0x3] =	sbarrier.arrive $0xFFFF;
	s2 =	simm.s32 @!p0 $0x1C01  }
0x51: {  	[timem:s3], [sflag:s2] =	dma.local @!p0 [hbm:s0], s1  }
0x52: {  	s0 =	simm.s32 @!p0 $0x1  }
0x53: {  	_ =	swait.ge @!p0 [sflag:s0], s1  }
0x54: {  	s1 =	ssub.s32 @!p0 $0x0, s1;
	[sflag:s0] =	ssyncset.done @!p0 $0x0  }
0x55: {  	[sflag:s0] =	ssyncadd.s32 @!p0 s1  }
0x56: {  	[bflag:$0x3] =	sbarrier.arrive $0xFFFF  }
0x57: {  	_ =	shalt  }

// kernel: kernel.5.cloned.1.call-start
scs
__scs_entry_jumppad:
0x0: {  	(pc) =	sbr.rel $0x88, $3  }
0x1: {  	(tag) =	ssettag $0x0;
	lr =	simm.s32 $0x1  }
0x2: {  	[smem:$0x3F98] =	sst lr;
	_ =	strace $0xD0000000  }
0x3: {  	_ = 	snop  }
0x4: {  	_ = 	snop  }
0x5: {  	_ = 	snop  }
0x6: {  	_ = 	snop  }
0x7: {  	_ = 	snop  }
__scs_overlays_trampoline_lowered:
0x8: {  	[smem:$0x3FA7] =	sst s0  }
0x9: {  	[smem:$0x3FA8] =	sst s1  }
0xa: {  	[smem:$0x3FA9] =	sst s2  }
0xb: {  	[smem:$0x3FAA] =	sst s3  }
0xc: {  	[smem:$0x3FAB] =	sst s4  }
0xd: {  	[smem:$0x3FAC] =	sst s5  }
0xe: {  	[smem:$0x3FAD] =	sst s6  }
0xf: {  	[smem:$0x3FAE] =	sst s7  }
0x10: {  	[smem:$0x3FAF] =	sst s8  }
0x11: {  	[smem:$0x3FB0] =	sst s9;
	s0 =	simm.s32 @!p0 $0x0  }
0x12: {  	s1 =	sld [smem:$0x3F96];
	s0 =	simm.s32 @p0 $0x1  }
0x13: {  	[smem:$0x3FB1] =	sst s0;
	s0 =	simm.s32 @!p1 $0x0  }
0x14: {  	s2 =	sld [smem:$0x3F95];
	s0 =	simm.s32 @p1 $0x1  }
0x15: {  	[smem:$0x3FB2] =	sst s0;
	s0 =	simm.s32 @!p2 $0x0  }
0x16: {  	s3 =	sld [smem:$0x3FDB];
	s0 =	simm.s32 @p2 $0x1  }
0x17: {  	s4 =	simm.s32 $0x1BF5;
	[smem:$0x3FB4] =	sst s0  }
0x18: {  	s0 =	sld [smem:$0x3F97];
	_ =	swait.ge [sflag:s4], $0x0  }
0x19: {  	s7 =	sld [smem:$0x3F98]  }
0x1a: {  	s8 =	sadd.s32 $0xFFFFE003, lr  }
0x1b: {  	s9 =	sadd.s32 $0xFFFFFEF7, lr;
	s5 =	simm.s32 $0xFFFFFFFF;
	p2 =	slt.u32 s8, $0xFFFFF086  }
0x1c: {  	p1 =	slt.u32 s9, $0xF7A;
	s5 =	simm.s32 @!p2 $0x0  }
0x1d: {  	s5 =	simm.s32 @p1 $0x1;
	p0 =	seq.s32 s7, s2  }
0x1e: {  	s7 =	smul.u32 @!p0 $0xF7A, s2;
	p2 =	seq.s32 @!p0 s5, $0x0  }
0x1f: {  	s9 =	smul.u32 $0xF7A, s1;
	s8 =	simm.s32 @!p0 $0x1BF5;
	p2 =	por !p2, p0  }
0x20: {  	[sflag:s8] =	ssyncset.s32 @!p0 $0xFFFFF086;
	s6 =	sadd.s32 @!p0 s3, s7;
	s7 =	simm.s32 @!p0 $0x108  }
0x21: {  	s3 =	sadd.s32 s3, s9;
	s6 =	sadd.s32 @!p0 $0x88, s6;
	s7 =	simm.s32 @p2 $0x1082  }
0x22: {  	[simem:s7], [sflag:s8] =	dma.local @!p0 [hbm:s6], $0xF7A  }
0x23: {  	s9 =	sor.u32 $0xD0000000, s2;
	s6 =	simm.s32 $0x108;
	_ =	swait.ge @!p0 [sflag:s8], $0x0  }
0x24: {  	s3 =	sadd.s32 $0x88, s3;
	s6 =	simm.s32 @!p1 $0x1082;
	[sflag:s4] =	ssyncset.s32 $0xFFFFF086  }
0x25: {  	[simem:s6], [sflag:s4] =	dma.local [hbm:s3], $0xF7A  }
0x26: {  	[smem:$0x3F98] =	sst s1;
	(tag) =	ssettag s2;
	_ =	strace s9  }
0x27: {  	s1 =	sld [smem:$0x3FA8]  }
0x28: {  	s2 =	sld [smem:$0x3FA9]  }
0x29: {  	s4 =	sld [smem:$0x3FAB]  }
0x2a: {  	p0 =	seq.s32 s5, $0x0;
	s5 =	sld [smem:$0x3FAC]  }
0x2b: {  	s6 =	sld [smem:$0x3FAD]  }
0x2c: {  	s7 =	sld [smem:$0x3FAE]  }
0x2d: {  	s3 =	simm.s32 $0x108;
	s8 =	sld [smem:$0x3FAF]  }
0x2e: {  	s3 =	simm.s32 @!p0 $0x1082;
	s9 =	sld [smem:$0x3FB0]  }
0x2f: {  	lr =	sadd.s32 s0, s3;
	s0 =	sld [smem:$0x3FA7]  }
0x30: {  	s3 =	sld [smem:$0x3FAA]  }
0x31: {  	[smem:$0x3FB3] =	sst s10  }
0x32: {  	s10 =	sld [smem:$0x3FB1];
	_ =	sdelay $0x3  }
0x33: {  	p0 =	seq.s32 s10, $0x1;
	s10 =	sld [smem:$0x3FB3];
	_ =	sdelay $0x3  }
0x34: {  	[smem:$0x3FB3] =	sst s10  }
0x35: {  	s10 =	sld [smem:$0x3FB2];
	_ =	sdelay $0x3  }
0x36: {  	p1 =	seq.s32 s10, $0x1;
	s10 =	sld [smem:$0x3FB3];
	_ =	sdelay $0x3  }
0x37: {  	[smem:$0x3FB3] =	sst s10  }
0x38: {  	s10 =	sld [smem:$0x3FB4]  }
0x39: {  	_ = 	snop;
	(pc) =	sbr.ind lr, $3  }
0x3a: {  	_ = 	snop  }
0x3b: {  	_ = 	snop  }
0x3c: {  	p2 =	seq.s32 s10, $0x1;
	s10 =	sld [smem:$0x3FB3]  }
0x3d: {  	_ =	shalt  }
0x3e: {  	_ =	shalt  }
0x3f: {  	_ =	shalt  }
0x40: {  	_ =	shalt  }
0x41: {  	_ =	shalt  }
0x42: {  	_ =	shalt  }
0x43: {  	_ =	shalt  }
0x44: {  	_ =	shalt  }
0x45: {  	_ =	shalt  }
0x46: {  	_ =	shalt  }
0x47: {  	_ =	shalt  }
0x48: {  	_ =	shalt  }
0x49: {  	_ =	shalt  }
0x4a: {  	_ =	shalt  }
0x4b: {  	_ =	shalt  }
0x4c: {  	_ =	shalt  }
0x4d: {  	_ =	shalt  }
0x4e: {  	_ =	shalt  }
0x4f: {  	_ =	shalt  }
0x50: {  	_ =	shalt  }
0x51: {  	_ =	shalt  }
0x52: {  	_ =	shalt  }
0x53: {  	_ =	shalt  }
0x54: {  	_ =	shalt  }
0x55: {  	_ =	shalt  }
0x56: {  	_ =	shalt  }
0x57: {  	_ =	shalt  }
0x58: {  	_ =	shalt  }
0x59: {  	_ =	shalt  }
0x5a: {  	_ =	shalt  }
0x5b: {  	_ =	shalt  }
0x5c: {  	_ =	shalt  }
0x5d: {  	_ =	shalt  }
0x5e: {  	_ =	shalt  }
0x5f: {  	_ =	shalt  }
0x60: {  	_ =	shalt  }
0x61: {  	_ =	shalt  }
0x62: {  	_ =	shalt  }
0x63: {  	_ =	shalt  }
0x64: {  	_ =	shalt  }
0x65: {  	_ =	shalt  }
0x66: {  	_ =	shalt  }
0x67: {  	_ =	shalt  }
0x68: {  	_ =	shalt  }
0x69: {  	_ =	shalt  }
0x6a: {  	_ =	shalt  }
0x6b: {  	_ =	shalt  }
0x6c: {  	_ =	shalt  }
0x6d: {  	_ =	shalt  }
0x6e: {  	_ =	shalt  }
0x6f: {  	_ =	shalt  }
0x70: {  	_ =	shalt  }
0x71: {  	_ =	shalt  }
0x72: {  	_ =	shalt  }
0x73: {  	_ =	shalt  }
0x74: {  	_ =	shalt  }
0x75: {  	_ =	shalt  }
0x76: {  	_ =	shalt  }
0x77: {  	_ =	shalt  }
0x78: {  	_ =	shalt  }
0x79: {  	_ =	shalt  }
0x7a: {  	_ =	shalt  }
0x7b: {  	_ =	shalt  }
0x7c: {  	_ =	shalt  }
0x7d: {  	_ =	shalt  }
0x7e: {  	_ =	shalt  }
0x7f: {  	_ =	shalt  }
0x80: {  	_ =	shalt  }
0x81: {  	_ =	shalt  }
0x82: {  	_ =	shalt  }
0x83: {  	_ =	shalt  }
0x84: {  	_ =	shalt  }
0x85: {  	_ =	shalt  }
0x86: {  	_ =	shalt  }
0x87: {  	_ =	shalt  }
.Lfunc_end0:
.L_simem_size_0:
called_computation.2_lowered:
.L_overlay_start_0:
0x88: {  	s2 =	sld [smem:$0x3FD9]  }
0x89: {  	s3 =	sld [smem:$0x3FFE];
	_ =	sdelay $0x1  }
0x8a: {  	s1 =	srdreg.scid  }
0x8b: {  	s0 =	sand.u32 $0x1, s1  }
0x8c: {  	s17 =	sshll.u32 s0, $0xA;
	s2 =	sadd.s32 s3, s2  }
0x8d: {  	s2 =	sadd.s32 s2, s17  }
0x8e: {  	[smem:$0x3FBF] =	sst s2  }
0x8f: {  	_ = 	snop  }
0x90: {  	s4 =	sld [smem:$0x3FC9]  }
0x91: {  	s18 =	sld [smem:$0x3FD0];
	(tm) =	ssettm $0x1  }
0x92: {  	s19 =	sld [smem:$0x3FFB];
	_ =	sdelay $0x3  }
0x93: {  	_ =	strace s19  }
0x94: {  	s2 =	sld [smem:$0x3FFC];
	_ =	sdelay $0x3  }
0x95: {  	_ =	strace s2  }
0x96: {  	s2 =	sld [smem:$0x3FFD];
	_ =	sdelay $0x3  }
0x97: {  	_ =	strace s2  }
0x98: {  	_ =	strace $0x8FFFFFFF  }
0x99: {  	s20 =	sld [smem:$0x3FDB];
	_ =	sdelay $0x1  }
0x9a: {  	s5 =	simm.s32 $_scs_section_size  }
0x9b: {  	s6 =	simm.s32 $_size__tile_overlayer_lowered;
	s7 =	simm.s32 $_tile_overlayer_lowered  }
0x9c: {  	s8 =	simm.s32 $0x1BFF;
	s21 =	sshll.u32 s7, $0x1;
	s5 =	sadd.s32 s5, s20  }
0x9d: {  	s22 =	simm.s32 $0x0;
	s6 =	sshll.u32 s6, $0x1;
	s7 =	sadd.s32 s21, s5  }
0x9e: {  	[timem:s22], [sflag:s8] =	dma.local [hbm:s7], s6  }
0x9f: {  	_ =	swait.ge [sflag:s8], s6  }
0xa0: {  	s6 =	ssub.s32 $0x0, s6;
	[sflag:s8] =	ssyncset.done $0x0  }
0xa1: {  	[sflag:s8] =	ssyncadd.s32 s6;
	_ =	sdelay $0x1  }
0xa2: {  	s23 =	simm.s32 $0x1B8B  }
0xa3: {  	_ =	swait.ge [sflag:s23], $0x1  }
0xa4: {  	[sflag:s23] =	ssyncset.done $0x0  }
0xa5: {  	[sflag:s23] =	ssyncadd.s32 $0xFFFFFFFF  }
0xa6: {  	s6 =	sld [smem:$0x0]  }
0xa7: {  	s7 =	sand.u32 $0xFFFFFFFE, s1  }
0xa8: {  	p0 =	sne.s32 s1, s7  }
0xa9: {  	s7 =	sshll.u32 @p0 s7, $0xE  }
0xaa: {  	s7 =	sadd.s32 @p0 $0x11B8D, s7;
	s8 =	sshll.u32 @p0 s6, $0x11  }
0xab: {  	s7 =	sor.u32 @p0 s8, s7  }
0xac: {  	[sflag:s7] =	ssyncadd.remote.s32 @p0 $0x1;
	_ =	sdelay $0x1  }
0xad: {  	s7 =	simm.s32 @p0 $0x1B8D  }
0xae: {  	_ =	swait.eq @p0 [sflag:s7], $0x1  }
0xaf: {  	[sflag:s7] =	ssyncadd.s32 @p0 $0xFFFFFFFF  }
0xb0: {  	s8 =	sshll.u32 @!p0 s1, $0xE  }
0xb1: {  	s8 =	sor.u32 @!p0 $0x4000, s8;
	s7 =	simm.s32 @!p0 $0x1B8D  }
0xb2: {  	s6 =	sshll.u32 @!p0 s6, $0x11;
	s8 =	sadd.s32 @!p0 $0x11B8D, s8;
	_ =	swait.eq @!p0 [sflag:s7], $0x1  }
0xb3: {  	s6 =	sor.u32 @!p0 s6, s8;
	[sflag:s7] =	ssyncadd.s32 @!p0 $0xFFFFFFFF  }
0xb4: {  	s25 =	simm.s32 $0x1B8E;
	s24 =	sld [smem:$0x3FFE];
	[sflag:s6] =	ssyncadd.remote.s32 @!p0 $0x1  }
0xb5: {  	s26 =	simm.s32 $execute0_lowered;
	[smem:$0x3FD2] =	sst s25  }
0xb6: {  	s7 =	sshll.u32 s26, $0x1;
	_ =	strace $0x8000004C;
	[dreg:$0x1] =	wrdreg $0xFFFFFFFF  }
0xb7: {  	s28 =	simm.s32 $_size_execute0_lowered;
	s5 =	sadd.s32 s5, s7;
	[dreg:$0x0] =	wrdreg $0x0  }
0xb8: {  	s7 =	sshll.u32 s28, $0x1;
	[dreg:$0x2] =	wrdreg s5  }
0xb9: {  	[dreg:$0x3] =	wrdreg s7  }
0xba: {  	[dreg:$0x4] =	wrdreg $0xC0  }
0xbb: {  	_ =	task [dreg:s22], $0x5FFFF  }
0xbc: {  	[dreg:$0x1] =	wrdreg $0xFFFFFFFF  }
0xbd: {  	[dreg:$0x0] =	wrdreg $0x60  }
0xbe: {  	[dreg:$0x2] =	wrdreg s4  }
0xbf: {  	[dreg:$0x3] =	wrdreg s24  }
0xc0: {  	[dreg:$0x4] =	wrdreg s18  }
0xc1: {  	[dreg:$0x5] =	wrdreg $0xA  }
0xc2: {  	_ =	task.clear_ibuf [dreg:s22], $0x6FFFF;
	_ =	strace $0x9000004C  }
0xc3: {  	s29 =	simm.s32 $0xA;
	_ =	strace $0x8000004E  }
0xc4: {  	_ =	swait.ge [sflag:s29], $0x1  }
0xc5: {  	[sflag:s29] =	ssyncadd.s32 $0xFFFFFFFF  }
0xc6: {  	_ =	strace $0x9000004E  }
0xc7: {  	_ =	sfence  }
0xc8: {  	s30 =	sld [smem:$0x0];
	_ =	sdelay $0x2  }
0xc9: {  	s31 =	sshll.u32 s1, $0xD;
	s1 =	sshrl.u32 s1, $0x2  }
0xca: {  	s4 =	sand.u32 $0x4000, s31;
	s1 =	sadd.s32 s1, s30  }
0xcb: {  	s0 =	sor.u32 s4, s0;
	s1 =	sshll.u32 s1, $0x11  }
0xcc: {  	s0 =	sor.u32 s1, s0  }
0xcd: {  	s0 =	sadd.s32 $0x8F2B, s0  }
0xce: {  	[sflag:s0] =	ssyncadd.remote.s32 $0x1  }
0xcf: {  	_ =	sfence.sel $0xFFFF  }
0xd0: {  	[dreg:$0x0] =	wrdreg $0xFFFFFFFF;
	(pc) =	sbr.abs _section_cstart, $3  }
0xd1: {  	[dreg:$0x1] =	wrdreg $0xFFFFFFFF  }
0xd2: {  	_ =	task.clear_ibuf [dreg:s22], $0x2FFFF;
	_ =	strace $0x9FFFFFFF  }
0xd3: {  	(tm) =	ssettm $0x7FFFFFFF  }
tec
execute0_lowered:
.L_overlay_start_1:
0x0: {  	(tag) =	ssettag $0x1  }
0x1: {  	s1 =	rddreg [dreg:$0x0]  }
0x2: {  	s0 =	rddreg [dreg:$0x1]  }
0x3: {  	s2 =	rddreg [dreg:$0x2];
	s3 =	simm.s32 $0x0;
	s4 =	srdreg.scid  }
0x4: {  	s5 =	stileid.u32;
	s20 =	simm.s32 $0x2;
	s30 =	simm.s32 $0x1  }
0x5: {  	[smem:$0x7FF] =	sst s3;
	s4 =	sand.u32 $0x1, s4;
	s5 =	sshll.u32 s5, $0x5  }
0x6: {  	s16 =	sadd.s32 $0x8000, s0;
	s8 =	sadd.s32 $0x400, s1;
	s9 =	sadd.s32 $0x500, s1  }
0x7: {  	s10 =	sadd.s32 $0x600, s1;
	s11 =	sadd.s32 $0x700, s1;
	s13 =	sadd.s32 $0x8400, s0  }
0x8: {  	_ =	strace $0x8000004D;
	s6 =	sshll.u32 s4, $0x4;
	s7 =	ssub.s32 $0x2, s4  }
0x9: {  	s4 =	sadd.s32 $0x8200, s0;
	s15 =	sor.u32 s6, s5;
	s24 =	sshrl.u32 s7, $0x1  }
0xa: {  	s5 =	sadd.s32 $0x100, s1;
	s6 =	sadd.s32 s16, s15;
	s19 =	ssub.s32 s7, s24  }
0xb: {  	s7 =	sadd.s32 $0x300, s1;
	s12 =	sadd.s32 s2, s15;
	s14 =	sor.u32 $0x4, s15  }
0xc: {  	s18 =	sor.u32 $0x8, s15;
	s29 =	sor.u32 $0xC, s15;
	[dreg:$0x4] =	wrdreg s6  }
0xd: {  	s15 =	sadd.s32 $0x8600, s0;
	[dreg:$0x5] =	wrdreg s12;
	s17 =	sadd.s32 s16, s14  }
0xe: {  	s6 =	sadd.s32 $0x200, s1;
	s25 =	sadd.s32 s2, s14;
	[dreg:$0x6] =	wrdreg s17  }
0xf: {  	s12 =	sadd.s32 $0x8300, s0;
	s26 =	sadd.s32 s16, s18;
	[dreg:$0x7] =	wrdreg s25  }
0x10: {  	s14 =	sadd.s32 $0x8500, s0;
	s28 =	sadd.s32 s2, s18;
	[dreg:$0x8] =	wrdreg s26  }
0x11: {  	v2 =	vlaneseq.u32;
	s31 =	sadd.s32 s16, s29;
	s16 =	sadd.s32 $0x8700, s0;
	[dreg:$0x9] =	wrdreg s28  }
0x12: {  	vm0 =	vmmov $0xffff;
	v1 =	vshrl.u32 v2, $0x3;
	s2 =	sadd.s32 s2, s29;
	s18 =	sadd.s32 $0x8900, s0;
	[dreg:$0xa] =	wrdreg s31  }
0x13: {  	v0 =	vand.u32 $0x7, v2;
	v2 =	vor.u32 $0x8, v2;
	v1 =	vmul.u32 $0x8, v1;
	s17 =	sadd.s32 $0x8800, s0;
	[dreg:$0xb] =	wrdreg s2;
	s0 =	smax.u32 s19, $0x1  }
.LBB2_1:
0x14: {  	[dreg:$0xc] =	wrdreg s0  }
0x15: {  	s31 =	rddreg [dreg:$0x4]  }
0x16: {  	[tilespmem:s3], [sflag:$0x2] =	stream.linear.gather [hbm4b:s31+s3], $0x20, $0x38;
	[tilespmem:$0x10100] =	vst v63  }
0x17: {  	_ =	swait.ge [sflag:s20], $0x20  }
0x18: {  	[sflag:s20] =	ssyncset.done $0x0  }
0x19: {  	[sflag:s20] =	ssyncadd.s32 $0xFFFFFFE0  }
0x1a: {  	v3 =	vld [tilespmem:$0x0];
	_ =	sdelay $0x4  }
0x1b: {  	v4 =	vshll.u32 v3, $0x4  }
0x1c: {  	v3 =	vand.u32 $0x7, v3;
	v4 =	vand.u32 $0xFFFFFF80, v4  }
0x1d: {  	v3 =	vor.u32 v3, v4  }
0x1e: {  	v4 =	vperm.xlane v3, v0;
	_ =	sdelay $0x1  }
0x1f: {  	v4 =	vadd.s32 v1, v4;
	_ =	sdelay $0x3  }
0x20: {  	s26 =	simm.s32 $0x100;
	s1 =	rddreg [dreg:$0x0]  }
0x21: {  	[tilespmem:s26], [sflag:$0x1] =	stream.indirect_vreg.gather [hbm4b:s1+s3], $0x80, v4, vm0, $0xb8;
	[tilespmem:$0x10100] =	vst v63  }
0x22: {  	s28 =	simm.s32 $0x900  }
0x23: {  	[tilespmem:s28], [sflag:$0x1] =	stream.indirect_vreg.gather [hbm4b:s5+s3], $0x80, v4, vm0, $0xb8;
	[tilespmem:$0x10100] =	vst v63  }
0x24: {  	s29 =	simm.s32 $0x1100  }
0x25: {  	[tilespmem:s29], [sflag:$0x1] =	stream.indirect_vreg.gather [hbm4b:s6+s3], $0x80, v4, vm0, $0xb8;
	[tilespmem:$0x10100] =	vst v63  }
0x26: {  	s31 =	simm.s32 $0x1900  }
0x27: {  	[tilespmem:s31], [sflag:$0x1] =	stream.indirect_vreg.gather [hbm4b:s7+s3], $0x80, v4, vm0, $0xb8;
	[tilespmem:$0x10100] =	vst v63  }
0x28: {  	s2 =	simm.s32 $0x2100  }
0x29: {  	[tilespmem:s2], [sflag:$0x1] =	stream.indirect_vreg.gather [hbm4b:s8+s3], $0x80, v4, vm0, $0xb8;
	[tilespmem:$0x10100] =	vst v63  }
0x2a: {  	s19 =	simm.s32 $0x2900;
	v3 =	vperm.xlane v3, v2  }
0x2b: {  	[tilespmem:s19], [sflag:$0x1] =	stream.indirect_vreg.gather [hbm4b:s9+s3], $0x80, v4, vm0, $0xb8;
	[tilespmem:$0x10100] =	vst v63  }
0x2c: {  	s21 =	simm.s32 $0x3100;
	v3 =	vadd.s32 v1, v3  }
0x2d: {  	[tilespmem:s21], [sflag:$0x1] =	stream.indirect_vreg.gather [hbm4b:s10+s3], $0x80, v4, vm0, $0xb8;
	[tilespmem:$0x10100] =	vst v63  }
0x2e: {  	s24 =	simm.s32 $0x3900  }
0x2f: {  	[tilespmem:s24], [sflag:$0x1] =	stream.indirect_vreg.gather [hbm4b:s11+s3], $0x80, v4, vm0, $0xb8;
	[tilespmem:$0x10100] =	vst v63  }
0x30: {  	s25 =	simm.s32 $0x4100  }
0x31: {  	[tilespmem:s25], [sflag:$0x1] =	stream.indirect_vreg.gather [hbm4b:s1+s3], $0x80, v3, vm0, $0xb8;
	[tilespmem:$0x10100] =	vst v63  }
0x32: {  	s26 =	simm.s32 $0x4900  }
0x33: {  	[tilespmem:s26], [sflag:$0x1] =	stream.indirect_vreg.gather [hbm4b:s5+s3], $0x80, v3, vm0, $0xb8;
	[tilespmem:$0x10100] =	vst v63  }
0x34: {  	s28 =	simm.s32 $0x5100  }
0x35: {  	[tilespmem:s28], [sflag:$0x1] =	stream.indirect_vreg.gather [hbm4b:s6+s3], $0x80, v3, vm0, $0xb8;
	[tilespmem:$0x10100] =	vst v63  }
0x36: {  	s29 =	simm.s32 $0x5900  }
0x37: {  	[tilespmem:s29], [sflag:$0x1] =	stream.indirect_vreg.gather [hbm4b:s7+s3], $0x80, v3, vm0, $0xb8;
	[tilespmem:$0x10100] =	vst v63  }
0x38: {  	s0 =	simm.s32 $0x6100  }
0x39: {  	[tilespmem:s0], [sflag:$0x1] =	stream.indirect_vreg.gather [hbm4b:s8+s3], $0x80, v3, vm0, $0xb8;
	[tilespmem:$0x10100] =	vst v63  }
0x3a: {  	s2 =	simm.s32 $0x6900  }
0x3b: {  	[tilespmem:s2], [sflag:$0x1] =	stream.indirect_vreg.gather [hbm4b:s9+s3], $0x80, v3, vm0, $0xb8;
	[tilespmem:$0x10100] =	vst v63  }
0x3c: {  	s19 =	simm.s32 $0x7100  }
0x3d: {  	[tilespmem:s19], [sflag:$0x1] =	stream.indirect_vreg.gather [hbm4b:s10+s3], $0x80, v3, vm0, $0xb8;
	[tilespmem:$0x10100] =	vst v63  }
0x3e: {  	s21 =	simm.s32 $0x7900  }
0x3f: {  	[tilespmem:s21], [sflag:$0x1] =	stream.indirect_vreg.gather [hbm4b:s11+s3], $0x80, v3, vm0, $0xb8;
	[tilespmem:$0x10100] =	vst v63  }
0x40: {  	v3 =	vld [tilespmem:$0x10];
	_ =	sdelay $0x4  }
0x41: {  	v49 =	vshll.u32 v3, $0x4  }
0x42: {  	v3 =	vand.u32 $0x7, v3;
	v4 =	vand.u32 $0xFFFFFF80, v49  }
0x43: {  	v3 =	vor.u32 v3, v4  }
0x44: {  	v4 =	vperm.xlane v3, v0;
	_ =	sdelay $0x1  }
0x45: {  	v4 =	vadd.s32 v1, v4;
	_ =	sdelay $0x3  }
0x46: {  	s24 =	simm.s32 $0x8100  }
0x47: {  	[tilespmem:s24], [sflag:$0x1] =	stream.indirect_vreg.gather [hbm4b:s1+s3], $0x80, v4, vm0, $0xb8;
	[tilespmem:$0x10100] =	vst v63  }
0x48: {  	s26 =	simm.s32 $0x8900  }
0x49: {  	[tilespmem:s26], [sflag:$0x1] =	stream.indirect_vreg.gather [hbm4b:s5+s3], $0x80, v4, vm0, $0xb8;
	[tilespmem:$0x10100] =	vst v63  }
0x4a: {  	s29 =	simm.s32 $0x9100  }
0x4b: {  	[tilespmem:s29], [sflag:$0x1] =	stream.indirect_vreg.gather [hbm4b:s6+s3], $0x80, v4, vm0, $0xb8;
	[tilespmem:$0x10100] =	vst v63  }
0x4c: {  	s0 =	simm.s32 $0x9900  }
0x4d: {  	[tilespmem:s0], [sflag:$0x1] =	stream.indirect_vreg.gather [hbm4b:s7+s3], $0x80, v4, vm0, $0xb8;
	[tilespmem:$0x10100] =	vst v63  }
0x4e: {  	s2 =	simm.s32 $0xA100  }
0x4f: {  	[tilespmem:s2], [sflag:$0x1] =	stream.indirect_vreg.gather [hbm4b:s8+s3], $0x80, v4, vm0, $0xb8;
	[tilespmem:$0x10100] =	vst v63  }
0x50: {  	s19 =	simm.s32 $0xA900;
	v3 =	vperm.xlane v3, v2  }
0x51: {  	[tilespmem:s19], [sflag:$0x1] =	stream.indirect_vreg.gather [hbm4b:s9+s3], $0x80, v4, vm0, $0xb8;
	[tilespmem:$0x10100] =	vst v63  }
0x52: {  	s21 =	simm.s32 $0xB100;
	v3 =	vadd.s32 v1, v3  }
0x53: {  	[tilespmem:s21], [sflag:$0x1] =	stream.indirect_vreg.gather [hbm4b:s10+s3], $0x80, v4, vm0, $0xb8;
	[tilespmem:$0x10100] =	vst v63  }
0x54: {  	s24 =	simm.s32 $0xB900  }
0x55: {  	[tilespmem:s24], [sflag:$0x1] =	stream.indirect_vreg.gather [hbm4b:s11+s3], $0x80, v4, vm0, $0xb8;
	[tilespmem:$0x10100] =	vst v63  }
0x56: {  	s0 =	simm.s32 $0xC100  }
0x57: {  	[tilespmem:s0], [sflag:$0x1] =	stream.indirect_vreg.gather [hbm4b:s1+s3], $0x80, v3, vm0, $0xb8;
	[tilespmem:$0x10100] =	vst v63  }
0x58: {  	s2 =	simm.s32 $0xC900  }
0x59: {  	[tilespmem:s2], [sflag:$0x1] =	stream.indirect_vreg.gather [hbm4b:s5+s3], $0x80, v3, vm0, $0xb8;
	[tilespmem:$0x10100] =	vst v63  }
0x5a: {  	s19 =	simm.s32 $0xD100  }
0x5b: {  	[tilespmem:s19], [sflag:$0x1] =	stream.indirect_vreg.gather [hbm4b:s6+s3], $0x80, v3, vm0, $0xb8;
	[tilespmem:$0x10100] =	vst v63  }
0x5c: {  	s21 =	simm.s32 $0xD900  }
0x5d: {  	[tilespmem:s21], [sflag:$0x1] =	stream.indirect_vreg.gather [hbm4b:s7+s3], $0x80, v3, vm0, $0xb8;
	[tilespmem:$0x10100] =	vst v63  }
0x5e: {  	s24 =	simm.s32 $0xE100  }
0x5f: {  	[tilespmem:s24], [sflag:$0x1] =	stream.indirect_vreg.gather [hbm4b:s8+s3], $0x80, v3, vm0, $0xb8;
	[tilespmem:$0x10100] =	vst v63  }
0x60: {  	s0 =	simm.s32 $0xE900  }
0x61: {  	[tilespmem:s0], [sflag:$0x1] =	stream.indirect_vreg.gather [hbm4b:s9+s3], $0x80, v3, vm0, $0xb8;
	[tilespmem:$0x10100] =	vst v63  }
0x62: {  	s2 =	simm.s32 $0xF100  }
0x63: {  	[tilespmem:s2], [sflag:$0x1] =	stream.indirect_vreg.gather [hbm4b:s10+s3], $0x80, v3, vm0, $0xb8;
	[tilespmem:$0x10100] =	vst v63  }
0x64: {  	s19 =	simm.s32 $0xF900  }
0x65: {  	[tilespmem:s19], [sflag:$0x1] =	stream.indirect_vreg.gather [hbm4b:s11+s3], $0x80, v3, vm0, $0xb8;
	[tilespmem:$0x10100] =	vst v63  }
0x66: {  	_ =	swait.ge [sflag:s30], $0x10000  }
0x67: {  	[sflag:s30] =	ssyncset.done $0x0  }
0x68: {  	s24 =	simm.s32 $0x80;
	s21 =	rddreg [dreg:$0x5];
	[sflag:s30] =	ssyncadd.s32 $0xFFFF0000  }
0x69: {  	[tilespmem:s24], [sflag:$0x2] =	stream.linear.gather [hbm4b:s21+s3], $0x20, $0x38;
	[tilespmem:$0x10100] =	vst v63  }
0x6a: {  	_ =	swait.ge [sflag:s20], $0x20  }
0x6b: {  	[sflag:s20] =	ssyncset.done $0x0  }
0x6c: {  	[sflag:s20] =	ssyncadd.s32 $0xFFFFFFE0  }
0x6d: {  	v3 =	vld [tilespmem:$0x80];
	_ =	sdelay $0x4  }
0x6e: {  	v50 =	vshll.u32 v3, $0x4  }
0x6f: {  	v3 =	vand.u32 $0x7, v3;
	v4 =	vand.u32 $0xFFFFFF80, v50  }
0x70: {  	v3 =	vor.u32 v3, v4  }
0x71: {  	v4 =	vperm.xlane v3, v0;
	_ =	sdelay $0x1  }
0x72: {  	v4 =	vadd.s32 v1, v4;
	_ =	sdelay $0x3  }
0x73: {  	s0 =	simm.s32 $0x100  }
0x74: {  	[hbm4b:s4+s3] =	stream.indirect_vreg.scatter [tilespmem:s0], [sflag:$0x1], $0x80, v4, vm0, $0xb8;
	[tilespmem:$0x10100] =	vst v63  }
0x75: {  	s19 =	simm.s32 $0x900  }
0x76: {  	[hbm4b:s12+s3] =	stream.indirect_vreg.scatter [tilespmem:s19], [sflag:$0x1], $0x80, v4, vm0, $0xb8;
	[tilespmem:$0x10100] =	vst v63  }
0x77: {  	s2 =	simm.s32 $0x1100  }
0x78: {  	[hbm4b:s13+s3] =	stream.indirect_vreg.scatter [tilespmem:s2], [sflag:$0x1], $0x80, v4, vm0, $0xb8;
	[tilespmem:$0x10100] =	vst v63  }
0x79: {  	s21 =	simm.s32 $0x1900  }
0x7a: {  	[hbm4b:s14+s3] =	stream.indirect_vreg.scatter [tilespmem:s21], [sflag:$0x1], $0x80, v4, vm0, $0xb8;
	[tilespmem:$0x10100] =	vst v63  }
0x7b: {  	s22 =	simm.s32 $0x2100  }
0x7c: {  	[hbm4b:s15+s3] =	stream.indirect_vreg.scatter [tilespmem:s22], [sflag:$0x1], $0x80, v4, vm0, $0xb8;
	[tilespmem:$0x10100] =	vst v63  }
0x7d: {  	s23 =	simm.s32 $0x2900;
	v3 =	vperm.xlane v3, v2  }
0x7e: {  	[hbm4b:s16+s3] =	stream.indirect_vreg.scatter [tilespmem:s23], [sflag:$0x1], $0x80, v4, vm0, $0xb8;
	[tilespmem:$0x10100] =	vst v63  }
0x7f: {  	v3 =	vadd.s32 v1, v3;
	s22 =	simm.s32 $0x3100  }
0x80: {  	[hbm4b:s17+s3] =	stream.indirect_vreg.scatter [tilespmem:s22], [sflag:$0x1], $0x80, v4, vm0, $0xb8;
	[tilespmem:$0x10100] =	vst v63  }
0x81: {  	s23 =	simm.s32 $0x3900  }
0x82: {  	[hbm4b:s18+s3] =	stream.indirect_vreg.scatter [tilespmem:s23], [sflag:$0x1], $0x80, v4, vm0, $0xb8;
	[tilespmem:$0x10100] =	vst v63  }
0x83: {  	s24 =	simm.s32 $0x4100  }
0x84: {  	[hbm4b:s4+s3] =	stream.indirect_vreg.scatter [tilespmem:s24], [sflag:$0x1], $0x80, v3, vm0, $0xb8;
	[tilespmem:$0x10100] =	vst v63  }
0x85: {  	s31 =	simm.s32 $0x4900  }
0x86: {  	[hbm4b:s12+s3] =	stream.indirect_vreg.scatter [tilespmem:s31], [sflag:$0x1], $0x80, v3, vm0, $0xb8;
	[tilespmem:$0x10100] =	vst v63  }
0x87: {  	s28 =	simm.s32 $0x5100  }
0x88: {  	[hbm4b:s13+s3] =	stream.indirect_vreg.scatter [tilespmem:s28], [sflag:$0x1], $0x80, v3, vm0, $0xb8;
	[tilespmem:$0x10100] =	vst v63  }
0x89: {  	s31 =	simm.s32 $0x5900  }
0x8a: {  	[hbm4b:s14+s3] =	stream.indirect_vreg.scatter [tilespmem:s31], [sflag:$0x1], $0x80, v3, vm0, $0xb8;
	[tilespmem:$0x10100] =	vst v63  }
0x8b: {  	s31 =	simm.s32 $0x6100  }
0x8c: {  	[hbm4b:s15+s3] =	stream.indirect_vreg.scatter [tilespmem:s31], [sflag:$0x1], $0x80, v3, vm0, $0xb8;
	[tilespmem:$0x10100] =	vst v63  }
0x8d: {  	s31 =	simm.s32 $0x6900  }
0x8e: {  	[hbm4b:s16+s3] =	stream.indirect_vreg.scatter [tilespmem:s31], [sflag:$0x1], $0x80, v3, vm0, $0xb8;
	[tilespmem:$0x10100] =	vst v63  }
0x8f: {  	s31 =	simm.s32 $0x7100  }
0x90: {  	[hbm4b:s17+s3] =	stream.indirect_vreg.scatter [tilespmem:s31], [sflag:$0x1], $0x80, v3, vm0, $0xb8;
	[tilespmem:$0x10100] =	vst v63  }
0x91: {  	s25 =	simm.s32 $0x7900  }
0x92: {  	[hbm4b:s18+s3] =	stream.indirect_vreg.scatter [tilespmem:s25], [sflag:$0x1], $0x80, v3, vm0, $0xb8;
	[tilespmem:$0x10100] =	vst v63  }
0x93: {  	v3 =	vld [tilespmem:$0x90];
	_ =	sdelay $0x4  }
0x94: {  	v51 =	vshll.u32 v3, $0x4  }
0x95: {  	v3 =	vand.u32 $0x7, v3;
	v4 =	vand.u32 $0xFFFFFF80, v51  }
0x96: {  	v3 =	vor.u32 v3, v4  }
0x97: {  	v4 =	vperm.xlane v3, v0;
	_ =	sdelay $0x1  }
0x98: {  	v4 =	vadd.s32 v1, v4;
	_ =	sdelay $0x3  }
0x99: {  	s28 =	simm.s32 $0x8100  }
0x9a: {  	[hbm4b:s4+s3] =	stream.indirect_vreg.scatter [tilespmem:s28], [sflag:$0x1], $0x80, v4, vm0, $0xb8;
	[tilespmem:$0x10100] =	vst v63  }
0x9b: {  	s31 =	simm.s32 $0x8900  }
0x9c: {  	[hbm4b:s12+s3] =	stream.indirect_vreg.scatter [tilespmem:s31], [sflag:$0x1], $0x80, v4, vm0, $0xb8;
	[tilespmem:$0x10100] =	vst v63  }
0x9d: {  	s31 =	simm.s32 $0x9100  }
0x9e: {  	[hbm4b:s13+s3] =	stream.indirect_vreg.scatter [tilespmem:s31], [sflag:$0x1], $0x80, v4, vm0, $0xb8;
	[tilespmem:$0x10100] =	vst v63  }
0x9f: {  	s31 =	simm.s32 $0x9900  }
0xa0: {  	[hbm4b:s14+s3] =	stream.indirect_vreg.scatter [tilespmem:s31], [sflag:$0x1], $0x80, v4, vm0, $0xb8;
	[tilespmem:$0x10100] =	vst v63  }
0xa1: {  	s26 =	simm.s32 $0xA100  }
0xa2: {  	[hbm4b:s15+s3] =	stream.indirect_vreg.scatter [tilespmem:s26], [sflag:$0x1], $0x80, v4, vm0, $0xb8;
	[tilespmem:$0x10100] =	vst v63  }
0xa3: {  	s29 =	simm.s32 $0xA900;
	v3 =	vperm.xlane v3, v2  }
0xa4: {  	[hbm4b:s16+s3] =	stream.indirect_vreg.scatter [tilespmem:s29], [sflag:$0x1], $0x80, v4, vm0, $0xb8;
	[tilespmem:$0x10100] =	vst v63  }
0xa5: {  	v3 =	vadd.s32 v1, v3;
	s28 =	simm.s32 $0xB100  }
0xa6: {  	[hbm4b:s17+s3] =	stream.indirect_vreg.scatter [tilespmem:s28], [sflag:$0x1], $0x80, v4, vm0, $0xb8;
	[tilespmem:$0x10100] =	vst v63  }
0xa7: {  	s29 =	simm.s32 $0xB900  }
0xa8: {  	[hbm4b:s18+s3] =	stream.indirect_vreg.scatter [tilespmem:s29], [sflag:$0x1], $0x80, v4, vm0, $0xb8;
	[tilespmem:$0x10100] =	vst v63  }
0xa9: {  	s31 =	simm.s32 $0xC100  }
0xaa: {  	[hbm4b:s4+s3] =	stream.indirect_vreg.scatter [tilespmem:s31], [sflag:$0x1], $0x80, v3, vm0, $0xb8;
	[tilespmem:$0x10100] =	vst v63  }
0xab: {  	s31 =	simm.s32 $0xC900  }
0xac: {  	[hbm4b:s12+s3] =	stream.indirect_vreg.scatter [tilespmem:s31], [sflag:$0x1], $0x80, v3, vm0, $0xb8;
	[tilespmem:$0x10100] =	vst v63  }
0xad: {  	s31 =	simm.s32 $0xD100  }
0xae: {  	[hbm4b:s13+s3] =	stream.indirect_vreg.scatter [tilespmem:s31], [sflag:$0x1], $0x80, v3, vm0, $0xb8;
	[tilespmem:$0x10100] =	vst v63  }
0xaf: {  	s31 =	simm.s32 $0xD900  }
0xb0: {  	[hbm4b:s14+s3] =	stream.indirect_vreg.scatter [tilespmem:s31], [sflag:$0x1], $0x80, v3, vm0, $0xb8;
	[tilespmem:$0x10100] =	vst v63  }
0xb1: {  	s31 =	simm.s32 $0xE100  }
0xb2: {  	[hbm4b:s15+s3] =	stream.indirect_vreg.scatter [tilespmem:s31], [sflag:$0x1], $0x80, v3, vm0, $0xb8;
	[tilespmem:$0x10100] =	vst v63  }
0xb3: {  	s31 =	simm.s32 $0xE900  }
0xb4: {  	[hbm4b:s16+s3] =	stream.indirect_vreg.scatter [tilespmem:s31], [sflag:$0x1], $0x80, v3, vm0, $0xb8;
	[tilespmem:$0x10100] =	vst v63  }
0xb5: {  	s31 =	simm.s32 $0xF100  }
0xb6: {  	[hbm4b:s17+s3] =	stream.indirect_vreg.scatter [tilespmem:s31], [sflag:$0x1], $0x80, v3, vm0, $0xb8;
	[tilespmem:$0x10100] =	vst v63  }
0xb7: {  	s31 =	simm.s32 $0xF900  }
0xb8: {  	[hbm4b:s18+s3] =	stream.indirect_vreg.scatter [tilespmem:s31], [sflag:$0x1], $0x80, v3, vm0, $0xb8;
	[tilespmem:$0x10100] =	vst v63  }
0xb9: {  	_ =	swait.ge [sflag:s30], $0x10000  }
0xba: {  	[sflag:s30] =	ssyncset.done $0x0  }
0xbb: {  	s31 =	rddreg [dreg:$0x6];
	[sflag:s30] =	ssyncadd.s32 $0xFFFF0000  }
0xbc: {  	[tilespmem:s3], [sflag:$0x2] =	stream.linear.gather [hbm4b:s31+s3], $0x20, $0x38;
	[tilespmem:$0x10100] =	vst v63  }
0xbd: {  	_ =	swait.ge [sflag:s20], $0x20  }
0xbe: {  	[sflag:s20] =	ssyncset.done $0x0  }
0xbf: {  	[sflag:s20] =	ssyncadd.s32 $0xFFFFFFE0  }
0xc0: {  	v3 =	vld [tilespmem:$0x0];
	_ =	sdelay $0x4  }
0xc1: {  	v52 =	vshll.u32 v3, $0x4  }
0xc2: {  	v3 =	vand.u32 $0x7, v3;
	v4 =	vand.u32 $0xFFFFFF80, v52  }
0xc3: {  	v3 =	vor.u32 v3, v4  }
0xc4: {  	v4 =	vperm.xlane v3, v0;
	_ =	sdelay $0x1  }
0xc5: {  	v4 =	vadd.s32 v1, v4;
	_ =	sdelay $0x4  }
0xc6: {  	[tilespmem:s0], [sflag:$0x1] =	stream.indirect_vreg.gather [hbm4b:s1+s3], $0x80, v4, vm0, $0xb8;
	[tilespmem:$0x10100] =	vst v63  }
0xc7: {  	_ = 	snop  }
0xc8: {  	[tilespmem:s19], [sflag:$0x1] =	stream.indirect_vreg.gather [hbm4b:s5+s3], $0x80, v4, vm0, $0xb8;
	[tilespmem:$0x10100] =	vst v63  }
0xc9: {  	_ = 	snop  }
0xca: {  	[tilespmem:s2], [sflag:$0x1] =	stream.indirect_vreg.gather [hbm4b:s6+s3], $0x80, v4, vm0, $0xb8;
	[tilespmem:$0x10100] =	vst v63  }
0xcb: {  	_ = 	snop  }
0xcc: {  	[tilespmem:s21], [sflag:$0x1] =	stream.indirect_vreg.gather [hbm4b:s7+s3], $0x80, v4, vm0, $0xb8;
	[tilespmem:$0x10100] =	vst v63  }
0xcd: {  	s31 =	simm.s32 $0x2100  }
0xce: {  	[tilespmem:s31], [sflag:$0x1] =	stream.indirect_vreg.gather [hbm4b:s8+s3], $0x80, v4, vm0, $0xb8;
	[tilespmem:$0x10100] =	vst v63  }
0xcf: {  	v3 =	vperm.xlane v3, v2;
	s21 =	simm.s32 $0x2900  }
0xd0: {  	[tilespmem:s21], [sflag:$0x1] =	stream.indirect_vreg.gather [hbm4b:s9+s3], $0x80, v4, vm0, $0xb8;
	[tilespmem:$0x10100] =	vst v63  }
0xd1: {  	v3 =	vadd.s32 v1, v3  }
0xd2: {  	[tilespmem:s22], [sflag:$0x1] =	stream.indirect_vreg.gather [hbm4b:s10+s3], $0x80, v4, vm0, $0xb8;
	[tilespmem:$0x10100] =	vst v63  }
0xd3: {  	_ = 	snop  }
0xd4: {  	[tilespmem:s23], [sflag:$0x1] =	stream.indirect_vreg.gather [hbm4b:s11+s3], $0x80, v4, vm0, $0xb8;
	[tilespmem:$0x10100] =	vst v63  }
0xd5: {  	_ = 	snop  }
0xd6: {  	[tilespmem:s24], [sflag:$0x1] =	stream.indirect_vreg.gather [hbm4b:s1+s3], $0x80, v3, vm0, $0xb8;
	[tilespmem:$0x10100] =	vst v63  }
0xd7: {  	s31 =	simm.s32 $0x4900  }
0xd8: {  	[tilespmem:s31], [sflag:$0x1] =	stream.indirect_vreg.gather [hbm4b:s5+s3], $0x80, v3, vm0, $0xb8;
	[tilespmem:$0x10100] =	vst v63  }
0xd9: {  	s24 =	simm.s32 $0x5100  }
0xda: {  	[tilespmem:s24], [sflag:$0x1] =	stream.indirect_vreg.gather [hbm4b:s6+s3], $0x80, v3, vm0, $0xb8;
	[tilespmem:$0x10100] =	vst v63  }
0xdb: {  	s31 =	simm.s32 $0x5900  }
0xdc: {  	[tilespmem:s31], [sflag:$0x1] =	stream.indirect_vreg.gather [hbm4b:s7+s3], $0x80, v3, vm0, $0xb8;
	[tilespmem:$0x10100] =	vst v63  }
0xdd: {  	s31 =	simm.s32 $0x6100  }
0xde: {  	[tilespmem:s31], [sflag:$0x1] =	stream.indirect_vreg.gather [hbm4b:s8+s3], $0x80, v3, vm0, $0xb8;
	[tilespmem:$0x10100] =	vst v63  }
0xdf: {  	s31 =	simm.s32 $0x6900  }
0xe0: {  	[tilespmem:s31], [sflag:$0x1] =	stream.indirect_vreg.gather [hbm4b:s9+s3], $0x80, v3, vm0, $0xb8;
	[tilespmem:$0x10100] =	vst v63  }
0xe1: {  	s31 =	simm.s32 $0x7100  }
0xe2: {  	[tilespmem:s31], [sflag:$0x1] =	stream.indirect_vreg.gather [hbm4b:s10+s3], $0x80, v3, vm0, $0xb8;
	[tilespmem:$0x10100] =	vst v63  }
0xe3: {  	s31 =	simm.s32 $0x7900  }
0xe4: {  	[tilespmem:s31], [sflag:$0x1] =	stream.indirect_vreg.gather [hbm4b:s11+s3], $0x80, v3, vm0, $0xb8;
	[tilespmem:$0x10100] =	vst v63  }
0xe5: {  	v3 =	vld [tilespmem:$0x10];
	_ =	sdelay $0x4  }
0xe6: {  	v53 =	vshll.u32 v3, $0x4  }
0xe7: {  	v3 =	vand.u32 $0x7, v3;
	v4 =	vand.u32 $0xFFFFFF80, v53  }
0xe8: {  	v3 =	vor.u32 v3, v4  }
0xe9: {  	v4 =	vperm.xlane v3, v0;
	_ =	sdelay $0x1  }
0xea: {  	v4 =	vadd.s32 v1, v4;
	_ =	sdelay $0x3  }
0xeb: {  	s25 =	simm.s32 $0x8100  }
0xec: {  	[tilespmem:s25], [sflag:$0x1] =	stream.indirect_vreg.gather [hbm4b:s1+s3], $0x80, v4, vm0, $0xb8;
	[tilespmem:$0x10100] =	vst v63  }
0xed: {  	s31 =	simm.s32 $0x8900  }
0xee: {  	[tilespmem:s31], [sflag:$0x1] =	stream.indirect_vreg.gather [hbm4b:s5+s3], $0x80, v4, vm0, $0xb8;
	[tilespmem:$0x10100] =	vst v63  }
0xef: {  	s31 =	simm.s32 $0x9100  }
0xf0: {  	[tilespmem:s31], [sflag:$0x1] =	stream.indirect_vreg.gather [hbm4b:s6+s3], $0x80, v4, vm0, $0xb8;
	[tilespmem:$0x10100] =	vst v63  }
0xf1: {  	s31 =	simm.s32 $0x9900  }
0xf2: {  	[tilespmem:s31], [sflag:$0x1] =	stream.indirect_vreg.gather [hbm4b:s7+s3], $0x80, v4, vm0, $0xb8;
	[tilespmem:$0x10100] =	vst v63  }
0xf3: {  	s31 =	simm.s32 $0xA100  }
0xf4: {  	[tilespmem:s31], [sflag:$0x1] =	stream.indirect_vreg.gather [hbm4b:s8+s3], $0x80, v4, vm0, $0xb8;
	[tilespmem:$0x10100] =	vst v63  }
0xf5: {  	v3 =	vperm.xlane v3, v2;
	s31 =	simm.s32 $0xA900  }
0xf6: {  	[tilespmem:s31], [sflag:$0x1] =	stream.indirect_vreg.gather [hbm4b:s9+s3], $0x80, v4, vm0, $0xb8;
	[tilespmem:$0x10100] =	vst v63  }
0xf7: {  	s26 =	simm.s32 $0xB100;
	v3 =	vadd.s32 v1, v3  }
0xf8: {  	[tilespmem:s26], [sflag:$0x1] =	stream.indirect_vreg.gather [hbm4b:s10+s3], $0x80, v4, vm0, $0xb8;
	[tilespmem:$0x10100] =	vst v63  }
0xf9: {  	s29 =	simm.s32 $0xB900  }
0xfa: {  	[tilespmem:s29], [sflag:$0x1] =	stream.indirect_vreg.gather [hbm4b:s11+s3], $0x80, v4, vm0, $0xb8;
	[tilespmem:$0x10100] =	vst v63  }
0xfb: {  	s31 =	simm.s32 $0xC100  }
0xfc: {  	[tilespmem:s31], [sflag:$0x1] =	stream.indirect_vreg.gather [hbm4b:s1+s3], $0x80, v3, vm0, $0xb8;
	[tilespmem:$0x10100] =	vst v63  }
0xfd: {  	s31 =	simm.s32 $0xC900  }
0xfe: {  	[tilespmem:s31], [sflag:$0x1] =	stream.indirect_vreg.gather [hbm4b:s5+s3], $0x80, v3, vm0, $0xb8;
	[tilespmem:$0x10100] =	vst v63  }
0xff: {  	s31 =	simm.s32 $0xD100  }
0x100: {  	[tilespmem:s31], [sflag:$0x1] =	stream.indirect_vreg.gather [hbm4b:s6+s3], $0x80, v3, vm0, $0xb8;
	[tilespmem:$0x10100] =	vst v63  }
0x101: {  	s31 =	simm.s32 $0xD900  }
0x102: {  	[tilespmem:s31], [sflag:$0x1] =	stream.indirect_vreg.gather [hbm4b:s7+s3], $0x80, v3, vm0, $0xb8;
	[tilespmem:$0x10100] =	vst v63  }
0x103: {  	s31 =	simm.s32 $0xE100  }
0x104: {  	[tilespmem:s31], [sflag:$0x1] =	stream.indirect_vreg.gather [hbm4b:s8+s3], $0x80, v3, vm0, $0xb8;
	[tilespmem:$0x10100] =	vst v63  }
0x105: {  	s31 =	simm.s32 $0xE900  }
0x106: {  	[tilespmem:s31], [sflag:$0x1] =	stream.indirect_vreg.gather [hbm4b:s9+s3], $0x80, v3, vm0, $0xb8;
	[tilespmem:$0x10100] =	vst v63  }
0x107: {  	s31 =	simm.s32 $0xF100  }
0x108: {  	[tilespmem:s31], [sflag:$0x1] =	stream.indirect_vreg.gather [hbm4b:s10+s3], $0x80, v3, vm0, $0xb8;
	[tilespmem:$0x10100] =	vst v63  }
0x109: {  	s28 =	simm.s32 $0xF900  }
0x10a: {  	[tilespmem:s28], [sflag:$0x1] =	stream.indirect_vreg.gather [hbm4b:s11+s3], $0x80, v3, vm0, $0xb8;
	[tilespmem:$0x10100] =	vst v63  }
0x10b: {  	_ =	swait.ge [sflag:s30], $0x10000  }
0x10c: {  	[sflag:s30] =	ssyncset.done $0x0  }
0x10d: {  	s28 =	simm.s32 $0x80;
	s0 =	rddreg [dreg:$0x7];
	[sflag:s30] =	ssyncadd.s32 $0xFFFF0000  }
0x10e: {  	[tilespmem:s28], [sflag:$0x2] =	stream.linear.gather [hbm4b:s0+s3], $0x20, $0x38;
	[tilespmem:$0x10100] =	vst v63  }
0x10f: {  	_ =	swait.ge [sflag:s20], $0x20  }
0x110: {  	[sflag:s20] =	ssyncset.done $0x0  }
0x111: {  	[sflag:s20] =	ssyncadd.s32 $0xFFFFFFE0  }
0x112: {  	v3 =	vld [tilespmem:$0x80];
	_ =	sdelay $0x4  }
0x113: {  	v54 =	vshll.u32 v3, $0x4  }
0x114: {  	v3 =	vand.u32 $0x7, v3;
	v4 =	vand.u32 $0xFFFFFF80, v54  }
0x115: {  	v3 =	vor.u32 v3, v4  }
0x116: {  	v4 =	vperm.xlane v3, v0;
	_ =	sdelay $0x1  }
0x117: {  	v4 =	vadd.s32 v1, v4;
	_ =	sdelay $0x3  }
0x118: {  	s28 =	simm.s32 $0x100  }
0x119: {  	[hbm4b:s4+s3] =	stream.indirect_vreg.scatter [tilespmem:s28], [sflag:$0x1], $0x80, v4, vm0, $0xb8;
	[tilespmem:$0x10100] =	vst v63  }
0x11a: {  	s31 =	simm.s32 $0x900  }
0x11b: {  	[hbm4b:s12+s3] =	stream.indirect_vreg.scatter [tilespmem:s31], [sflag:$0x1], $0x80, v4, vm0, $0xb8;
	[tilespmem:$0x10100] =	vst v63  }
0x11c: {  	s19 =	simm.s32 $0x1100  }
0x11d: {  	[hbm4b:s13+s3] =	stream.indirect_vreg.scatter [tilespmem:s19], [sflag:$0x1], $0x80, v4, vm0, $0xb8;
	[tilespmem:$0x10100] =	vst v63  }
0x11e: {  	s2 =	simm.s32 $0x1900  }
0x11f: {  	[hbm4b:s14+s3] =	stream.indirect_vreg.scatter [tilespmem:s2], [sflag:$0x1], $0x80, v4, vm0, $0xb8;
	[tilespmem:$0x10100] =	vst v63  }
0x120: {  	s31 =	simm.s32 $0x2100  }
0x121: {  	[hbm4b:s15+s3] =	stream.indirect_vreg.scatter [tilespmem:s31], [sflag:$0x1], $0x80, v4, vm0, $0xb8;
	[tilespmem:$0x10100] =	vst v63  }
0x122: {  	v3 =	vperm.xlane v3, v2;
	s31 =	simm.s32 $0x2900  }
0x123: {  	[hbm4b:s16+s3] =	stream.indirect_vreg.scatter [tilespmem:s31], [sflag:$0x1], $0x80, v4, vm0, $0xb8;
	[tilespmem:$0x10100] =	vst v63  }
0x124: {  	s21 =	simm.s32 $0x3100;
	v3 =	vadd.s32 v1, v3  }
0x125: {  	[hbm4b:s17+s3] =	stream.indirect_vreg.scatter [tilespmem:s21], [sflag:$0x1], $0x80, v4, vm0, $0xb8;
	[tilespmem:$0x10100] =	vst v63  }
0x126: {  	s22 =	simm.s32 $0x3900  }
0x127: {  	[hbm4b:s18+s3] =	stream.indirect_vreg.scatter [tilespmem:s22], [sflag:$0x1], $0x80, v4, vm0, $0xb8;
	[tilespmem:$0x10100] =	vst v63  }
0x128: {  	s23 =	simm.s32 $0x4100  }
0x129: {  	[hbm4b:s4+s3] =	stream.indirect_vreg.scatter [tilespmem:s23], [sflag:$0x1], $0x80, v3, vm0, $0xb8;
	[tilespmem:$0x10100] =	vst v63  }
0x12a: {  	s31 =	simm.s32 $0x4900  }
0x12b: {  	[hbm4b:s12+s3] =	stream.indirect_vreg.scatter [tilespmem:s31], [sflag:$0x1], $0x80, v3, vm0, $0xb8;
	[tilespmem:$0x10100] =	vst v63  }
0x12c: {  	s24 =	simm.s32 $0x5100  }
0x12d: {  	[hbm4b:s13+s3] =	stream.indirect_vreg.scatter [tilespmem:s24], [sflag:$0x1], $0x80, v3, vm0, $0xb8;
	[tilespmem:$0x10100] =	vst v63  }
0x12e: {  	s31 =	simm.s32 $0x5900  }
0x12f: {  	[hbm4b:s14+s3] =	stream.indirect_vreg.scatter [tilespmem:s31], [sflag:$0x1], $0x80, v3, vm0, $0xb8;
	[tilespmem:$0x10100] =	vst v63  }
0x130: {  	s31 =	simm.s32 $0x6100  }
0x131: {  	[hbm4b:s15+s3] =	stream.indirect_vreg.scatter [tilespmem:s31], [sflag:$0x1], $0x80, v3, vm0, $0xb8;
	[tilespmem:$0x10100] =	vst v63  }
0x132: {  	s31 =	simm.s32 $0x6900  }
0x133: {  	[hbm4b:s16+s3] =	stream.indirect_vreg.scatter [tilespmem:s31], [sflag:$0x1], $0x80, v3, vm0, $0xb8;
	[tilespmem:$0x10100] =	vst v63  }
0x134: {  	s31 =	simm.s32 $0x7100  }
0x135: {  	[hbm4b:s17+s3] =	stream.indirect_vreg.scatter [tilespmem:s31], [sflag:$0x1], $0x80, v3, vm0, $0xb8;
	[tilespmem:$0x10100] =	vst v63  }
0x136: {  	s31 =	simm.s32 $0x7900  }
0x137: {  	[hbm4b:s18+s3] =	stream.indirect_vreg.scatter [tilespmem:s31], [sflag:$0x1], $0x80, v3, vm0, $0xb8;
	[tilespmem:$0x10100] =	vst v63  }
0x138: {  	v3 =	vld [tilespmem:$0x90];
	_ =	sdelay $0x4  }
0x139: {  	v55 =	vshll.u32 v3, $0x4  }
0x13a: {  	v3 =	vand.u32 $0x7, v3;
	v4 =	vand.u32 $0xFFFFFF80, v55  }
0x13b: {  	v3 =	vor.u32 v3, v4  }
0x13c: {  	v4 =	vperm.xlane v3, v0;
	_ =	sdelay $0x1  }
0x13d: {  	v4 =	vadd.s32 v1, v4;
	_ =	sdelay $0x3  }
0x13e: {  	s25 =	simm.s32 $0x8100  }
0x13f: {  	[hbm4b:s4+s3] =	stream.indirect_vreg.scatter [tilespmem:s25], [sflag:$0x1], $0x80, v4, vm0, $0xb8;
	[tilespmem:$0x10100] =	vst v63  }
0x140: {  	s31 =	simm.s32 $0x8900  }
0x141: {  	[hbm4b:s12+s3] =	stream.indirect_vreg.scatter [tilespmem:s31], [sflag:$0x1], $0x80, v4, vm0, $0xb8;
	[tilespmem:$0x10100] =	vst v63  }
0x142: {  	s31 =	simm.s32 $0x9100  }
0x143: {  	[hbm4b:s13+s3] =	stream.indirect_vreg.scatter [tilespmem:s31], [sflag:$0x1], $0x80, v4, vm0, $0xb8;
	[tilespmem:$0x10100] =	vst v63  }
0x144: {  	s31 =	simm.s32 $0x9900  }
0x145: {  	[hbm4b:s14+s3] =	stream.indirect_vreg.scatter [tilespmem:s31], [sflag:$0x1], $0x80, v4, vm0, $0xb8;
	[tilespmem:$0x10100] =	vst v63  }
0x146: {  	s31 =	simm.s32 $0xA100  }
0x147: {  	[hbm4b:s15+s3] =	stream.indirect_vreg.scatter [tilespmem:s31], [sflag:$0x1], $0x80, v4, vm0, $0xb8;
	[tilespmem:$0x10100] =	vst v63  }
0x148: {  	v3 =	vperm.xlane v3, v2;
	s31 =	simm.s32 $0xA900  }
0x149: {  	[hbm4b:s16+s3] =	stream.indirect_vreg.scatter [tilespmem:s31], [sflag:$0x1], $0x80, v4, vm0, $0xb8;
	[tilespmem:$0x10100] =	vst v63  }
0x14a: {  	s26 =	simm.s32 $0xB100;
	v3 =	vadd.s32 v1, v3  }
0x14b: {  	[hbm4b:s17+s3] =	stream.indirect_vreg.scatter [tilespmem:s26], [sflag:$0x1], $0x80, v4, vm0, $0xb8;
	[tilespmem:$0x10100] =	vst v63  }
0x14c: {  	s29 =	simm.s32 $0xB900  }
0x14d: {  	[hbm4b:s18+s3] =	stream.indirect_vreg.scatter [tilespmem:s29], [sflag:$0x1], $0x80, v4, vm0, $0xb8;
	[tilespmem:$0x10100] =	vst v63  }
0x14e: {  	s31 =	simm.s32 $0xC100  }
0x14f: {  	[hbm4b:s4+s3] =	stream.indirect_vreg.scatter [tilespmem:s31], [sflag:$0x1], $0x80, v3, vm0, $0xb8;
	[tilespmem:$0x10100] =	vst v63  }
0x150: {  	s0 =	simm.s32 $0xC900  }
0x151: {  	[hbm4b:s12+s3] =	stream.indirect_vreg.scatter [tilespmem:s0], [sflag:$0x1], $0x80, v3, vm0, $0xb8;
	[tilespmem:$0x10100] =	vst v63  }
0x152: {  	s31 =	simm.s32 $0xD100  }
0x153: {  	[hbm4b:s13+s3] =	stream.indirect_vreg.scatter [tilespmem:s31], [sflag:$0x1], $0x80, v3, vm0, $0xb8;
	[tilespmem:$0x10100] =	vst v63  }
0x154: {  	s31 =	simm.s32 $0xD900  }
0x155: {  	[hbm4b:s14+s3] =	stream.indirect_vreg.scatter [tilespmem:s31], [sflag:$0x1], $0x80, v3, vm0, $0xb8;
	[tilespmem:$0x10100] =	vst v63  }
0x156: {  	s31 =	simm.s32 $0xE100  }
0x157: {  	[hbm4b:s15+s3] =	stream.indirect_vreg.scatter [tilespmem:s31], [sflag:$0x1], $0x80, v3, vm0, $0xb8;
	[tilespmem:$0x10100] =	vst v63  }
0x158: {  	s31 =	simm.s32 $0xE900  }
0x159: {  	[hbm4b:s16+s3] =	stream.indirect_vreg.scatter [tilespmem:s31], [sflag:$0x1], $0x80, v3, vm0, $0xb8;
	[tilespmem:$0x10100] =	vst v63  }
0x15a: {  	s31 =	simm.s32 $0xF100  }
0x15b: {  	[hbm4b:s17+s3] =	stream.indirect_vreg.scatter [tilespmem:s31], [sflag:$0x1], $0x80, v3, vm0, $0xb8;
	[tilespmem:$0x10100] =	vst v63  }
0x15c: {  	s31 =	simm.s32 $0xF900  }
0x15d: {  	[hbm4b:s18+s3] =	stream.indirect_vreg.scatter [tilespmem:s31], [sflag:$0x1], $0x80, v3, vm0, $0xb8;
	[tilespmem:$0x10100] =	vst v63  }
0x15e: {  	_ =	swait.ge [sflag:s30], $0x10000  }
0x15f: {  	[sflag:s30] =	ssyncset.done $0x0  }
0x160: {  	s31 =	rddreg [dreg:$0x8];
	[sflag:s30] =	ssyncadd.s32 $0xFFFF0000  }
0x161: {  	[tilespmem:s3], [sflag:$0x2] =	stream.linear.gather [hbm4b:s31+s3], $0x20, $0x38;
	[tilespmem:$0x10100] =	vst v63  }
0x162: {  	_ =	swait.ge [sflag:s20], $0x20  }
0x163: {  	[sflag:s20] =	ssyncset.done $0x0  }
0x164: {  	[sflag:s20] =	ssyncadd.s32 $0xFFFFFFE0  }
0x165: {  	v3 =	vld [tilespmem:$0x0];
	_ =	sdelay $0x4  }
0x166: {  	v56 =	vshll.u32 v3, $0x4  }
0x167: {  	v3 =	vand.u32 $0x7, v3;
	v4 =	vand.u32 $0xFFFFFF80, v56  }
0x168: {  	v3 =	vor.u32 v3, v4  }
0x169: {  	v4 =	vperm.xlane v3, v0;
	_ =	sdelay $0x1  }
0x16a: {  	v4 =	vadd.s32 v1, v4;
	_ =	sdelay $0x3  }
0x16b: {  	s28 =	simm.s32 $0x100  }
0x16c: {  	[tilespmem:s28], [sflag:$0x1] =	stream.indirect_vreg.gather [hbm4b:s1+s3], $0x80, v4, vm0, $0xb8;
	[tilespmem:$0x10100] =	vst v63  }
0x16d: {  	s31 =	simm.s32 $0x900  }
0x16e: {  	[tilespmem:s31], [sflag:$0x1] =	stream.indirect_vreg.gather [hbm4b:s5+s3], $0x80, v4, vm0, $0xb8;
	[tilespmem:$0x10100] =	vst v63  }
0x16f: {  	s19 =	simm.s32 $0x1100  }
0x170: {  	[tilespmem:s19], [sflag:$0x1] =	stream.indirect_vreg.gather [hbm4b:s6+s3], $0x80, v4, vm0, $0xb8;
	[tilespmem:$0x10100] =	vst v63  }
0x171: {  	s2 =	simm.s32 $0x1900  }
0x172: {  	[tilespmem:s2], [sflag:$0x1] =	stream.indirect_vreg.gather [hbm4b:s7+s3], $0x80, v4, vm0, $0xb8;
	[tilespmem:$0x10100] =	vst v63  }
0x173: {  	s31 =	simm.s32 $0x2100  }
0x174: {  	[tilespmem:s31], [sflag:$0x1] =	stream.indirect_vreg.gather [hbm4b:s8+s3], $0x80, v4, vm0, $0xb8;
	[tilespmem:$0x10100] =	vst v63  }
0x175: {  	v3 =	vperm.xlane v3, v2;
	s31 =	simm.s32 $0x2900  }
0x176: {  	[tilespmem:s31], [sflag:$0x1] =	stream.indirect_vreg.gather [hbm4b:s9+s3], $0x80, v4, vm0, $0xb8;
	[tilespmem:$0x10100] =	vst v63  }
0x177: {  	s21 =	simm.s32 $0x3100;
	v3 =	vadd.s32 v1, v3  }
0x178: {  	[tilespmem:s21], [sflag:$0x1] =	stream.indirect_vreg.gather [hbm4b:s10+s3], $0x80, v4, vm0, $0xb8;
	[tilespmem:$0x10100] =	vst v63  }
0x179: {  	s22 =	simm.s32 $0x3900  }
0x17a: {  	[tilespmem:s22], [sflag:$0x1] =	stream.indirect_vreg.gather [hbm4b:s11+s3], $0x80, v4, vm0, $0xb8;
	[tilespmem:$0x10100] =	vst v63  }
0x17b: {  	s23 =	simm.s32 $0x4100  }
0x17c: {  	[tilespmem:s23], [sflag:$0x1] =	stream.indirect_vreg.gather [hbm4b:s1+s3], $0x80, v3, vm0, $0xb8;
	[tilespmem:$0x10100] =	vst v63  }
0x17d: {  	s31 =	simm.s32 $0x4900  }
0x17e: {  	[tilespmem:s31], [sflag:$0x1] =	stream.indirect_vreg.gather [hbm4b:s5+s3], $0x80, v3, vm0, $0xb8;
	[tilespmem:$0x10100] =	vst v63  }
0x17f: {  	s24 =	simm.s32 $0x5100  }
0x180: {  	[tilespmem:s24], [sflag:$0x1] =	stream.indirect_vreg.gather [hbm4b:s6+s3], $0x80, v3, vm0, $0xb8;
	[tilespmem:$0x10100] =	vst v63  }
0x181: {  	s31 =	simm.s32 $0x5900  }
0x182: {  	[tilespmem:s31], [sflag:$0x1] =	stream.indirect_vreg.gather [hbm4b:s7+s3], $0x80, v3, vm0, $0xb8;
	[tilespmem:$0x10100] =	vst v63  }
0x183: {  	s31 =	simm.s32 $0x6100  }
0x184: {  	[tilespmem:s31], [sflag:$0x1] =	stream.indirect_vreg.gather [hbm4b:s8+s3], $0x80, v3, vm0, $0xb8;
	[tilespmem:$0x10100] =	vst v63  }
0x185: {  	s31 =	simm.s32 $0x6900  }
0x186: {  	[tilespmem:s31], [sflag:$0x1] =	stream.indirect_vreg.gather [hbm4b:s9+s3], $0x80, v3, vm0, $0xb8;
	[tilespmem:$0x10100] =	vst v63  }
0x187: {  	s31 =	simm.s32 $0x7100  }
0x188: {  	[tilespmem:s31], [sflag:$0x1] =	stream.indirect_vreg.gather [hbm4b:s10+s3], $0x80, v3, vm0, $0xb8;
	[tilespmem:$0x10100] =	vst v63  }
0x189: {  	s31 =	simm.s32 $0x7900  }
0x18a: {  	[tilespmem:s31], [sflag:$0x1] =	stream.indirect_vreg.gather [hbm4b:s11+s3], $0x80, v3, vm0, $0xb8;
	[tilespmem:$0x10100] =	vst v63  }
0x18b: {  	v3 =	vld [tilespmem:$0x10];
	_ =	sdelay $0x4  }
0x18c: {  	v57 =	vshll.u32 v3, $0x4  }
0x18d: {  	v3 =	vand.u32 $0x7, v3;
	v4 =	vand.u32 $0xFFFFFF80, v57  }
0x18e: {  	v3 =	vor.u32 v3, v4  }
0x18f: {  	v4 =	vperm.xlane v3, v0;
	_ =	sdelay $0x1  }
0x190: {  	v4 =	vadd.s32 v1, v4;
	_ =	sdelay $0x3  }
0x191: {  	s25 =	simm.s32 $0x8100  }
0x192: {  	[tilespmem:s25], [sflag:$0x1] =	stream.indirect_vreg.gather [hbm4b:s1+s3], $0x80, v4, vm0, $0xb8;
	[tilespmem:$0x10100] =	vst v63  }
0x193: {  	s31 =	simm.s32 $0x8900  }
0x194: {  	[tilespmem:s31], [sflag:$0x1] =	stream.indirect_vreg.gather [hbm4b:s5+s3], $0x80, v4, vm0, $0xb8;
	[tilespmem:$0x10100] =	vst v63  }
0x195: {  	s31 =	simm.s32 $0x9100  }
0x196: {  	[tilespmem:s31], [sflag:$0x1] =	stream.indirect_vreg.gather [hbm4b:s6+s3], $0x80, v4, vm0, $0xb8;
	[tilespmem:$0x10100] =	vst v63  }
0x197: {  	s31 =	simm.s32 $0x9900  }
0x198: {  	[tilespmem:s31], [sflag:$0x1] =	stream.indirect_vreg.gather [hbm4b:s7+s3], $0x80, v4, vm0, $0xb8;
	[tilespmem:$0x10100] =	vst v63  }
0x199: {  	s31 =	simm.s32 $0xA100  }
0x19a: {  	[tilespmem:s31], [sflag:$0x1] =	stream.indirect_vreg.gather [hbm4b:s8+s3], $0x80, v4, vm0, $0xb8;
	[tilespmem:$0x10100] =	vst v63  }
0x19b: {  	v3 =	vperm.xlane v3, v2;
	s31 =	simm.s32 $0xA900  }
0x19c: {  	[tilespmem:s31], [sflag:$0x1] =	stream.indirect_vreg.gather [hbm4b:s9+s3], $0x80, v4, vm0, $0xb8;
	[tilespmem:$0x10100] =	vst v63  }
0x19d: {  	s26 =	simm.s32 $0xB100;
	v3 =	vadd.s32 v1, v3  }
0x19e: {  	[tilespmem:s26], [sflag:$0x1] =	stream.indirect_vreg.gather [hbm4b:s10+s3], $0x80, v4, vm0, $0xb8;
	[tilespmem:$0x10100] =	vst v63  }
0x19f: {  	s29 =	simm.s32 $0xB900  }
0x1a0: {  	[tilespmem:s29], [sflag:$0x1] =	stream.indirect_vreg.gather [hbm4b:s11+s3], $0x80, v4, vm0, $0xb8;
	[tilespmem:$0x10100] =	vst v63  }
0x1a1: {  	s31 =	simm.s32 $0xC100  }
0x1a2: {  	[tilespmem:s31], [sflag:$0x1] =	stream.indirect_vreg.gather [hbm4b:s1+s3], $0x80, v3, vm0, $0xb8;
	[tilespmem:$0x10100] =	vst v63  }
0x1a3: {  	_ = 	snop  }
0x1a4: {  	[tilespmem:s0], [sflag:$0x1] =	stream.indirect_vreg.gather [hbm4b:s5+s3], $0x80, v3, vm0, $0xb8;
	[tilespmem:$0x10100] =	vst v63  }
0x1a5: {  	s29 =	simm.s32 $0xD100  }
0x1a6: {  	[tilespmem:s29], [sflag:$0x1] =	stream.indirect_vreg.gather [hbm4b:s6+s3], $0x80, v3, vm0, $0xb8;
	[tilespmem:$0x10100] =	vst v63  }
0x1a7: {  	s31 =	simm.s32 $0xD900  }
0x1a8: {  	[tilespmem:s31], [sflag:$0x1] =	stream.indirect_vreg.gather [hbm4b:s7+s3], $0x80, v3, vm0, $0xb8;
	[tilespmem:$0x10100] =	vst v63  }
0x1a9: {  	s29 =	simm.s32 $0xE100  }
0x1aa: {  	[tilespmem:s29], [sflag:$0x1] =	stream.indirect_vreg.gather [hbm4b:s8+s3], $0x80, v3, vm0, $0xb8;
	[tilespmem:$0x10100] =	vst v63  }
0x1ab: {  	s31 =	simm.s32 $0xE900  }
0x1ac: {  	[tilespmem:s31], [sflag:$0x1] =	stream.indirect_vreg.gather [hbm4b:s9+s3], $0x80, v3, vm0, $0xb8;
	[tilespmem:$0x10100] =	vst v63  }
0x1ad: {  	s29 =	simm.s32 $0xF100  }
0x1ae: {  	[tilespmem:s29], [sflag:$0x1] =	stream.indirect_vreg.gather [hbm4b:s10+s3], $0x80, v3, vm0, $0xb8;
	[tilespmem:$0x10100] =	vst v63  }
0x1af: {  	s31 =	simm.s32 $0xF900  }
0x1b0: {  	[tilespmem:s31], [sflag:$0x1] =	stream.indirect_vreg.gather [hbm4b:s11+s3], $0x80, v3, vm0, $0xb8;
	[tilespmem:$0x10100] =	vst v63  }
0x1b1: {  	_ =	swait.ge [sflag:s30], $0x10000  }
0x1b2: {  	[sflag:s30] =	ssyncset.done $0x0  }
0x1b3: {  	s0 =	simm.s32 $0x80;
	s31 =	rddreg [dreg:$0x9];
	[sflag:s30] =	ssyncadd.s32 $0xFFFF0000  }
0x1b4: {  	[tilespmem:s0], [sflag:$0x2] =	stream.linear.gather [hbm4b:s31+s3], $0x20, $0x38;
	[tilespmem:$0x10100] =	vst v63  }
0x1b5: {  	_ =	swait.ge [sflag:s20], $0x20  }
0x1b6: {  	[sflag:s20] =	ssyncset.done $0x0  }
0x1b7: {  	[sflag:s20] =	ssyncadd.s32 $0xFFFFFFE0  }
0x1b8: {  	v3 =	vld [tilespmem:$0x80];
	_ =	sdelay $0x4  }
0x1b9: {  	v58 =	vshll.u32 v3, $0x4  }
0x1ba: {  	v3 =	vand.u32 $0x7, v3;
	v4 =	vand.u32 $0xFFFFFF80, v58  }
0x1bb: {  	v3 =	vor.u32 v3, v4  }
0x1bc: {  	v4 =	vperm.xlane v3, v0;
	_ =	sdelay $0x1  }
0x1bd: {  	v4 =	vadd.s32 v1, v4;
	_ =	sdelay $0x3  }
0x1be: {  	s29 =	simm.s32 $0x100  }
0x1bf: {  	[hbm4b:s4+s3] =	stream.indirect_vreg.scatter [tilespmem:s29], [sflag:$0x1], $0x80, v4, vm0, $0xb8;
	[tilespmem:$0x10100] =	vst v63  }
0x1c0: {  	s31 =	simm.s32 $0x900  }
0x1c1: {  	[hbm4b:s12+s3] =	stream.indirect_vreg.scatter [tilespmem:s31], [sflag:$0x1], $0x80, v4, vm0, $0xb8;
	[tilespmem:$0x10100] =	vst v63  }
0x1c2: {  	s19 =	simm.s32 $0x1100  }
0x1c3: {  	[hbm4b:s13+s3] =	stream.indirect_vreg.scatter [tilespmem:s19], [sflag:$0x1], $0x80, v4, vm0, $0xb8;
	[tilespmem:$0x10100] =	vst v63  }
0x1c4: {  	s28 =	simm.s32 $0x1900  }
0x1c5: {  	[hbm4b:s14+s3] =	stream.indirect_vreg.scatter [tilespmem:s28], [sflag:$0x1], $0x80, v4, vm0, $0xb8;
	[tilespmem:$0x10100] =	vst v63  }
0x1c6: {  	s28 =	simm.s32 $0x2100  }
0x1c7: {  	[hbm4b:s15+s3] =	stream.indirect_vreg.scatter [tilespmem:s28], [sflag:$0x1], $0x80, v4, vm0, $0xb8;
	[tilespmem:$0x10100] =	vst v63  }
0x1c8: {  	v3 =	vperm.xlane v3, v2;
	s29 =	simm.s32 $0x2900  }
0x1c9: {  	[hbm4b:s16+s3] =	stream.indirect_vreg.scatter [tilespmem:s29], [sflag:$0x1], $0x80, v4, vm0, $0xb8;
	[tilespmem:$0x10100] =	vst v63  }
0x1ca: {  	s21 =	simm.s32 $0x3100;
	v3 =	vadd.s32 v1, v3  }
0x1cb: {  	[hbm4b:s17+s3] =	stream.indirect_vreg.scatter [tilespmem:s21], [sflag:$0x1], $0x80, v4, vm0, $0xb8;
	[tilespmem:$0x10100] =	vst v63  }
0x1cc: {  	s22 =	simm.s32 $0x3900  }
0x1cd: {  	[hbm4b:s18+s3] =	stream.indirect_vreg.scatter [tilespmem:s22], [sflag:$0x1], $0x80, v4, vm0, $0xb8;
	[tilespmem:$0x10100] =	vst v63  }
0x1ce: {  	s23 =	simm.s32 $0x4100  }
0x1cf: {  	[hbm4b:s4+s3] =	stream.indirect_vreg.scatter [tilespmem:s23], [sflag:$0x1], $0x80, v3, vm0, $0xb8;
	[tilespmem:$0x10100] =	vst v63  }
0x1d0: {  	s21 =	simm.s32 $0x4900  }
0x1d1: {  	[hbm4b:s12+s3] =	stream.indirect_vreg.scatter [tilespmem:s21], [sflag:$0x1], $0x80, v3, vm0, $0xb8;
	[tilespmem:$0x10100] =	vst v63  }
0x1d2: {  	s24 =	simm.s32 $0x5100  }
0x1d3: {  	[hbm4b:s13+s3] =	stream.indirect_vreg.scatter [tilespmem:s24], [sflag:$0x1], $0x80, v3, vm0, $0xb8;
	[tilespmem:$0x10100] =	vst v63  }
0x1d4: {  	s31 =	simm.s32 $0x5900  }
0x1d5: {  	[hbm4b:s14+s3] =	stream.indirect_vreg.scatter [tilespmem:s31], [sflag:$0x1], $0x80, v3, vm0, $0xb8;
	[tilespmem:$0x10100] =	vst v63  }
0x1d6: {  	s19 =	simm.s32 $0x6100  }
0x1d7: {  	[hbm4b:s15+s3] =	stream.indirect_vreg.scatter [tilespmem:s19], [sflag:$0x1], $0x80, v3, vm0, $0xb8;
	[tilespmem:$0x10100] =	vst v63  }
0x1d8: {  	s22 =	simm.s32 $0x6900  }
0x1d9: {  	[hbm4b:s16+s3] =	stream.indirect_vreg.scatter [tilespmem:s22], [sflag:$0x1], $0x80, v3, vm0, $0xb8;
	[tilespmem:$0x10100] =	vst v63  }
0x1da: {  	s23 =	simm.s32 $0x7100  }
0x1db: {  	[hbm4b:s17+s3] =	stream.indirect_vreg.scatter [tilespmem:s23], [sflag:$0x1], $0x80, v3, vm0, $0xb8;
	[tilespmem:$0x10100] =	vst v63  }
0x1dc: {  	s22 =	simm.s32 $0x7900  }
0x1dd: {  	[hbm4b:s18+s3] =	stream.indirect_vreg.scatter [tilespmem:s22], [sflag:$0x1], $0x80, v3, vm0, $0xb8;
	[tilespmem:$0x10100] =	vst v63  }
0x1de: {  	v3 =	vld [tilespmem:$0x90];
	_ =	sdelay $0x4  }
0x1df: {  	v59 =	vshll.u32 v3, $0x4  }
0x1e0: {  	v3 =	vand.u32 $0x7, v3;
	v4 =	vand.u32 $0xFFFFFF80, v59  }
0x1e1: {  	v3 =	vor.u32 v3, v4  }
0x1e2: {  	v4 =	vperm.xlane v3, v0;
	_ =	sdelay $0x1  }
0x1e3: {  	v4 =	vadd.s32 v1, v4;
	_ =	sdelay $0x3  }
0x1e4: {  	s25 =	simm.s32 $0x8100  }
0x1e5: {  	[hbm4b:s4+s3] =	stream.indirect_vreg.scatter [tilespmem:s25], [sflag:$0x1], $0x80, v4, vm0, $0xb8;
	[tilespmem:$0x10100] =	vst v63  }
0x1e6: {  	s24 =	simm.s32 $0x8900  }
0x1e7: {  	[hbm4b:s12+s3] =	stream.indirect_vreg.scatter [tilespmem:s24], [sflag:$0x1], $0x80, v4, vm0, $0xb8;
	[tilespmem:$0x10100] =	vst v63  }
0x1e8: {  	s25 =	simm.s32 $0x9100  }
0x1e9: {  	[hbm4b:s13+s3] =	stream.indirect_vreg.scatter [tilespmem:s25], [sflag:$0x1], $0x80, v4, vm0, $0xb8;
	[tilespmem:$0x10100] =	vst v63  }
0x1ea: {  	s28 =	simm.s32 $0x9900  }
0x1eb: {  	[hbm4b:s14+s3] =	stream.indirect_vreg.scatter [tilespmem:s28], [sflag:$0x1], $0x80, v4, vm0, $0xb8;
	[tilespmem:$0x10100] =	vst v63  }
0x1ec: {  	s23 =	simm.s32 $0xA100  }
0x1ed: {  	[hbm4b:s15+s3] =	stream.indirect_vreg.scatter [tilespmem:s23], [sflag:$0x1], $0x80, v4, vm0, $0xb8;
	[tilespmem:$0x10100] =	vst v63  }
0x1ee: {  	v3 =	vperm.xlane v3, v2;
	s24 =	simm.s32 $0xA900  }
0x1ef: {  	[hbm4b:s16+s3] =	stream.indirect_vreg.scatter [tilespmem:s24], [sflag:$0x1], $0x80, v4, vm0, $0xb8;
	[tilespmem:$0x10100] =	vst v63  }
0x1f0: {  	s26 =	simm.s32 $0xB100;
	v3 =	vadd.s32 v1, v3  }
0x1f1: {  	[hbm4b:s17+s3] =	stream.indirect_vreg.scatter [tilespmem:s26], [sflag:$0x1], $0x80, v4, vm0, $0xb8;
	[tilespmem:$0x10100] =	vst v63  }
0x1f2: {  	s0 =	simm.s32 $0xB900  }
0x1f3: {  	[hbm4b:s18+s3] =	stream.indirect_vreg.scatter [tilespmem:s0], [sflag:$0x1], $0x80, v4, vm0, $0xb8;
	[tilespmem:$0x10100] =	vst v63  }
0x1f4: {  	s29 =	simm.s32 $0xC100  }
0x1f5: {  	[hbm4b:s4+s3] =	stream.indirect_vreg.scatter [tilespmem:s29], [sflag:$0x1], $0x80, v3, vm0, $0xb8;
	[tilespmem:$0x10100] =	vst v63  }
0x1f6: {  	s2 =	simm.s32 $0xC900  }
0x1f7: {  	[hbm4b:s12+s3] =	stream.indirect_vreg.scatter [tilespmem:s2], [sflag:$0x1], $0x80, v3, vm0, $0xb8;
	[tilespmem:$0x10100] =	vst v63  }
0x1f8: {  	s25 =	simm.s32 $0xD100  }
0x1f9: {  	[hbm4b:s13+s3] =	stream.indirect_vreg.scatter [tilespmem:s25], [sflag:$0x1], $0x80, v3, vm0, $0xb8;
	[tilespmem:$0x10100] =	vst v63  }
0x1fa: {  	s26 =	simm.s32 $0xD900  }
0x1fb: {  	[hbm4b:s14+s3] =	stream.indirect_vreg.scatter [tilespmem:s26], [sflag:$0x1], $0x80, v3, vm0, $0xb8;
	[tilespmem:$0x10100] =	vst v63  }
0x1fc: {  	s28 =	simm.s32 $0xE100  }
0x1fd: {  	[hbm4b:s15+s3] =	stream.indirect_vreg.scatter [tilespmem:s28], [sflag:$0x1], $0x80, v3, vm0, $0xb8;
	[tilespmem:$0x10100] =	vst v63  }
0x1fe: {  	s2 =	simm.s32 $0xE900  }
0x1ff: {  	[hbm4b:s16+s3] =	stream.indirect_vreg.scatter [tilespmem:s2], [sflag:$0x1], $0x80, v3, vm0, $0xb8;
	[tilespmem:$0x10100] =	vst v63  }
0x200: {  	s19 =	simm.s32 $0xF100  }
0x201: {  	[hbm4b:s17+s3] =	stream.indirect_vreg.scatter [tilespmem:s19], [sflag:$0x1], $0x80, v3, vm0, $0xb8;
	[tilespmem:$0x10100] =	vst v63  }
0x202: {  	s29 =	simm.s32 $0xF900  }
0x203: {  	[hbm4b:s18+s3] =	stream.indirect_vreg.scatter [tilespmem:s29], [sflag:$0x1], $0x80, v3, vm0, $0xb8;
	[tilespmem:$0x10100] =	vst v63  }
0x204: {  	_ =	swait.ge [sflag:s30], $0x10000  }
0x205: {  	[sflag:s30] =	ssyncset.done $0x0  }
0x206: {  	s31 =	rddreg [dreg:$0xa];
	[sflag:s30] =	ssyncadd.s32 $0xFFFF0000  }
0x207: {  	[tilespmem:s3], [sflag:$0x2] =	stream.linear.gather [hbm4b:s31+s3], $0x20, $0x38;
	[tilespmem:$0x10100] =	vst v63  }
0x208: {  	_ =	swait.ge [sflag:s20], $0x20  }
0x209: {  	[sflag:s20] =	ssyncset.done $0x0  }
0x20a: {  	[sflag:s20] =	ssyncadd.s32 $0xFFFFFFE0  }
0x20b: {  	v3 =	vld [tilespmem:$0x0];
	_ =	sdelay $0x4  }
0x20c: {  	v60 =	vshll.u32 v3, $0x4  }
0x20d: {  	v3 =	vand.u32 $0x7, v3;
	v4 =	vand.u32 $0xFFFFFF80, v60  }
0x20e: {  	v3 =	vor.u32 v3, v4  }
0x20f: {  	v4 =	vperm.xlane v3, v0;
	_ =	sdelay $0x1  }
0x210: {  	v4 =	vadd.s32 v1, v4;
	_ =	sdelay $0x3  }
0x211: {  	s31 =	simm.s32 $0x100  }
0x212: {  	[tilespmem:s31], [sflag:$0x1] =	stream.indirect_vreg.gather [hbm4b:s1+s3], $0x80, v4, vm0, $0xb8;
	[tilespmem:$0x10100] =	vst v63  }
0x213: {  	s31 =	simm.s32 $0x900  }
0x214: {  	[tilespmem:s31], [sflag:$0x1] =	stream.indirect_vreg.gather [hbm4b:s5+s3], $0x80, v4, vm0, $0xb8;
	[tilespmem:$0x10100] =	vst v63  }
0x215: {  	s31 =	simm.s32 $0x1100  }
0x216: {  	[tilespmem:s31], [sflag:$0x1] =	stream.indirect_vreg.gather [hbm4b:s6+s3], $0x80, v4, vm0, $0xb8;
	[tilespmem:$0x10100] =	vst v63  }
0x217: {  	s31 =	simm.s32 $0x1900  }
0x218: {  	[tilespmem:s31], [sflag:$0x1] =	stream.indirect_vreg.gather [hbm4b:s7+s3], $0x80, v4, vm0, $0xb8;
	[tilespmem:$0x10100] =	vst v63  }
0x219: {  	s31 =	simm.s32 $0x2100  }
0x21a: {  	[tilespmem:s31], [sflag:$0x1] =	stream.indirect_vreg.gather [hbm4b:s8+s3], $0x80, v4, vm0, $0xb8;
	[tilespmem:$0x10100] =	vst v63  }
0x21b: {  	v3 =	vperm.xlane v3, v2;
	s31 =	simm.s32 $0x2900  }
0x21c: {  	[tilespmem:s31], [sflag:$0x1] =	stream.indirect_vreg.gather [hbm4b:s9+s3], $0x80, v4, vm0, $0xb8;
	[tilespmem:$0x10100] =	vst v63  }
0x21d: {  	v3 =	vadd.s32 v1, v3;
	s31 =	simm.s32 $0x3100  }
0x21e: {  	[tilespmem:s31], [sflag:$0x1] =	stream.indirect_vreg.gather [hbm4b:s10+s3], $0x80, v4, vm0, $0xb8;
	[tilespmem:$0x10100] =	vst v63  }
0x21f: {  	s31 =	simm.s32 $0x3900  }
0x220: {  	[tilespmem:s31], [sflag:$0x1] =	stream.indirect_vreg.gather [hbm4b:s11+s3], $0x80, v4, vm0, $0xb8;
	[tilespmem:$0x10100] =	vst v63  }
0x221: {  	s31 =	simm.s32 $0x4100  }
0x222: {  	[tilespmem:s31], [sflag:$0x1] =	stream.indirect_vreg.gather [hbm4b:s1+s3], $0x80, v3, vm0, $0xb8;
	[tilespmem:$0x10100] =	vst v63  }
0x223: {  	_ = 	snop  }
0x224: {  	[tilespmem:s21], [sflag:$0x1] =	stream.indirect_vreg.gather [hbm4b:s5+s3], $0x80, v3, vm0, $0xb8;
	[tilespmem:$0x10100] =	vst v63  }
0x225: {  	s31 =	simm.s32 $0x5100  }
0x226: {  	[tilespmem:s31], [sflag:$0x1] =	stream.indirect_vreg.gather [hbm4b:s6+s3], $0x80, v3, vm0, $0xb8;
	[tilespmem:$0x10100] =	vst v63  }
0x227: {  	s31 =	simm.s32 $0x5900  }
0x228: {  	[tilespmem:s31], [sflag:$0x1] =	stream.indirect_vreg.gather [hbm4b:s7+s3], $0x80, v3, vm0, $0xb8;
	[tilespmem:$0x10100] =	vst v63  }
0x229: {  	s31 =	simm.s32 $0x6100  }
0x22a: {  	[tilespmem:s31], [sflag:$0x1] =	stream.indirect_vreg.gather [hbm4b:s8+s3], $0x80, v3, vm0, $0xb8;
	[tilespmem:$0x10100] =	vst v63  }
0x22b: {  	s31 =	simm.s32 $0x6900  }
0x22c: {  	[tilespmem:s31], [sflag:$0x1] =	stream.indirect_vreg.gather [hbm4b:s9+s3], $0x80, v3, vm0, $0xb8;
	[tilespmem:$0x10100] =	vst v63  }
0x22d: {  	s31 =	simm.s32 $0x7100  }
0x22e: {  	[tilespmem:s31], [sflag:$0x1] =	stream.indirect_vreg.gather [hbm4b:s10+s3], $0x80, v3, vm0, $0xb8;
	[tilespmem:$0x10100] =	vst v63  }
0x22f: {  	_ = 	snop  }
0x230: {  	[tilespmem:s22], [sflag:$0x1] =	stream.indirect_vreg.gather [hbm4b:s11+s3], $0x80, v3, vm0, $0xb8;
	[tilespmem:$0x10100] =	vst v63  }
0x231: {  	v3 =	vld [tilespmem:$0x10];
	_ =	sdelay $0x4  }
0x232: {  	v61 =	vshll.u32 v3, $0x4  }
0x233: {  	v3 =	vand.u32 $0x7, v3;
	v4 =	vand.u32 $0xFFFFFF80, v61  }
0x234: {  	v3 =	vor.u32 v3, v4  }
0x235: {  	v4 =	vperm.xlane v3, v0;
	_ =	sdelay $0x1  }
0x236: {  	v4 =	vadd.s32 v1, v4;
	_ =	sdelay $0x3  }
0x237: {  	s31 =	simm.s32 $0x8100  }
0x238: {  	[tilespmem:s31], [sflag:$0x1] =	stream.indirect_vreg.gather [hbm4b:s1+s3], $0x80, v4, vm0, $0xb8;
	[tilespmem:$0x10100] =	vst v63  }
0x239: {  	s31 =	simm.s32 $0x8900  }
0x23a: {  	[tilespmem:s31], [sflag:$0x1] =	stream.indirect_vreg.gather [hbm4b:s5+s3], $0x80, v4, vm0, $0xb8;
	[tilespmem:$0x10100] =	vst v63  }
0x23b: {  	s31 =	simm.s32 $0x9100  }
0x23c: {  	[tilespmem:s31], [sflag:$0x1] =	stream.indirect_vreg.gather [hbm4b:s6+s3], $0x80, v4, vm0, $0xb8;
	[tilespmem:$0x10100] =	vst v63  }
0x23d: {  	s31 =	simm.s32 $0x9900  }
0x23e: {  	[tilespmem:s31], [sflag:$0x1] =	stream.indirect_vreg.gather [hbm4b:s7+s3], $0x80, v4, vm0, $0xb8;
	[tilespmem:$0x10100] =	vst v63  }
0x23f: {  	_ = 	snop  }
0x240: {  	[tilespmem:s23], [sflag:$0x1] =	stream.indirect_vreg.gather [hbm4b:s8+s3], $0x80, v4, vm0, $0xb8;
	[tilespmem:$0x10100] =	vst v63  }
0x241: {  	v3 =	vperm.xlane v3, v2  }
0x242: {  	[tilespmem:s24], [sflag:$0x1] =	stream.indirect_vreg.gather [hbm4b:s9+s3], $0x80, v4, vm0, $0xb8;
	[tilespmem:$0x10100] =	vst v63  }
0x243: {  	v3 =	vadd.s32 v1, v3;
	s31 =	simm.s32 $0xB100  }
0x244: {  	[tilespmem:s31], [sflag:$0x1] =	stream.indirect_vreg.gather [hbm4b:s10+s3], $0x80, v4, vm0, $0xb8;
	[tilespmem:$0x10100] =	vst v63  }
0x245: {  	_ = 	snop  }
0x246: {  	[tilespmem:s0], [sflag:$0x1] =	stream.indirect_vreg.gather [hbm4b:s11+s3], $0x80, v4, vm0, $0xb8;
	[tilespmem:$0x10100] =	vst v63  }
0x247: {  	s31 =	simm.s32 $0xC100  }
0x248: {  	[tilespmem:s31], [sflag:$0x1] =	stream.indirect_vreg.gather [hbm4b:s1+s3], $0x80, v3, vm0, $0xb8;
	[tilespmem:$0x10100] =	vst v63  }
0x249: {  	s31 =	simm.s32 $0xC900  }
0x24a: {  	[tilespmem:s31], [sflag:$0x1] =	stream.indirect_vreg.gather [hbm4b:s5+s3], $0x80, v3, vm0, $0xb8;
	[tilespmem:$0x10100] =	vst v63  }
0x24b: {  	_ = 	snop  }
0x24c: {  	[tilespmem:s25], [sflag:$0x1] =	stream.indirect_vreg.gather [hbm4b:s6+s3], $0x80, v3, vm0, $0xb8;
	[tilespmem:$0x10100] =	vst v63  }
0x24d: {  	_ = 	snop  }
0x24e: {  	[tilespmem:s26], [sflag:$0x1] =	stream.indirect_vreg.gather [hbm4b:s7+s3], $0x80, v3, vm0, $0xb8;
	[tilespmem:$0x10100] =	vst v63  }
0x24f: {  	_ = 	snop  }
0x250: {  	[tilespmem:s28], [sflag:$0x1] =	stream.indirect_vreg.gather [hbm4b:s8+s3], $0x80, v3, vm0, $0xb8;
	[tilespmem:$0x10100] =	vst v63  }
0x251: {  	_ = 	snop  }
0x252: {  	[tilespmem:s2], [sflag:$0x1] =	stream.indirect_vreg.gather [hbm4b:s9+s3], $0x80, v3, vm0, $0xb8;
	[tilespmem:$0x10100] =	vst v63  }
0x253: {  	_ = 	snop  }
0x254: {  	[tilespmem:s19], [sflag:$0x1] =	stream.indirect_vreg.gather [hbm4b:s10+s3], $0x80, v3, vm0, $0xb8;
	[tilespmem:$0x10100] =	vst v63  }
0x255: {  	_ = 	snop  }
0x256: {  	[tilespmem:s29], [sflag:$0x1] =	stream.indirect_vreg.gather [hbm4b:s11+s3], $0x80, v3, vm0, $0xb8;
	[tilespmem:$0x10100] =	vst v63  }
0x257: {  	_ =	swait.ge [sflag:s30], $0x10000  }
0x258: {  	[sflag:s30] =	ssyncset.done $0x0  }
0x259: {  	s29 =	simm.s32 $0x80;
	s31 =	rddreg [dreg:$0xb];
	[sflag:s30] =	ssyncadd.s32 $0xFFFF0000  }
0x25a: {  	[tilespmem:s29], [sflag:$0x2] =	stream.linear.gather [hbm4b:s31+s3], $0x20, $0x38;
	[tilespmem:$0x10100] =	vst v63  }
0x25b: {  	_ =	swait.ge [sflag:s20], $0x20  }
0x25c: {  	[sflag:s20] =	ssyncset.done $0x0  }
0x25d: {  	[sflag:s20] =	ssyncadd.s32 $0xFFFFFFE0  }
0x25e: {  	v3 =	vld [tilespmem:$0x80];
	_ =	sdelay $0x4  }
0x25f: {  	v62 =	vshll.u32 v3, $0x4  }
0x260: {  	v3 =	vand.u32 $0x7, v3;
	v4 =	vand.u32 $0xFFFFFF80, v62  }
0x261: {  	v3 =	vor.u32 v3, v4  }
0x262: {  	v4 =	vperm.xlane v3, v0;
	_ =	sdelay $0x1  }
0x263: {  	v4 =	vadd.s32 v1, v4;
	_ =	sdelay $0x3  }
0x264: {  	s31 =	simm.s32 $0x100  }
0x265: {  	[hbm4b:s4+s3] =	stream.indirect_vreg.scatter [tilespmem:s31], [sflag:$0x1], $0x80, v4, vm0, $0xb8;
	[tilespmem:$0x10100] =	vst v63  }
0x266: {  	s31 =	simm.s32 $0x900  }
0x267: {  	[hbm4b:s12+s3] =	stream.indirect_vreg.scatter [tilespmem:s31], [sflag:$0x1], $0x80, v4, vm0, $0xb8;
	[tilespmem:$0x10100] =	vst v63  }
0x268: {  	s31 =	simm.s32 $0x1100  }
0x269: {  	[hbm4b:s13+s3] =	stream.indirect_vreg.scatter [tilespmem:s31], [sflag:$0x1], $0x80, v4, vm0, $0xb8;
	[tilespmem:$0x10100] =	vst v63  }
0x26a: {  	s31 =	simm.s32 $0x1900  }
0x26b: {  	[hbm4b:s14+s3] =	stream.indirect_vreg.scatter [tilespmem:s31], [sflag:$0x1], $0x80, v4, vm0, $0xb8;
	[tilespmem:$0x10100] =	vst v63  }
0x26c: {  	s31 =	simm.s32 $0x2100  }
0x26d: {  	[hbm4b:s15+s3] =	stream.indirect_vreg.scatter [tilespmem:s31], [sflag:$0x1], $0x80, v4, vm0, $0xb8;
	[tilespmem:$0x10100] =	vst v63  }
0x26e: {  	v3 =	vperm.xlane v3, v2;
	s31 =	simm.s32 $0x2900  }
0x26f: {  	[hbm4b:s16+s3] =	stream.indirect_vreg.scatter [tilespmem:s31], [sflag:$0x1], $0x80, v4, vm0, $0xb8;
	[tilespmem:$0x10100] =	vst v63  }
0x270: {  	v3 =	vadd.s32 v1, v3;
	s31 =	simm.s32 $0x3100  }
0x271: {  	[hbm4b:s17+s3] =	stream.indirect_vreg.scatter [tilespmem:s31], [sflag:$0x1], $0x80, v4, vm0, $0xb8;
	[tilespmem:$0x10100] =	vst v63  }
0x272: {  	s31 =	simm.s32 $0x3900  }
0x273: {  	[hbm4b:s18+s3] =	stream.indirect_vreg.scatter [tilespmem:s31], [sflag:$0x1], $0x80, v4, vm0, $0xb8;
	[tilespmem:$0x10100] =	vst v63  }
0x274: {  	s31 =	simm.s32 $0x4100  }
0x275: {  	[hbm4b:s4+s3] =	stream.indirect_vreg.scatter [tilespmem:s31], [sflag:$0x1], $0x80, v3, vm0, $0xb8;
	[tilespmem:$0x10100] =	vst v63  }
0x276: {  	s21 =	simm.s32 $0x4900  }
0x277: {  	[hbm4b:s12+s3] =	stream.indirect_vreg.scatter [tilespmem:s21], [sflag:$0x1], $0x80, v3, vm0, $0xb8;
	[tilespmem:$0x10100] =	vst v63  }
0x278: {  	s31 =	simm.s32 $0x5100  }
0x279: {  	[hbm4b:s13+s3] =	stream.indirect_vreg.scatter [tilespmem:s31], [sflag:$0x1], $0x80, v3, vm0, $0xb8;
	[tilespmem:$0x10100] =	vst v63  }
0x27a: {  	s29 =	simm.s32 $0x5900  }
0x27b: {  	[hbm4b:s14+s3] =	stream.indirect_vreg.scatter [tilespmem:s29], [sflag:$0x1], $0x80, v3, vm0, $0xb8;
	[tilespmem:$0x10100] =	vst v63  }
0x27c: {  	s31 =	simm.s32 $0x6100  }
0x27d: {  	[hbm4b:s15+s3] =	stream.indirect_vreg.scatter [tilespmem:s31], [sflag:$0x1], $0x80, v3, vm0, $0xb8;
	[tilespmem:$0x10100] =	vst v63  }
0x27e: {  	s29 =	simm.s32 $0x6900  }
0x27f: {  	[hbm4b:s16+s3] =	stream.indirect_vreg.scatter [tilespmem:s29], [sflag:$0x1], $0x80, v3, vm0, $0xb8;
	[tilespmem:$0x10100] =	vst v63  }
0x280: {  	s31 =	simm.s32 $0x7100  }
0x281: {  	[hbm4b:s17+s3] =	stream.indirect_vreg.scatter [tilespmem:s31], [sflag:$0x1], $0x80, v3, vm0, $0xb8;
	[tilespmem:$0x10100] =	vst v63  }
0x282: {  	s22 =	simm.s32 $0x7900  }
0x283: {  	[hbm4b:s18+s3] =	stream.indirect_vreg.scatter [tilespmem:s22], [sflag:$0x1], $0x80, v3, vm0, $0xb8;
	[tilespmem:$0x10100] =	vst v63  }
0x284: {  	v3 =	vld [tilespmem:$0x90];
	_ =	sdelay $0x4  }
0x285: {  	v63 =	vshll.u32 v3, $0x4  }
0x286: {  	v3 =	vand.u32 $0x7, v3;
	v4 =	vand.u32 $0xFFFFFF80, v63  }
0x287: {  	v3 =	vor.u32 v3, v4  }
0x288: {  	v4 =	vperm.xlane v3, v0;
	_ =	sdelay $0x1  }
0x289: {  	v4 =	vadd.s32 v1, v4;
	_ =	sdelay $0x3  }
0x28a: {  	s22 =	simm.s32 $0x8100  }
0x28b: {  	[hbm4b:s4+s3] =	stream.indirect_vreg.scatter [tilespmem:s22], [sflag:$0x1], $0x80, v4, vm0, $0xb8;
	[tilespmem:$0x10100] =	vst v63  }
0x28c: {  	s29 =	simm.s32 $0x8900  }
0x28d: {  	[hbm4b:s12+s3] =	stream.indirect_vreg.scatter [tilespmem:s29], [sflag:$0x1], $0x80, v4, vm0, $0xb8;
	[tilespmem:$0x10100] =	vst v63  }
0x28e: {  	s31 =	simm.s32 $0x9100  }
0x28f: {  	[hbm4b:s13+s3] =	stream.indirect_vreg.scatter [tilespmem:s31], [sflag:$0x1], $0x80, v4, vm0, $0xb8;
	[tilespmem:$0x10100] =	vst v63  }
0x290: {  	s22 =	simm.s32 $0x9900  }
0x291: {  	[hbm4b:s14+s3] =	stream.indirect_vreg.scatter [tilespmem:s22], [sflag:$0x1], $0x80, v4, vm0, $0xb8;
	[tilespmem:$0x10100] =	vst v63  }
0x292: {  	s23 =	simm.s32 $0xA100  }
0x293: {  	[hbm4b:s15+s3] =	stream.indirect_vreg.scatter [tilespmem:s23], [sflag:$0x1], $0x80, v4, vm0, $0xb8;
	[tilespmem:$0x10100] =	vst v63  }
0x294: {  	s24 =	simm.s32 $0xA900;
	v3 =	vperm.xlane v3, v2  }
0x295: {  	[hbm4b:s16+s3] =	stream.indirect_vreg.scatter [tilespmem:s24], [sflag:$0x1], $0x80, v4, vm0, $0xb8;
	[tilespmem:$0x10100] =	vst v63  }
0x296: {  	v3 =	vadd.s32 v1, v3;
	s23 =	simm.s32 $0xB100  }
0x297: {  	[hbm4b:s17+s3] =	stream.indirect_vreg.scatter [tilespmem:s23], [sflag:$0x1], $0x80, v4, vm0, $0xb8;
	[tilespmem:$0x10100] =	vst v63  }
0x298: {  	s24 =	simm.s32 $0xB900  }
0x299: {  	[hbm4b:s18+s3] =	stream.indirect_vreg.scatter [tilespmem:s24], [sflag:$0x1], $0x80, v4, vm0, $0xb8;
	[tilespmem:$0x10100] =	vst v63  }
0x29a: {  	s0 =	simm.s32 $0xC100  }
0x29b: {  	[hbm4b:s4+s3] =	stream.indirect_vreg.scatter [tilespmem:s0], [sflag:$0x1], $0x80, v3, vm0, $0xb8;
	[tilespmem:$0x10100] =	vst v63  }
0x29c: {  	s31 =	simm.s32 $0xC900  }
0x29d: {  	[hbm4b:s12+s3] =	stream.indirect_vreg.scatter [tilespmem:s31], [sflag:$0x1], $0x80, v3, vm0, $0xb8;
	[tilespmem:$0x10100] =	vst v63  }
0x29e: {  	s25 =	simm.s32 $0xD100  }
0x29f: {  	[hbm4b:s13+s3] =	stream.indirect_vreg.scatter [tilespmem:s25], [sflag:$0x1], $0x80, v3, vm0, $0xb8;
	[tilespmem:$0x10100] =	vst v63  }
0x2a0: {  	s26 =	simm.s32 $0xD900  }
0x2a1: {  	[hbm4b:s14+s3] =	stream.indirect_vreg.scatter [tilespmem:s26], [sflag:$0x1], $0x80, v3, vm0, $0xb8;
	[tilespmem:$0x10100] =	vst v63  }
0x2a2: {  	s28 =	simm.s32 $0xE100  }
0x2a3: {  	[hbm4b:s15+s3] =	stream.indirect_vreg.scatter [tilespmem:s28], [sflag:$0x1], $0x80, v3, vm0, $0xb8;
	[tilespmem:$0x10100] =	vst v63  }
0x2a4: {  	s1 =	simm.s32 $0xE900;
	s29 =	rddreg [dreg:$0xc]  }
0x2a5: {  	[hbm4b:s16+s3] =	stream.indirect_vreg.scatter [tilespmem:s1], [sflag:$0x1], $0x80, v3, vm0, $0xb8;
	[tilespmem:$0x10100] =	vst v63  }
0x2a6: {  	s2 =	simm.s32 $0xF100;
	p0 =	sne.s32 s29, $0x1  }
0x2a7: {  	[hbm4b:s17+s3] =	stream.indirect_vreg.scatter [tilespmem:s2], [sflag:$0x1], $0x80, v3, vm0, $0xb8;
	[tilespmem:$0x10100] =	vst v63  }
.Ltmp0:
0x2a8: {  	s19 =	simm.s32 $0xF900;
	(pc) =	sbr.rel @p0 .LBB2_1-.Ltmp0, $4  }
0x2a9: {  	[hbm4b:s18+s3] =	stream.indirect_vreg.scatter [tilespmem:s19], [sflag:$0x1], $0x80, v3, vm0, $0xb8;
	[tilespmem:$0x10100] =	vst v63  }
0x2aa: {  	_ =	swait.ge [sflag:s30], $0x10000  }
0x2ab: {  	[sflag:s30] =	ssyncset.done $0x0  }
0x2ac: {  	s0 =	sadd.s32 $0xFFFFFFFF, s29;
	[sflag:s30] =	ssyncadd.s32 $0xFFFF0000  }
0x2ad: {  	_ =	sfence.sel $0x180000  }
0x2ae: {  	[bflag:$0x0] =	sbarrier.arrive $0xFFFF  }
0x2af: {  	_ =	strace $0x9000004D  }
0x2b0: {  	s0 =	stileid.u32;
	[bflag:$0x2] =	sbarrier.arrive $0xFFFF  }
0x2b1: {  	p0 =	sne.s32 s0, $0x0;
	s0 =	rddreg [dreg:$0x3]  }
0x2b2: {  	s0 =	sadd.s32 @!p0 $0x100000, s0  }
0x2b3: {  	[sflag:s0] =	ssyncadd.tile.s32 @!p0 $0x1;
	_ =	shalt  }
.Lfunc_end2:
_tile_overlayer_lowered:
.L_overlay_start_2:
0x2b4: {  	(tag) =	ssettag $0x2  }
0x2b5: {  	s0 =	rddreg [dreg:$0x0];
	s2 =	stileid.u32  }
0x2b6: {  	s1 =	rddreg [dreg:$0x1];
	p0 =	sne.s32 s2, $0x0  }
0x2b7: {  	s3 =	rddreg [dreg:$0x2];
	[bflag:$0x3] =	sbarrier.arrive $0xFFFF;
	s2 =	simm.s32 @!p0 $0x1C02  }
0x2b8: {  	[timem:s3], [sflag:s2] =	dma.local @!p0 [hbm:s0], s1  }
0x2b9: {  	s0 =	simm.s32 @!p0 $0x2  }
0x2ba: {  	_ =	swait.ge @!p0 [sflag:s0], s1  }
0x2bb: {  	s1 =	ssub.s32 @!p0 $0x0, s1;
	[sflag:s0] =	ssyncset.done @!p0 $0x0  }
0x2bc: {  	[sflag:s0] =	ssyncadd.s32 @!p0 s1  }
0x2bd: {  	[bflag:$0x3] =	sbarrier.arrive $0xFFFF  }
0x2be: {  	_ =	shalt  }

// kernel: kernel.8.cloned.1.call-start
scs
__scs_entry_jumppad:
0x0: {  	(pc) =	sbr.rel $0x88, $3  }
0x1: {  	(tag) =	ssettag $0x0;
	lr =	simm.s32 $0x1  }
0x2: {  	[smem:$0x3F98] =	sst lr;
	_ =	strace $0xD0000000  }
0x3: {  	_ = 	snop  }
0x4: {  	_ = 	snop  }
0x5: {  	_ = 	snop  }
0x6: {  	_ = 	snop  }
0x7: {  	_ = 	snop  }
__scs_overlays_trampoline_lowered:
0x8: {  	[smem:$0x3FA7] =	sst s0  }
0x9: {  	[smem:$0x3FA8] =	sst s1  }
0xa: {  	[smem:$0x3FA9] =	sst s2  }
0xb: {  	[smem:$0x3FAA] =	sst s3  }
0xc: {  	[smem:$0x3FAB] =	sst s4  }
0xd: {  	[smem:$0x3FAC] =	sst s5  }
0xe: {  	[smem:$0x3FAD] =	sst s6  }
0xf: {  	[smem:$0x3FAE] =	sst s7  }
0x10: {  	[smem:$0x3FAF] =	sst s8  }
0x11: {  	[smem:$0x3FB0] =	sst s9;
	s0 =	simm.s32 @!p0 $0x0  }
0x12: {  	s1 =	sld [smem:$0x3F96];
	s0 =	simm.s32 @p0 $0x1  }
0x13: {  	[smem:$0x3FB1] =	sst s0;
	s0 =	simm.s32 @!p1 $0x0  }
0x14: {  	s2 =	sld [smem:$0x3F95];
	s0 =	simm.s32 @p1 $0x1  }
0x15: {  	[smem:$0x3FB2] =	sst s0;
	s0 =	simm.s32 @!p2 $0x0  }
0x16: {  	s3 =	sld [smem:$0x3FDB];
	s0 =	simm.s32 @p2 $0x1  }
0x17: {  	s4 =	simm.s32 $0x1BF5;
	[smem:$0x3FB4] =	sst s0  }
0x18: {  	s0 =	sld [smem:$0x3F97];
	_ =	swait.ge [sflag:s4], $0x0  }
0x19: {  	s7 =	sld [smem:$0x3F98]  }
0x1a: {  	s8 =	sadd.s32 $0xFFFFE003, lr  }
0x1b: {  	s9 =	sadd.s32 $0xFFFFFEF7, lr;
	s5 =	simm.s32 $0xFFFFFFFF;
	p2 =	slt.u32 s8, $0xFFFFF086  }
0x1c: {  	p1 =	slt.u32 s9, $0xF7A;
	s5 =	simm.s32 @!p2 $0x0  }
0x1d: {  	s5 =	simm.s32 @p1 $0x1;
	p0 =	seq.s32 s7, s2  }
0x1e: {  	s7 =	smul.u32 @!p0 $0xF7A, s2;
	p2 =	seq.s32 @!p0 s5, $0x0  }
0x1f: {  	s9 =	smul.u32 $0xF7A, s1;
	s8 =	simm.s32 @!p0 $0x1BF5;
	p2 =	por !p2, p0  }
0x20: {  	[sflag:s8] =	ssyncset.s32 @!p0 $0xFFFFF086;
	s6 =	sadd.s32 @!p0 s3, s7;
	s7 =	simm.s32 @!p0 $0x108  }
0x21: {  	s3 =	sadd.s32 s3, s9;
	s6 =	sadd.s32 @!p0 $0x88, s6;
	s7 =	simm.s32 @p2 $0x1082  }
0x22: {  	[simem:s7], [sflag:s8] =	dma.local @!p0 [hbm:s6], $0xF7A  }
0x23: {  	s9 =	sor.u32 $0xD0000000, s2;
	s6 =	simm.s32 $0x108;
	_ =	swait.ge @!p0 [sflag:s8], $0x0  }
0x24: {  	s3 =	sadd.s32 $0x88, s3;
	s6 =	simm.s32 @!p1 $0x1082;
	[sflag:s4] =	ssyncset.s32 $0xFFFFF086  }
0x25: {  	[simem:s6], [sflag:s4] =	dma.local [hbm:s3], $0xF7A  }
0x26: {  	[smem:$0x3F98] =	sst s1;
	(tag) =	ssettag s2;
	_ =	strace s9  }
0x27: {  	s1 =	sld [smem:$0x3FA8]  }
0x28: {  	s2 =	sld [smem:$0x3FA9]  }
0x29: {  	s4 =	sld [smem:$0x3FAB]  }
0x2a: {  	p0 =	seq.s32 s5, $0x0;
	s5 =	sld [smem:$0x3FAC]  }
0x2b: {  	s6 =	sld [smem:$0x3FAD]  }
0x2c: {  	s7 =	sld [smem:$0x3FAE]  }
0x2d: {  	s3 =	simm.s32 $0x108;
	s8 =	sld [smem:$0x3FAF]  }
0x2e: {  	s3 =	simm.s32 @!p0 $0x1082;
	s9 =	sld [smem:$0x3FB0]  }
0x2f: {  	lr =	sadd.s32 s0, s3;
	s0 =	sld [smem:$0x3FA7]  }
0x30: {  	s3 =	sld [smem:$0x3FAA]  }
0x31: {  	[smem:$0x3FB3] =	sst s10  }
0x32: {  	s10 =	sld [smem:$0x3FB1];
	_ =	sdelay $0x3  }
0x33: {  	p0 =	seq.s32 s10, $0x1;
	s10 =	sld [smem:$0x3FB3];
	_ =	sdelay $0x3  }
0x34: {  	[smem:$0x3FB3] =	sst s10  }
0x35: {  	s10 =	sld [smem:$0x3FB2];
	_ =	sdelay $0x3  }
0x36: {  	p1 =	seq.s32 s10, $0x1;
	s10 =	sld [smem:$0x3FB3];
	_ =	sdelay $0x3  }
0x37: {  	[smem:$0x3FB3] =	sst s10  }
0x38: {  	s10 =	sld [smem:$0x3FB4]  }
0x39: {  	_ = 	snop;
	(pc) =	sbr.ind lr, $3  }
0x3a: {  	_ = 	snop  }
0x3b: {  	_ = 	snop  }
0x3c: {  	p2 =	seq.s32 s10, $0x1;
	s10 =	sld [smem:$0x3FB3]  }
0x3d: {  	_ =	shalt  }
0x3e: {  	_ =	shalt  }
0x3f: {  	_ =	shalt  }
0x40: {  	_ =	shalt  }
0x41: {  	_ =	shalt  }
0x42: {  	_ =	shalt  }
0x43: {  	_ =	shalt  }
0x44: {  	_ =	shalt  }
0x45: {  	_ =	shalt  }
0x46: {  	_ =	shalt  }
0x47: {  	_ =	shalt  }
0x48: {  	_ =	shalt  }
0x49: {  	_ =	shalt  }
0x4a: {  	_ =	shalt  }
0x4b: {  	_ =	shalt  }
0x4c: {  	_ =	shalt  }
0x4d: {  	_ =	shalt  }
0x4e: {  	_ =	shalt  }
0x4f: {  	_ =	shalt  }
0x50: {  	_ =	shalt  }
0x51: {  	_ =	shalt  }
0x52: {  	_ =	shalt  }
0x53: {  	_ =	shalt  }
0x54: {  	_ =	shalt  }
0x55: {  	_ =	shalt  }
0x56: {  	_ =	shalt  }
0x57: {  	_ =	shalt  }
0x58: {  	_ =	shalt  }
0x59: {  	_ =	shalt  }
0x5a: {  	_ =	shalt  }
0x5b: {  	_ =	shalt  }
0x5c: {  	_ =	shalt  }
0x5d: {  	_ =	shalt  }
0x5e: {  	_ =	shalt  }
0x5f: {  	_ =	shalt  }
0x60: {  	_ =	shalt  }
0x61: {  	_ =	shalt  }
0x62: {  	_ =	shalt  }
0x63: {  	_ =	shalt  }
0x64: {  	_ =	shalt  }
0x65: {  	_ =	shalt  }
0x66: {  	_ =	shalt  }
0x67: {  	_ =	shalt  }
0x68: {  	_ =	shalt  }
0x69: {  	_ =	shalt  }
0x6a: {  	_ =	shalt  }
0x6b: {  	_ =	shalt  }
0x6c: {  	_ =	shalt  }
0x6d: {  	_ =	shalt  }
0x6e: {  	_ =	shalt  }
0x6f: {  	_ =	shalt  }
0x70: {  	_ =	shalt  }
0x71: {  	_ =	shalt  }
0x72: {  	_ =	shalt  }
0x73: {  	_ =	shalt  }
0x74: {  	_ =	shalt  }
0x75: {  	_ =	shalt  }
0x76: {  	_ =	shalt  }
0x77: {  	_ =	shalt  }
0x78: {  	_ =	shalt  }
0x79: {  	_ =	shalt  }
0x7a: {  	_ =	shalt  }
0x7b: {  	_ =	shalt  }
0x7c: {  	_ =	shalt  }
0x7d: {  	_ =	shalt  }
0x7e: {  	_ =	shalt  }
0x7f: {  	_ =	shalt  }
0x80: {  	_ =	shalt  }
0x81: {  	_ =	shalt  }
0x82: {  	_ =	shalt  }
0x83: {  	_ =	shalt  }
0x84: {  	_ =	shalt  }
0x85: {  	_ =	shalt  }
0x86: {  	_ =	shalt  }
0x87: {  	_ =	shalt  }
.Lfunc_end0:
.L_simem_size_0:
called_computation.3_lowered:
.L_overlay_start_0:
0x88: {  	s2 =	sld [smem:$0x3FD9]  }
0x89: {  	s3 =	sld [smem:$0x3FFE];
	_ =	sdelay $0x1  }
0x8a: {  	s1 =	srdreg.scid  }
0x8b: {  	s0 =	sand.u32 $0x1, s1  }
0x8c: {  	s17 =	sshll.u32 s0, $0xA;
	s2 =	sadd.s32 s3, s2  }
0x8d: {  	s2 =	sadd.s32 s2, s17  }
0x8e: {  	[smem:$0x3FBF] =	sst s2  }
0x8f: {  	_ = 	snop  }
0x90: {  	s2 =	sld [smem:$0x3FD0];
	(tm) =	ssettm $0x1  }
0x91: {  	s18 =	sld [smem:$0x3FFB];
	_ =	sdelay $0x3  }
0x92: {  	_ =	strace s18  }
0x93: {  	s3 =	sld [smem:$0x3FFC];
	_ =	sdelay $0x3  }
0x94: {  	_ =	strace s3  }
0x95: {  	s3 =	sld [smem:$0x3FFD];
	_ =	sdelay $0x3  }
0x96: {  	_ =	strace s3  }
0x97: {  	_ =	strace $0x8FFFFFFF  }
0x98: {  	s19 =	sld [smem:$0x3FDB];
	_ =	sdelay $0x1  }
0x99: {  	s4 =	simm.s32 $_scs_section_size  }
0x9a: {  	s5 =	simm.s32 $_size__tile_overlayer_lowered;
	s6 =	simm.s32 $_tile_overlayer_lowered  }
0x9b: {  	s22 =	simm.s32 $0x1BFF;
	s21 =	sshll.u32 s6, $0x1;
	s3 =	sadd.s32 s4, s19  }
0x9c: {  	s7 =	simm.s32 $0x0;
	s20 =	sshll.u32 s5, $0x1;
	s5 =	sadd.s32 s21, s3  }
0x9d: {  	[timem:s7], [sflag:s22] =	dma.local [hbm:s5], s20  }
0x9e: {  	_ =	swait.ge [sflag:s22], s20  }
0x9f: {  	s4 =	ssub.s32 $0x0, s20;
	[sflag:s22] =	ssyncset.done $0x0  }
0xa0: {  	[sflag:s22] =	ssyncadd.s32 s4;
	_ =	sdelay $0x1  }
0xa1: {  	s23 =	simm.s32 $0x1B8B  }
0xa2: {  	_ =	swait.ge [sflag:s23], $0x1  }
0xa3: {  	[sflag:s23] =	ssyncset.done $0x0  }
0xa4: {  	s25 =	simm.s32 $0x1B8E;
	s24 =	sld [smem:$0x3FFE];
	[sflag:s23] =	ssyncadd.s32 $0xFFFFFFFF  }
0xa5: {  	s26 =	simm.s32 $execute0_lowered;
	[smem:$0x3FD2] =	sst s25  }
0xa6: {  	s5 =	sshll.u32 s26, $0x1;
	_ =	strace $0x8000004F;
	[dreg:$0x1] =	wrdreg $0xFFFFFFFF  }
0xa7: {  	s28 =	simm.s32 $_size_execute0_lowered;
	s3 =	sadd.s32 s3, s5;
	[dreg:$0x0] =	wrdreg $0x0  }
0xa8: {  	s5 =	sshll.u32 s28, $0x1;
	[dreg:$0x2] =	wrdreg s3  }
0xa9: {  	[dreg:$0x3] =	wrdreg s5  }
0xaa: {  	[dreg:$0x4] =	wrdreg $0xC0  }
0xab: {  	_ =	task [dreg:s7], $0x5FFFF  }
0xac: {  	[dreg:$0x1] =	wrdreg $0xFFFFFFFF  }
0xad: {  	[dreg:$0x0] =	wrdreg $0x60  }
0xae: {  	[dreg:$0x2] =	wrdreg s24  }
0xaf: {  	[dreg:$0x3] =	wrdreg s2  }
0xb0: {  	[dreg:$0x4] =	wrdreg $0x9  }
0xb1: {  	_ =	task.clear_ibuf [dreg:s7], $0x5FFFF;
	_ =	strace $0x9000004F  }
0xb2: {  	s29 =	simm.s32 $0x9;
	_ =	strace $0x80000051  }
0xb3: {  	_ =	swait.ge [sflag:s29], $0x1  }
0xb4: {  	[sflag:s29] =	ssyncadd.s32 $0xFFFFFFFF  }
0xb5: {  	_ =	strace $0x90000051  }
0xb6: {  	_ =	sfence  }
0xb7: {  	s30 =	sld [smem:$0x0];
	_ =	sdelay $0x2  }
0xb8: {  	s31 =	sshll.u32 s1, $0xD;
	s1 =	sshrl.u32 s1, $0x2  }
0xb9: {  	s3 =	sand.u32 $0x4000, s31;
	s1 =	sadd.s32 s1, s30  }
0xba: {  	s0 =	sor.u32 s3, s0;
	s1 =	sshll.u32 s1, $0x11  }
0xbb: {  	s0 =	sor.u32 s1, s0  }
0xbc: {  	s0 =	sadd.s32 $0x8F2B, s0  }
0xbd: {  	[sflag:s0] =	ssyncadd.remote.s32 $0x1  }
0xbe: {  	_ =	sfence.sel $0xFFFF  }
0xbf: {  	[dreg:$0x0] =	wrdreg $0xFFFFFFFF;
	(pc) =	sbr.abs _section_cstart, $3  }
0xc0: {  	[dreg:$0x1] =	wrdreg $0xFFFFFFFF  }
0xc1: {  	_ =	task.clear_ibuf [dreg:s7], $0x2FFFF;
	_ =	strace $0x9FFFFFFF  }
0xc2: {  	(tm) =	ssettm $0x7FFFFFFF  }
0xc3: {  	_ =	shalt  }
tec
execute0_lowered:
.L_overlay_start_1:
0x0: {  	(tag) =	ssettag $0x1  }
0x1: {  	s0 =	rddreg [dreg:$0x0]  }
0x2: {  	s2 =	rddreg [dreg:$0x1];
	s1 =	simm.s32 $0x0;
	s3 =	srdreg.scid  }
0x3: {  	s7 =	stileid.u32;
	s20 =	simm.s32 $0x2;
	s30 =	simm.s32 $0x1  }
0x4: {  	[smem:$0x7FF] =	sst s1;
	s4 =	sand.u32 $0x1, s3;
	s3 =	sadd.s32 $0x308200, s0  }
0x5: {  	s7 =	sshll.u32 s7, $0x5;
	s9 =	sadd.s32 $0x308700, s0;
	s10 =	sadd.s32 $0x308800, s0  }
0x6: {  	s11 =	sadd.s32 $0x308900, s0;
	s13 =	sadd.s32 $0x400, s0;
	s18 =	sadd.s32 $0x900, s0  }
0x7: {  	_ =	strace $0x80000050;
	s5 =	ssub.s32 $0x2, s4;
	s8 =	sshll.u32 s4, $0x4  }
0x8: {  	s4 =	sadd.s32 $0x200, s0;
	s6 =	sshrl.u32 s5, $0x1;
	s15 =	sor.u32 s8, s7  }
0x9: {  	s8 =	sadd.s32 $0x308600, s0;
	s19 =	ssub.s32 s5, s6;
	s7 =	sadd.s32 s2, s15  }
0xa: {  	s5 =	sadd.s32 $0x308300, s0;
	s6 =	sadd.s32 $0x308400, s0;
	s12 =	sadd.s32 s0, s15  }
0xb: {  	s14 =	sor.u32 $0x4, s15;
	s17 =	sor.u32 $0x8, s15;
	[dreg:$0x3] =	wrdreg s7  }
0xc: {  	s29 =	sor.u32 $0xC, s15;
	[dreg:$0x4] =	wrdreg s12;
	s16 =	sadd.s32 s2, s14  }
0xd: {  	s15 =	sadd.s32 $0x600, s0;
	s25 =	sadd.s32 s0, s14;
	[dreg:$0x5] =	wrdreg s16  }
0xe: {  	s7 =	sadd.s32 $0x308500, s0;
	s26 =	sadd.s32 s2, s17;
	[dreg:$0x6] =	wrdreg s25  }
0xf: {  	s12 =	sadd.s32 $0x300, s0;
	s28 =	sadd.s32 s0, s17;
	[dreg:$0x7] =	wrdreg s26  }
0x10: {  	v2 =	vlaneseq.u32;
	s14 =	sadd.s32 $0x500, s0;
	s2 =	sadd.s32 s2, s29;
	[dreg:$0x8] =	wrdreg s28  }
0x11: {  	vm0 =	vmmov $0xffff;
	v1 =	vshrl.u32 v2, $0x3;
	s31 =	sadd.s32 s0, s29;
	s17 =	sadd.s32 $0x800, s0;
	[dreg:$0x9] =	wrdreg s2  }
0x12: {  	v0 =	vand.u32 $0x7, v2;
	v2 =	vor.u32 $0x8, v2;
	v1 =	vmul.u32 $0x8, v1;
	s16 =	sadd.s32 $0x700, s0;
	[dreg:$0xa] =	wrdreg s31;
	s0 =	smax.u32 s19, $0x1  }
.LBB2_1:
0x13: {  	[dreg:$0xb] =	wrdreg s0  }
0x14: {  	s31 =	rddreg [dreg:$0x3]  }
0x15: {  	[tilespmem:s1], [sflag:$0x2] =	stream.linear.gather [hbm4b:s31+s1], $0x20, $0x38;
	[tilespmem:$0x10100] =	vst v63  }
0x16: {  	_ =	swait.ge [sflag:s20], $0x20  }
0x17: {  	[sflag:s20] =	ssyncset.done $0x0  }
0x18: {  	[sflag:s20] =	ssyncadd.s32 $0xFFFFFFE0  }
0x19: {  	v3 =	vld [tilespmem:$0x0];
	_ =	sdelay $0x4  }
0x1a: {  	v4 =	vshll.u32 v3, $0x4  }
0x1b: {  	v3 =	vand.u32 $0x7, v3;
	v4 =	vand.u32 $0xFFFFFF80, v4  }
0x1c: {  	v3 =	vor.u32 v3, v4  }
0x1d: {  	v4 =	vperm.xlane v3, v0;
	_ =	sdelay $0x1  }
0x1e: {  	v4 =	vadd.s32 v1, v4;
	_ =	sdelay $0x3  }
0x1f: {  	s26 =	simm.s32 $0x100  }
0x20: {  	[tilespmem:s26], [sflag:$0x1] =	stream.indirect_vreg.gather [hbm4b:s3+s1], $0x80, v4, vm0, $0xb8;
	[tilespmem:$0x10100] =	vst v63  }
0x21: {  	s28 =	simm.s32 $0x900  }
0x22: {  	[tilespmem:s28], [sflag:$0x1] =	stream.indirect_vreg.gather [hbm4b:s5+s1], $0x80, v4, vm0, $0xb8;
	[tilespmem:$0x10100] =	vst v63  }
0x23: {  	s29 =	simm.s32 $0x1100  }
0x24: {  	[tilespmem:s29], [sflag:$0x1] =	stream.indirect_vreg.gather [hbm4b:s6+s1], $0x80, v4, vm0, $0xb8;
	[tilespmem:$0x10100] =	vst v63  }
0x25: {  	s31 =	simm.s32 $0x1900  }
0x26: {  	[tilespmem:s31], [sflag:$0x1] =	stream.indirect_vreg.gather [hbm4b:s7+s1], $0x80, v4, vm0, $0xb8;
	[tilespmem:$0x10100] =	vst v63  }
0x27: {  	s2 =	simm.s32 $0x2100  }
0x28: {  	[tilespmem:s2], [sflag:$0x1] =	stream.indirect_vreg.gather [hbm4b:s8+s1], $0x80, v4, vm0, $0xb8;
	[tilespmem:$0x10100] =	vst v63  }
0x29: {  	s19 =	simm.s32 $0x2900;
	v3 =	vperm.xlane v3, v2  }
0x2a: {  	[tilespmem:s19], [sflag:$0x1] =	stream.indirect_vreg.gather [hbm4b:s9+s1], $0x80, v4, vm0, $0xb8;
	[tilespmem:$0x10100] =	vst v63  }
0x2b: {  	s21 =	simm.s32 $0x3100;
	v3 =	vadd.s32 v1, v3  }
0x2c: {  	[tilespmem:s21], [sflag:$0x1] =	stream.indirect_vreg.gather [hbm4b:s10+s1], $0x80, v4, vm0, $0xb8;
	[tilespmem:$0x10100] =	vst v63  }
0x2d: {  	s24 =	simm.s32 $0x3900  }
0x2e: {  	[tilespmem:s24], [sflag:$0x1] =	stream.indirect_vreg.gather [hbm4b:s11+s1], $0x80, v4, vm0, $0xb8;
	[tilespmem:$0x10100] =	vst v63  }
0x2f: {  	s25 =	simm.s32 $0x4100  }
0x30: {  	[tilespmem:s25], [sflag:$0x1] =	stream.indirect_vreg.gather [hbm4b:s3+s1], $0x80, v3, vm0, $0xb8;
	[tilespmem:$0x10100] =	vst v63  }
0x31: {  	s26 =	simm.s32 $0x4900  }
0x32: {  	[tilespmem:s26], [sflag:$0x1] =	stream.indirect_vreg.gather [hbm4b:s5+s1], $0x80, v3, vm0, $0xb8;
	[tilespmem:$0x10100] =	vst v63  }
0x33: {  	s28 =	simm.s32 $0x5100  }
0x34: {  	[tilespmem:s28], [sflag:$0x1] =	stream.indirect_vreg.gather [hbm4b:s6+s1], $0x80, v3, vm0, $0xb8;
	[tilespmem:$0x10100] =	vst v63  }
0x35: {  	s29 =	simm.s32 $0x5900  }
0x36: {  	[tilespmem:s29], [sflag:$0x1] =	stream.indirect_vreg.gather [hbm4b:s7+s1], $0x80, v3, vm0, $0xb8;
	[tilespmem:$0x10100] =	vst v63  }
0x37: {  	s0 =	simm.s32 $0x6100  }
0x38: {  	[tilespmem:s0], [sflag:$0x1] =	stream.indirect_vreg.gather [hbm4b:s8+s1], $0x80, v3, vm0, $0xb8;
	[tilespmem:$0x10100] =	vst v63  }
0x39: {  	s2 =	simm.s32 $0x6900  }
0x3a: {  	[tilespmem:s2], [sflag:$0x1] =	stream.indirect_vreg.gather [hbm4b:s9+s1], $0x80, v3, vm0, $0xb8;
	[tilespmem:$0x10100] =	vst v63  }
0x3b: {  	s19 =	simm.s32 $0x7100  }
0x3c: {  	[tilespmem:s19], [sflag:$0x1] =	stream.indirect_vreg.gather [hbm4b:s10+s1], $0x80, v3, vm0, $0xb8;
	[tilespmem:$0x10100] =	vst v63  }
0x3d: {  	s21 =	simm.s32 $0x7900  }
0x3e: {  	[tilespmem:s21], [sflag:$0x1] =	stream.indirect_vreg.gather [hbm4b:s11+s1], $0x80, v3, vm0, $0xb8;
	[tilespmem:$0x10100] =	vst v63  }
0x3f: {  	v3 =	vld [tilespmem:$0x10];
	_ =	sdelay $0x4  }
0x40: {  	v49 =	vshll.u32 v3, $0x4  }
0x41: {  	v3 =	vand.u32 $0x7, v3;
	v4 =	vand.u32 $0xFFFFFF80, v49  }
0x42: {  	v3 =	vor.u32 v3, v4  }
0x43: {  	v4 =	vperm.xlane v3, v0;
	_ =	sdelay $0x1  }
0x44: {  	v4 =	vadd.s32 v1, v4;
	_ =	sdelay $0x3  }
0x45: {  	s24 =	simm.s32 $0x8100  }
0x46: {  	[tilespmem:s24], [sflag:$0x1] =	stream.indirect_vreg.gather [hbm4b:s3+s1], $0x80, v4, vm0, $0xb8;
	[tilespmem:$0x10100] =	vst v63  }
0x47: {  	s26 =	simm.s32 $0x8900  }
0x48: {  	[tilespmem:s26], [sflag:$0x1] =	stream.indirect_vreg.gather [hbm4b:s5+s1], $0x80, v4, vm0, $0xb8;
	[tilespmem:$0x10100] =	vst v63  }
0x49: {  	s29 =	simm.s32 $0x9100  }
0x4a: {  	[tilespmem:s29], [sflag:$0x1] =	stream.indirect_vreg.gather [hbm4b:s6+s1], $0x80, v4, vm0, $0xb8;
	[tilespmem:$0x10100] =	vst v63  }
0x4b: {  	s0 =	simm.s32 $0x9900  }
0x4c: {  	[tilespmem:s0], [sflag:$0x1] =	stream.indirect_vreg.gather [hbm4b:s7+s1], $0x80, v4, vm0, $0xb8;
	[tilespmem:$0x10100] =	vst v63  }
0x4d: {  	s2 =	simm.s32 $0xA100  }
0x4e: {  	[tilespmem:s2], [sflag:$0x1] =	stream.indirect_vreg.gather [hbm4b:s8+s1], $0x80, v4, vm0, $0xb8;
	[tilespmem:$0x10100] =	vst v63  }
0x4f: {  	s19 =	simm.s32 $0xA900;
	v3 =	vperm.xlane v3, v2  }
0x50: {  	[tilespmem:s19], [sflag:$0x1] =	stream.indirect_vreg.gather [hbm4b:s9+s1], $0x80, v4, vm0, $0xb8;
	[tilespmem:$0x10100] =	vst v63  }
0x51: {  	s21 =	simm.s32 $0xB100;
	v3 =	vadd.s32 v1, v3  }
0x52: {  	[tilespmem:s21], [sflag:$0x1] =	stream.indirect_vreg.gather [hbm4b:s10+s1], $0x80, v4, vm0, $0xb8;
	[tilespmem:$0x10100] =	vst v63  }
0x53: {  	s24 =	simm.s32 $0xB900  }
0x54: {  	[tilespmem:s24], [sflag:$0x1] =	stream.indirect_vreg.gather [hbm4b:s11+s1], $0x80, v4, vm0, $0xb8;
	[tilespmem:$0x10100] =	vst v63  }
0x55: {  	s0 =	simm.s32 $0xC100  }
0x56: {  	[tilespmem:s0], [sflag:$0x1] =	stream.indirect_vreg.gather [hbm4b:s3+s1], $0x80, v3, vm0, $0xb8;
	[tilespmem:$0x10100] =	vst v63  }
0x57: {  	s2 =	simm.s32 $0xC900  }
0x58: {  	[tilespmem:s2], [sflag:$0x1] =	stream.indirect_vreg.gather [hbm4b:s5+s1], $0x80, v3, vm0, $0xb8;
	[tilespmem:$0x10100] =	vst v63  }
0x59: {  	s19 =	simm.s32 $0xD100  }
0x5a: {  	[tilespmem:s19], [sflag:$0x1] =	stream.indirect_vreg.gather [hbm4b:s6+s1], $0x80, v3, vm0, $0xb8;
	[tilespmem:$0x10100] =	vst v63  }
0x5b: {  	s21 =	simm.s32 $0xD900  }
0x5c: {  	[tilespmem:s21], [sflag:$0x1] =	stream.indirect_vreg.gather [hbm4b:s7+s1], $0x80, v3, vm0, $0xb8;
	[tilespmem:$0x10100] =	vst v63  }
0x5d: {  	s24 =	simm.s32 $0xE100  }
0x5e: {  	[tilespmem:s24], [sflag:$0x1] =	stream.indirect_vreg.gather [hbm4b:s8+s1], $0x80, v3, vm0, $0xb8;
	[tilespmem:$0x10100] =	vst v63  }
0x5f: {  	s0 =	simm.s32 $0xE900  }
0x60: {  	[tilespmem:s0], [sflag:$0x1] =	stream.indirect_vreg.gather [hbm4b:s9+s1], $0x80, v3, vm0, $0xb8;
	[tilespmem:$0x10100] =	vst v63  }
0x61: {  	s2 =	simm.s32 $0xF100  }
0x62: {  	[tilespmem:s2], [sflag:$0x1] =	stream.indirect_vreg.gather [hbm4b:s10+s1], $0x80, v3, vm0, $0xb8;
	[tilespmem:$0x10100] =	vst v63  }
0x63: {  	s19 =	simm.s32 $0xF900  }
0x64: {  	[tilespmem:s19], [sflag:$0x1] =	stream.indirect_vreg.gather [hbm4b:s11+s1], $0x80, v3, vm0, $0xb8;
	[tilespmem:$0x10100] =	vst v63  }
0x65: {  	_ =	swait.ge [sflag:s30], $0x10000  }
0x66: {  	[sflag:s30] =	ssyncset.done $0x0  }
0x67: {  	s24 =	simm.s32 $0x80;
	s21 =	rddreg [dreg:$0x4];
	[sflag:s30] =	ssyncadd.s32 $0xFFFF0000  }
0x68: {  	[tilespmem:s24], [sflag:$0x2] =	stream.linear.gather [hbm4b:s21+s1], $0x20, $0x38;
	[tilespmem:$0x10100] =	vst v63  }
0x69: {  	_ =	swait.ge [sflag:s20], $0x20  }
0x6a: {  	[sflag:s20] =	ssyncset.done $0x0  }
0x6b: {  	[sflag:s20] =	ssyncadd.s32 $0xFFFFFFE0  }
0x6c: {  	v3 =	vld [tilespmem:$0x80];
	_ =	sdelay $0x4  }
0x6d: {  	v50 =	vshll.u32 v3, $0x4  }
0x6e: {  	v3 =	vand.u32 $0x7, v3;
	v4 =	vand.u32 $0xFFFFFF80, v50  }
0x6f: {  	v3 =	vor.u32 v3, v4  }
0x70: {  	v4 =	vperm.xlane v3, v0;
	_ =	sdelay $0x1  }
0x71: {  	v4 =	vadd.s32 v1, v4;
	_ =	sdelay $0x3  }
0x72: {  	s0 =	simm.s32 $0x100  }
0x73: {  	[hbm4b:s4+s1] =	stream.indirect_vreg.scatter [tilespmem:s0], [sflag:$0x1], $0x80, v4, vm0, $0xb8;
	[tilespmem:$0x10100] =	vst v63  }
0x74: {  	s2 =	simm.s32 $0x900  }
0x75: {  	[hbm4b:s12+s1] =	stream.indirect_vreg.scatter [tilespmem:s2], [sflag:$0x1], $0x80, v4, vm0, $0xb8;
	[tilespmem:$0x10100] =	vst v63  }
0x76: {  	s19 =	simm.s32 $0x1100  }
0x77: {  	[hbm4b:s13+s1] =	stream.indirect_vreg.scatter [tilespmem:s19], [sflag:$0x1], $0x80, v4, vm0, $0xb8;
	[tilespmem:$0x10100] =	vst v63  }
0x78: {  	s21 =	simm.s32 $0x1900  }
0x79: {  	[hbm4b:s14+s1] =	stream.indirect_vreg.scatter [tilespmem:s21], [sflag:$0x1], $0x80, v4, vm0, $0xb8;
	[tilespmem:$0x10100] =	vst v63  }
0x7a: {  	s22 =	simm.s32 $0x2100  }
0x7b: {  	[hbm4b:s15+s1] =	stream.indirect_vreg.scatter [tilespmem:s22], [sflag:$0x1], $0x80, v4, vm0, $0xb8;
	[tilespmem:$0x10100] =	vst v63  }
0x7c: {  	s23 =	simm.s32 $0x2900;
	v3 =	vperm.xlane v3, v2  }
0x7d: {  	[hbm4b:s16+s1] =	stream.indirect_vreg.scatter [tilespmem:s23], [sflag:$0x1], $0x80, v4, vm0, $0xb8;
	[tilespmem:$0x10100] =	vst v63  }
0x7e: {  	v3 =	vadd.s32 v1, v3;
	s22 =	simm.s32 $0x3100  }
0x7f: {  	[hbm4b:s17+s1] =	stream.indirect_vreg.scatter [tilespmem:s22], [sflag:$0x1], $0x80, v4, vm0, $0xb8;
	[tilespmem:$0x10100] =	vst v63  }
0x80: {  	s23 =	simm.s32 $0x3900  }
0x81: {  	[hbm4b:s18+s1] =	stream.indirect_vreg.scatter [tilespmem:s23], [sflag:$0x1], $0x80, v4, vm0, $0xb8;
	[tilespmem:$0x10100] =	vst v63  }
0x82: {  	s24 =	simm.s32 $0x4100  }
0x83: {  	[hbm4b:s4+s1] =	stream.indirect_vreg.scatter [tilespmem:s24], [sflag:$0x1], $0x80, v3, vm0, $0xb8;
	[tilespmem:$0x10100] =	vst v63  }
0x84: {  	s31 =	simm.s32 $0x4900  }
0x85: {  	[hbm4b:s12+s1] =	stream.indirect_vreg.scatter [tilespmem:s31], [sflag:$0x1], $0x80, v3, vm0, $0xb8;
	[tilespmem:$0x10100] =	vst v63  }
0x86: {  	s28 =	simm.s32 $0x5100  }
0x87: {  	[hbm4b:s13+s1] =	stream.indirect_vreg.scatter [tilespmem:s28], [sflag:$0x1], $0x80, v3, vm0, $0xb8;
	[tilespmem:$0x10100] =	vst v63  }
0x88: {  	s31 =	simm.s32 $0x5900  }
0x89: {  	[hbm4b:s14+s1] =	stream.indirect_vreg.scatter [tilespmem:s31], [sflag:$0x1], $0x80, v3, vm0, $0xb8;
	[tilespmem:$0x10100] =	vst v63  }
0x8a: {  	s31 =	simm.s32 $0x6100  }
0x8b: {  	[hbm4b:s15+s1] =	stream.indirect_vreg.scatter [tilespmem:s31], [sflag:$0x1], $0x80, v3, vm0, $0xb8;
	[tilespmem:$0x10100] =	vst v63  }
0x8c: {  	s31 =	simm.s32 $0x6900  }
0x8d: {  	[hbm4b:s16+s1] =	stream.indirect_vreg.scatter [tilespmem:s31], [sflag:$0x1], $0x80, v3, vm0, $0xb8;
	[tilespmem:$0x10100] =	vst v63  }
0x8e: {  	s31 =	simm.s32 $0x7100  }
0x8f: {  	[hbm4b:s17+s1] =	stream.indirect_vreg.scatter [tilespmem:s31], [sflag:$0x1], $0x80, v3, vm0, $0xb8;
	[tilespmem:$0x10100] =	vst v63  }
0x90: {  	s25 =	simm.s32 $0x7900  }
0x91: {  	[hbm4b:s18+s1] =	stream.indirect_vreg.scatter [tilespmem:s25], [sflag:$0x1], $0x80, v3, vm0, $0xb8;
	[tilespmem:$0x10100] =	vst v63  }
0x92: {  	v3 =	vld [tilespmem:$0x90];
	_ =	sdelay $0x4  }
0x93: {  	v51 =	vshll.u32 v3, $0x4  }
0x94: {  	v3 =	vand.u32 $0x7, v3;
	v4 =	vand.u32 $0xFFFFFF80, v51  }
0x95: {  	v3 =	vor.u32 v3, v4  }
0x96: {  	v4 =	vperm.xlane v3, v0;
	_ =	sdelay $0x1  }
0x97: {  	v4 =	vadd.s32 v1, v4;
	_ =	sdelay $0x3  }
0x98: {  	s28 =	simm.s32 $0x8100  }
0x99: {  	[hbm4b:s4+s1] =	stream.indirect_vreg.scatter [tilespmem:s28], [sflag:$0x1], $0x80, v4, vm0, $0xb8;
	[tilespmem:$0x10100] =	vst v63  }
0x9a: {  	s31 =	simm.s32 $0x8900  }
0x9b: {  	[hbm4b:s12+s1] =	stream.indirect_vreg.scatter [tilespmem:s31], [sflag:$0x1], $0x80, v4, vm0, $0xb8;
	[tilespmem:$0x10100] =	vst v63  }
0x9c: {  	s31 =	simm.s32 $0x9100  }
0x9d: {  	[hbm4b:s13+s1] =	stream.indirect_vreg.scatter [tilespmem:s31], [sflag:$0x1], $0x80, v4, vm0, $0xb8;
	[tilespmem:$0x10100] =	vst v63  }
0x9e: {  	s31 =	simm.s32 $0x9900  }
0x9f: {  	[hbm4b:s14+s1] =	stream.indirect_vreg.scatter [tilespmem:s31], [sflag:$0x1], $0x80, v4, vm0, $0xb8;
	[tilespmem:$0x10100] =	vst v63  }
0xa0: {  	s26 =	simm.s32 $0xA100  }
0xa1: {  	[hbm4b:s15+s1] =	stream.indirect_vreg.scatter [tilespmem:s26], [sflag:$0x1], $0x80, v4, vm0, $0xb8;
	[tilespmem:$0x10100] =	vst v63  }
0xa2: {  	s29 =	simm.s32 $0xA900;
	v3 =	vperm.xlane v3, v2  }
0xa3: {  	[hbm4b:s16+s1] =	stream.indirect_vreg.scatter [tilespmem:s29], [sflag:$0x1], $0x80, v4, vm0, $0xb8;
	[tilespmem:$0x10100] =	vst v63  }
0xa4: {  	v3 =	vadd.s32 v1, v3;
	s28 =	simm.s32 $0xB100  }
0xa5: {  	[hbm4b:s17+s1] =	stream.indirect_vreg.scatter [tilespmem:s28], [sflag:$0x1], $0x80, v4, vm0, $0xb8;
	[tilespmem:$0x10100] =	vst v63  }
0xa6: {  	s29 =	simm.s32 $0xB900  }
0xa7: {  	[hbm4b:s18+s1] =	stream.indirect_vreg.scatter [tilespmem:s29], [sflag:$0x1], $0x80, v4, vm0, $0xb8;
	[tilespmem:$0x10100] =	vst v63  }
0xa8: {  	s31 =	simm.s32 $0xC100  }
0xa9: {  	[hbm4b:s4+s1] =	stream.indirect_vreg.scatter [tilespmem:s31], [sflag:$0x1], $0x80, v3, vm0, $0xb8;
	[tilespmem:$0x10100] =	vst v63  }
0xaa: {  	s31 =	simm.s32 $0xC900  }
0xab: {  	[hbm4b:s12+s1] =	stream.indirect_vreg.scatter [tilespmem:s31], [sflag:$0x1], $0x80, v3, vm0, $0xb8;
	[tilespmem:$0x10100] =	vst v63  }
0xac: {  	s31 =	simm.s32 $0xD100  }
0xad: {  	[hbm4b:s13+s1] =	stream.indirect_vreg.scatter [tilespmem:s31], [sflag:$0x1], $0x80, v3, vm0, $0xb8;
	[tilespmem:$0x10100] =	vst v63  }
0xae: {  	s31 =	simm.s32 $0xD900  }
0xaf: {  	[hbm4b:s14+s1] =	stream.indirect_vreg.scatter [tilespmem:s31], [sflag:$0x1], $0x80, v3, vm0, $0xb8;
	[tilespmem:$0x10100] =	vst v63  }
0xb0: {  	s31 =	simm.s32 $0xE100  }
0xb1: {  	[hbm4b:s15+s1] =	stream.indirect_vreg.scatter [tilespmem:s31], [sflag:$0x1], $0x80, v3, vm0, $0xb8;
	[tilespmem:$0x10100] =	vst v63  }
0xb2: {  	s31 =	simm.s32 $0xE900  }
0xb3: {  	[hbm4b:s16+s1] =	stream.indirect_vreg.scatter [tilespmem:s31], [sflag:$0x1], $0x80, v3, vm0, $0xb8;
	[tilespmem:$0x10100] =	vst v63  }
0xb4: {  	s31 =	simm.s32 $0xF100  }
0xb5: {  	[hbm4b:s17+s1] =	stream.indirect_vreg.scatter [tilespmem:s31], [sflag:$0x1], $0x80, v3, vm0, $0xb8;
	[tilespmem:$0x10100] =	vst v63  }
0xb6: {  	s31 =	simm.s32 $0xF900  }
0xb7: {  	[hbm4b:s18+s1] =	stream.indirect_vreg.scatter [tilespmem:s31], [sflag:$0x1], $0x80, v3, vm0, $0xb8;
	[tilespmem:$0x10100] =	vst v63  }
0xb8: {  	_ =	swait.ge [sflag:s30], $0x10000  }
0xb9: {  	[sflag:s30] =	ssyncset.done $0x0  }
0xba: {  	s31 =	rddreg [dreg:$0x5];
	[sflag:s30] =	ssyncadd.s32 $0xFFFF0000  }
0xbb: {  	[tilespmem:s1], [sflag:$0x2] =	stream.linear.gather [hbm4b:s31+s1], $0x20, $0x38;
	[tilespmem:$0x10100] =	vst v63  }
0xbc: {  	_ =	swait.ge [sflag:s20], $0x20  }
0xbd: {  	[sflag:s20] =	ssyncset.done $0x0  }
0xbe: {  	[sflag:s20] =	ssyncadd.s32 $0xFFFFFFE0  }
0xbf: {  	v3 =	vld [tilespmem:$0x0];
	_ =	sdelay $0x4  }
0xc0: {  	v52 =	vshll.u32 v3, $0x4  }
0xc1: {  	v3 =	vand.u32 $0x7, v3;
	v4 =	vand.u32 $0xFFFFFF80, v52  }
0xc2: {  	v3 =	vor.u32 v3, v4  }
0xc3: {  	v4 =	vperm.xlane v3, v0;
	_ =	sdelay $0x1  }
0xc4: {  	v4 =	vadd.s32 v1, v4;
	_ =	sdelay $0x4  }
0xc5: {  	[tilespmem:s0], [sflag:$0x1] =	stream.indirect_vreg.gather [hbm4b:s3+s1], $0x80, v4, vm0, $0xb8;
	[tilespmem:$0x10100] =	vst v63  }
0xc6: {  	_ = 	snop  }
0xc7: {  	[tilespmem:s2], [sflag:$0x1] =	stream.indirect_vreg.gather [hbm4b:s5+s1], $0x80, v4, vm0, $0xb8;
	[tilespmem:$0x10100] =	vst v63  }
0xc8: {  	_ = 	snop  }
0xc9: {  	[tilespmem:s19], [sflag:$0x1] =	stream.indirect_vreg.gather [hbm4b:s6+s1], $0x80, v4, vm0, $0xb8;
	[tilespmem:$0x10100] =	vst v63  }
0xca: {  	_ = 	snop  }
0xcb: {  	[tilespmem:s21], [sflag:$0x1] =	stream.indirect_vreg.gather [hbm4b:s7+s1], $0x80, v4, vm0, $0xb8;
	[tilespmem:$0x10100] =	vst v63  }
0xcc: {  	s31 =	simm.s32 $0x2100  }
0xcd: {  	[tilespmem:s31], [sflag:$0x1] =	stream.indirect_vreg.gather [hbm4b:s8+s1], $0x80, v4, vm0, $0xb8;
	[tilespmem:$0x10100] =	vst v63  }
0xce: {  	v3 =	vperm.xlane v3, v2;
	s31 =	simm.s32 $0x2900  }
0xcf: {  	[tilespmem:s31], [sflag:$0x1] =	stream.indirect_vreg.gather [hbm4b:s9+s1], $0x80, v4, vm0, $0xb8;
	[tilespmem:$0x10100] =	vst v63  }
0xd0: {  	v3 =	vadd.s32 v1, v3  }
0xd1: {  	[tilespmem:s22], [sflag:$0x1] =	stream.indirect_vreg.gather [hbm4b:s10+s1], $0x80, v4, vm0, $0xb8;
	[tilespmem:$0x10100] =	vst v63  }
0xd2: {  	_ = 	snop  }
0xd3: {  	[tilespmem:s23], [sflag:$0x1] =	stream.indirect_vreg.gather [hbm4b:s11+s1], $0x80, v4, vm0, $0xb8;
	[tilespmem:$0x10100] =	vst v63  }
0xd4: {  	_ = 	snop  }
0xd5: {  	[tilespmem:s24], [sflag:$0x1] =	stream.indirect_vreg.gather [hbm4b:s3+s1], $0x80, v3, vm0, $0xb8;
	[tilespmem:$0x10100] =	vst v63  }
0xd6: {  	s31 =	simm.s32 $0x4900  }
0xd7: {  	[tilespmem:s31], [sflag:$0x1] =	stream.indirect_vreg.gather [hbm4b:s5+s1], $0x80, v3, vm0, $0xb8;
	[tilespmem:$0x10100] =	vst v63  }
0xd8: {  	s31 =	simm.s32 $0x5100  }
0xd9: {  	[tilespmem:s31], [sflag:$0x1] =	stream.indirect_vreg.gather [hbm4b:s6+s1], $0x80, v3, vm0, $0xb8;
	[tilespmem:$0x10100] =	vst v63  }
0xda: {  	s31 =	simm.s32 $0x5900  }
0xdb: {  	[tilespmem:s31], [sflag:$0x1] =	stream.indirect_vreg.gather [hbm4b:s7+s1], $0x80, v3, vm0, $0xb8;
	[tilespmem:$0x10100] =	vst v63  }
0xdc: {  	s31 =	simm.s32 $0x6100  }
0xdd: {  	[tilespmem:s31], [sflag:$0x1] =	stream.indirect_vreg.gather [hbm4b:s8+s1], $0x80, v3, vm0, $0xb8;
	[tilespmem:$0x10100] =	vst v63  }
0xde: {  	s31 =	simm.s32 $0x6900  }
0xdf: {  	[tilespmem:s31], [sflag:$0x1] =	stream.indirect_vreg.gather [hbm4b:s9+s1], $0x80, v3, vm0, $0xb8;
	[tilespmem:$0x10100] =	vst v63  }
0xe0: {  	s31 =	simm.s32 $0x7100  }
0xe1: {  	[tilespmem:s31], [sflag:$0x1] =	stream.indirect_vreg.gather [hbm4b:s10+s1], $0x80, v3, vm0, $0xb8;
	[tilespmem:$0x10100] =	vst v63  }
0xe2: {  	s31 =	simm.s32 $0x7900  }
0xe3: {  	[tilespmem:s31], [sflag:$0x1] =	stream.indirect_vreg.gather [hbm4b:s11+s1], $0x80, v3, vm0, $0xb8;
	[tilespmem:$0x10100] =	vst v63  }
0xe4: {  	v3 =	vld [tilespmem:$0x10];
	_ =	sdelay $0x4  }
0xe5: {  	v53 =	vshll.u32 v3, $0x4  }
0xe6: {  	v3 =	vand.u32 $0x7, v3;
	v4 =	vand.u32 $0xFFFFFF80, v53  }
0xe7: {  	v3 =	vor.u32 v3, v4  }
0xe8: {  	v4 =	vperm.xlane v3, v0;
	_ =	sdelay $0x1  }
0xe9: {  	v4 =	vadd.s32 v1, v4;
	_ =	sdelay $0x3  }
0xea: {  	s25 =	simm.s32 $0x8100  }
0xeb: {  	[tilespmem:s25], [sflag:$0x1] =	stream.indirect_vreg.gather [hbm4b:s3+s1], $0x80, v4, vm0, $0xb8;
	[tilespmem:$0x10100] =	vst v63  }
0xec: {  	s31 =	simm.s32 $0x8900  }
0xed: {  	[tilespmem:s31], [sflag:$0x1] =	stream.indirect_vreg.gather [hbm4b:s5+s1], $0x80, v4, vm0, $0xb8;
	[tilespmem:$0x10100] =	vst v63  }
0xee: {  	s31 =	simm.s32 $0x9100  }
0xef: {  	[tilespmem:s31], [sflag:$0x1] =	stream.indirect_vreg.gather [hbm4b:s6+s1], $0x80, v4, vm0, $0xb8;
	[tilespmem:$0x10100] =	vst v63  }
0xf0: {  	s31 =	simm.s32 $0x9900  }
0xf1: {  	[tilespmem:s31], [sflag:$0x1] =	stream.indirect_vreg.gather [hbm4b:s7+s1], $0x80, v4, vm0, $0xb8;
	[tilespmem:$0x10100] =	vst v63  }
0xf2: {  	s31 =	simm.s32 $0xA100  }
0xf3: {  	[tilespmem:s31], [sflag:$0x1] =	stream.indirect_vreg.gather [hbm4b:s8+s1], $0x80, v4, vm0, $0xb8;
	[tilespmem:$0x10100] =	vst v63  }
0xf4: {  	v3 =	vperm.xlane v3, v2;
	s31 =	simm.s32 $0xA900  }
0xf5: {  	[tilespmem:s31], [sflag:$0x1] =	stream.indirect_vreg.gather [hbm4b:s9+s1], $0x80, v4, vm0, $0xb8;
	[tilespmem:$0x10100] =	vst v63  }
0xf6: {  	s26 =	simm.s32 $0xB100;
	v3 =	vadd.s32 v1, v3  }
0xf7: {  	[tilespmem:s26], [sflag:$0x1] =	stream.indirect_vreg.gather [hbm4b:s10+s1], $0x80, v4, vm0, $0xb8;
	[tilespmem:$0x10100] =	vst v63  }
0xf8: {  	s29 =	simm.s32 $0xB900  }
0xf9: {  	[tilespmem:s29], [sflag:$0x1] =	stream.indirect_vreg.gather [hbm4b:s11+s1], $0x80, v4, vm0, $0xb8;
	[tilespmem:$0x10100] =	vst v63  }
0xfa: {  	s31 =	simm.s32 $0xC100  }
0xfb: {  	[tilespmem:s31], [sflag:$0x1] =	stream.indirect_vreg.gather [hbm4b:s3+s1], $0x80, v3, vm0, $0xb8;
	[tilespmem:$0x10100] =	vst v63  }
0xfc: {  	s31 =	simm.s32 $0xC900  }
0xfd: {  	[tilespmem:s31], [sflag:$0x1] =	stream.indirect_vreg.gather [hbm4b:s5+s1], $0x80, v3, vm0, $0xb8;
	[tilespmem:$0x10100] =	vst v63  }
0xfe: {  	s31 =	simm.s32 $0xD100  }
0xff: {  	[tilespmem:s31], [sflag:$0x1] =	stream.indirect_vreg.gather [hbm4b:s6+s1], $0x80, v3, vm0, $0xb8;
	[tilespmem:$0x10100] =	vst v63  }
0x100: {  	s31 =	simm.s32 $0xD900  }
0x101: {  	[tilespmem:s31], [sflag:$0x1] =	stream.indirect_vreg.gather [hbm4b:s7+s1], $0x80, v3, vm0, $0xb8;
	[tilespmem:$0x10100] =	vst v63  }
0x102: {  	s31 =	simm.s32 $0xE100  }
0x103: {  	[tilespmem:s31], [sflag:$0x1] =	stream.indirect_vreg.gather [hbm4b:s8+s1], $0x80, v3, vm0, $0xb8;
	[tilespmem:$0x10100] =	vst v63  }
0x104: {  	s31 =	simm.s32 $0xE900  }
0x105: {  	[tilespmem:s31], [sflag:$0x1] =	stream.indirect_vreg.gather [hbm4b:s9+s1], $0x80, v3, vm0, $0xb8;
	[tilespmem:$0x10100] =	vst v63  }
0x106: {  	s31 =	simm.s32 $0xF100  }
0x107: {  	[tilespmem:s31], [sflag:$0x1] =	stream.indirect_vreg.gather [hbm4b:s10+s1], $0x80, v3, vm0, $0xb8;
	[tilespmem:$0x10100] =	vst v63  }
0x108: {  	s28 =	simm.s32 $0xF900  }
0x109: {  	[tilespmem:s28], [sflag:$0x1] =	stream.indirect_vreg.gather [hbm4b:s11+s1], $0x80, v3, vm0, $0xb8;
	[tilespmem:$0x10100] =	vst v63  }
0x10a: {  	_ =	swait.ge [sflag:s30], $0x10000  }
0x10b: {  	[sflag:s30] =	ssyncset.done $0x0  }
0x10c: {  	s28 =	simm.s32 $0x80;
	s0 =	rddreg [dreg:$0x6];
	[sflag:s30] =	ssyncadd.s32 $0xFFFF0000  }
0x10d: {  	[tilespmem:s28], [sflag:$0x2] =	stream.linear.gather [hbm4b:s0+s1], $0x20, $0x38;
	[tilespmem:$0x10100] =	vst v63  }
0x10e: {  	_ =	swait.ge [sflag:s20], $0x20  }
0x10f: {  	[sflag:s20] =	ssyncset.done $0x0  }
0x110: {  	[sflag:s20] =	ssyncadd.s32 $0xFFFFFFE0  }
0x111: {  	v3 =	vld [tilespmem:$0x80];
	_ =	sdelay $0x4  }
0x112: {  	v54 =	vshll.u32 v3, $0x4  }
0x113: {  	v3 =	vand.u32 $0x7, v3;
	v4 =	vand.u32 $0xFFFFFF80, v54  }
0x114: {  	v3 =	vor.u32 v3, v4  }
0x115: {  	v4 =	vperm.xlane v3, v0;
	_ =	sdelay $0x1  }
0x116: {  	v4 =	vadd.s32 v1, v4;
	_ =	sdelay $0x3  }
0x117: {  	s28 =	simm.s32 $0x100  }
0x118: {  	[hbm4b:s4+s1] =	stream.indirect_vreg.scatter [tilespmem:s28], [sflag:$0x1], $0x80, v4, vm0, $0xb8;
	[tilespmem:$0x10100] =	vst v63  }
0x119: {  	s2 =	simm.s32 $0x900  }
0x11a: {  	[hbm4b:s12+s1] =	stream.indirect_vreg.scatter [tilespmem:s2], [sflag:$0x1], $0x80, v4, vm0, $0xb8;
	[tilespmem:$0x10100] =	vst v63  }
0x11b: {  	s19 =	simm.s32 $0x1100  }
0x11c: {  	[hbm4b:s13+s1] =	stream.indirect_vreg.scatter [tilespmem:s19], [sflag:$0x1], $0x80, v4, vm0, $0xb8;
	[tilespmem:$0x10100] =	vst v63  }
0x11d: {  	s21 =	simm.s32 $0x1900  }
0x11e: {  	[hbm4b:s14+s1] =	stream.indirect_vreg.scatter [tilespmem:s21], [sflag:$0x1], $0x80, v4, vm0, $0xb8;
	[tilespmem:$0x10100] =	vst v63  }
0x11f: {  	s31 =	simm.s32 $0x2100  }
0x120: {  	[hbm4b:s15+s1] =	stream.indirect_vreg.scatter [tilespmem:s31], [sflag:$0x1], $0x80, v4, vm0, $0xb8;
	[tilespmem:$0x10100] =	vst v63  }
0x121: {  	v3 =	vperm.xlane v3, v2;
	s31 =	simm.s32 $0x2900  }
0x122: {  	[hbm4b:s16+s1] =	stream.indirect_vreg.scatter [tilespmem:s31], [sflag:$0x1], $0x80, v4, vm0, $0xb8;
	[tilespmem:$0x10100] =	vst v63  }
0x123: {  	s22 =	simm.s32 $0x3100;
	v3 =	vadd.s32 v1, v3  }
0x124: {  	[hbm4b:s17+s1] =	stream.indirect_vreg.scatter [tilespmem:s22], [sflag:$0x1], $0x80, v4, vm0, $0xb8;
	[tilespmem:$0x10100] =	vst v63  }
0x125: {  	s23 =	simm.s32 $0x3900  }
0x126: {  	[hbm4b:s18+s1] =	stream.indirect_vreg.scatter [tilespmem:s23], [sflag:$0x1], $0x80, v4, vm0, $0xb8;
	[tilespmem:$0x10100] =	vst v63  }
0x127: {  	s24 =	simm.s32 $0x4100  }
0x128: {  	[hbm4b:s4+s1] =	stream.indirect_vreg.scatter [tilespmem:s24], [sflag:$0x1], $0x80, v3, vm0, $0xb8;
	[tilespmem:$0x10100] =	vst v63  }
0x129: {  	s31 =	simm.s32 $0x4900  }
0x12a: {  	[hbm4b:s12+s1] =	stream.indirect_vreg.scatter [tilespmem:s31], [sflag:$0x1], $0x80, v3, vm0, $0xb8;
	[tilespmem:$0x10100] =	vst v63  }
0x12b: {  	s31 =	simm.s32 $0x5100  }
0x12c: {  	[hbm4b:s13+s1] =	stream.indirect_vreg.scatter [tilespmem:s31], [sflag:$0x1], $0x80, v3, vm0, $0xb8;
	[tilespmem:$0x10100] =	vst v63  }
0x12d: {  	s31 =	simm.s32 $0x5900  }
0x12e: {  	[hbm4b:s14+s1] =	stream.indirect_vreg.scatter [tilespmem:s31], [sflag:$0x1], $0x80, v3, vm0, $0xb8;
	[tilespmem:$0x10100] =	vst v63  }
0x12f: {  	s31 =	simm.s32 $0x6100  }
0x130: {  	[hbm4b:s15+s1] =	stream.indirect_vreg.scatter [tilespmem:s31], [sflag:$0x1], $0x80, v3, vm0, $0xb8;
	[tilespmem:$0x10100] =	vst v63  }
0x131: {  	s31 =	simm.s32 $0x6900  }
0x132: {  	[hbm4b:s16+s1] =	stream.indirect_vreg.scatter [tilespmem:s31], [sflag:$0x1], $0x80, v3, vm0, $0xb8;
	[tilespmem:$0x10100] =	vst v63  }
0x133: {  	s31 =	simm.s32 $0x7100  }
0x134: {  	[hbm4b:s17+s1] =	stream.indirect_vreg.scatter [tilespmem:s31], [sflag:$0x1], $0x80, v3, vm0, $0xb8;
	[tilespmem:$0x10100] =	vst v63  }
0x135: {  	s31 =	simm.s32 $0x7900  }
0x136: {  	[hbm4b:s18+s1] =	stream.indirect_vreg.scatter [tilespmem:s31], [sflag:$0x1], $0x80, v3, vm0, $0xb8;
	[tilespmem:$0x10100] =	vst v63  }
0x137: {  	v3 =	vld [tilespmem:$0x90];
	_ =	sdelay $0x4  }
0x138: {  	v55 =	vshll.u32 v3, $0x4  }
0x139: {  	v3 =	vand.u32 $0x7, v3;
	v4 =	vand.u32 $0xFFFFFF80, v55  }
0x13a: {  	v3 =	vor.u32 v3, v4  }
0x13b: {  	v4 =	vperm.xlane v3, v0;
	_ =	sdelay $0x1  }
0x13c: {  	v4 =	vadd.s32 v1, v4;
	_ =	sdelay $0x3  }
0x13d: {  	s25 =	simm.s32 $0x8100  }
0x13e: {  	[hbm4b:s4+s1] =	stream.indirect_vreg.scatter [tilespmem:s25], [sflag:$0x1], $0x80, v4, vm0, $0xb8;
	[tilespmem:$0x10100] =	vst v63  }
0x13f: {  	s31 =	simm.s32 $0x8900  }
0x140: {  	[hbm4b:s12+s1] =	stream.indirect_vreg.scatter [tilespmem:s31], [sflag:$0x1], $0x80, v4, vm0, $0xb8;
	[tilespmem:$0x10100] =	vst v63  }
0x141: {  	s31 =	simm.s32 $0x9100  }
0x142: {  	[hbm4b:s13+s1] =	stream.indirect_vreg.scatter [tilespmem:s31], [sflag:$0x1], $0x80, v4, vm0, $0xb8;
	[tilespmem:$0x10100] =	vst v63  }
0x143: {  	s31 =	simm.s32 $0x9900  }
0x144: {  	[hbm4b:s14+s1] =	stream.indirect_vreg.scatter [tilespmem:s31], [sflag:$0x1], $0x80, v4, vm0, $0xb8;
	[tilespmem:$0x10100] =	vst v63  }
0x145: {  	s31 =	simm.s32 $0xA100  }
0x146: {  	[hbm4b:s15+s1] =	stream.indirect_vreg.scatter [tilespmem:s31], [sflag:$0x1], $0x80, v4, vm0, $0xb8;
	[tilespmem:$0x10100] =	vst v63  }
0x147: {  	v3 =	vperm.xlane v3, v2;
	s31 =	simm.s32 $0xA900  }
0x148: {  	[hbm4b:s16+s1] =	stream.indirect_vreg.scatter [tilespmem:s31], [sflag:$0x1], $0x80, v4, vm0, $0xb8;
	[tilespmem:$0x10100] =	vst v63  }
0x149: {  	s26 =	simm.s32 $0xB100;
	v3 =	vadd.s32 v1, v3  }
0x14a: {  	[hbm4b:s17+s1] =	stream.indirect_vreg.scatter [tilespmem:s26], [sflag:$0x1], $0x80, v4, vm0, $0xb8;
	[tilespmem:$0x10100] =	vst v63  }
0x14b: {  	s29 =	simm.s32 $0xB900  }
0x14c: {  	[hbm4b:s18+s1] =	stream.indirect_vreg.scatter [tilespmem:s29], [sflag:$0x1], $0x80, v4, vm0, $0xb8;
	[tilespmem:$0x10100] =	vst v63  }
0x14d: {  	s31 =	simm.s32 $0xC100  }
0x14e: {  	[hbm4b:s4+s1] =	stream.indirect_vreg.scatter [tilespmem:s31], [sflag:$0x1], $0x80, v3, vm0, $0xb8;
	[tilespmem:$0x10100] =	vst v63  }
0x14f: {  	s0 =	simm.s32 $0xC900  }
0x150: {  	[hbm4b:s12+s1] =	stream.indirect_vreg.scatter [tilespmem:s0], [sflag:$0x1], $0x80, v3, vm0, $0xb8;
	[tilespmem:$0x10100] =	vst v63  }
0x151: {  	s31 =	simm.s32 $0xD100  }
0x152: {  	[hbm4b:s13+s1] =	stream.indirect_vreg.scatter [tilespmem:s31], [sflag:$0x1], $0x80, v3, vm0, $0xb8;
	[tilespmem:$0x10100] =	vst v63  }
0x153: {  	s31 =	simm.s32 $0xD900  }
0x154: {  	[hbm4b:s14+s1] =	stream.indirect_vreg.scatter [tilespmem:s31], [sflag:$0x1], $0x80, v3, vm0, $0xb8;
	[tilespmem:$0x10100] =	vst v63  }
0x155: {  	s31 =	simm.s32 $0xE100  }
0x156: {  	[hbm4b:s15+s1] =	stream.indirect_vreg.scatter [tilespmem:s31], [sflag:$0x1], $0x80, v3, vm0, $0xb8;
	[tilespmem:$0x10100] =	vst v63  }
0x157: {  	s31 =	simm.s32 $0xE900  }
0x158: {  	[hbm4b:s16+s1] =	stream.indirect_vreg.scatter [tilespmem:s31], [sflag:$0x1], $0x80, v3, vm0, $0xb8;
	[tilespmem:$0x10100] =	vst v63  }
0x159: {  	s31 =	simm.s32 $0xF100  }
0x15a: {  	[hbm4b:s17+s1] =	stream.indirect_vreg.scatter [tilespmem:s31], [sflag:$0x1], $0x80, v3, vm0, $0xb8;
	[tilespmem:$0x10100] =	vst v63  }
0x15b: {  	s31 =	simm.s32 $0xF900  }
0x15c: {  	[hbm4b:s18+s1] =	stream.indirect_vreg.scatter [tilespmem:s31], [sflag:$0x1], $0x80, v3, vm0, $0xb8;
	[tilespmem:$0x10100] =	vst v63  }
0x15d: {  	_ =	swait.ge [sflag:s30], $0x10000  }
0x15e: {  	[sflag:s30] =	ssyncset.done $0x0  }
0x15f: {  	s31 =	rddreg [dreg:$0x7];
	[sflag:s30] =	ssyncadd.s32 $0xFFFF0000  }
0x160: {  	[tilespmem:s1], [sflag:$0x2] =	stream.linear.gather [hbm4b:s31+s1], $0x20, $0x38;
	[tilespmem:$0x10100] =	vst v63  }
0x161: {  	_ =	swait.ge [sflag:s20], $0x20  }
0x162: {  	[sflag:s20] =	ssyncset.done $0x0  }
0x163: {  	[sflag:s20] =	ssyncadd.s32 $0xFFFFFFE0  }
0x164: {  	v3 =	vld [tilespmem:$0x0];
	_ =	sdelay $0x4  }
0x165: {  	v56 =	vshll.u32 v3, $0x4  }
0x166: {  	v3 =	vand.u32 $0x7, v3;
	v4 =	vand.u32 $0xFFFFFF80, v56  }
0x167: {  	v3 =	vor.u32 v3, v4  }
0x168: {  	v4 =	vperm.xlane v3, v0;
	_ =	sdelay $0x1  }
0x169: {  	v4 =	vadd.s32 v1, v4;
	_ =	sdelay $0x3  }
0x16a: {  	s28 =	simm.s32 $0x100  }
0x16b: {  	[tilespmem:s28], [sflag:$0x1] =	stream.indirect_vreg.gather [hbm4b:s3+s1], $0x80, v4, vm0, $0xb8;
	[tilespmem:$0x10100] =	vst v63  }
0x16c: {  	s2 =	simm.s32 $0x900  }
0x16d: {  	[tilespmem:s2], [sflag:$0x1] =	stream.indirect_vreg.gather [hbm4b:s5+s1], $0x80, v4, vm0, $0xb8;
	[tilespmem:$0x10100] =	vst v63  }
0x16e: {  	s19 =	simm.s32 $0x1100  }
0x16f: {  	[tilespmem:s19], [sflag:$0x1] =	stream.indirect_vreg.gather [hbm4b:s6+s1], $0x80, v4, vm0, $0xb8;
	[tilespmem:$0x10100] =	vst v63  }
0x170: {  	s21 =	simm.s32 $0x1900  }
0x171: {  	[tilespmem:s21], [sflag:$0x1] =	stream.indirect_vreg.gather [hbm4b:s7+s1], $0x80, v4, vm0, $0xb8;
	[tilespmem:$0x10100] =	vst v63  }
0x172: {  	s31 =	simm.s32 $0x2100  }
0x173: {  	[tilespmem:s31], [sflag:$0x1] =	stream.indirect_vreg.gather [hbm4b:s8+s1], $0x80, v4, vm0, $0xb8;
	[tilespmem:$0x10100] =	vst v63  }
0x174: {  	v3 =	vperm.xlane v3, v2;
	s31 =	simm.s32 $0x2900  }
0x175: {  	[tilespmem:s31], [sflag:$0x1] =	stream.indirect_vreg.gather [hbm4b:s9+s1], $0x80, v4, vm0, $0xb8;
	[tilespmem:$0x10100] =	vst v63  }
0x176: {  	s22 =	simm.s32 $0x3100;
	v3 =	vadd.s32 v1, v3  }
0x177: {  	[tilespmem:s22], [sflag:$0x1] =	stream.indirect_vreg.gather [hbm4b:s10+s1], $0x80, v4, vm0, $0xb8;
	[tilespmem:$0x10100] =	vst v63  }
0x178: {  	s23 =	simm.s32 $0x3900  }
0x179: {  	[tilespmem:s23], [sflag:$0x1] =	stream.indirect_vreg.gather [hbm4b:s11+s1], $0x80, v4, vm0, $0xb8;
	[tilespmem:$0x10100] =	vst v63  }
0x17a: {  	s24 =	simm.s32 $0x4100  }
0x17b: {  	[tilespmem:s24], [sflag:$0x1] =	stream.indirect_vreg.gather [hbm4b:s3+s1], $0x80, v3, vm0, $0xb8;
	[tilespmem:$0x10100] =	vst v63  }
0x17c: {  	s31 =	simm.s32 $0x4900  }
0x17d: {  	[tilespmem:s31], [sflag:$0x1] =	stream.indirect_vreg.gather [hbm4b:s5+s1], $0x80, v3, vm0, $0xb8;
	[tilespmem:$0x10100] =	vst v63  }
0x17e: {  	s31 =	simm.s32 $0x5100  }
0x17f: {  	[tilespmem:s31], [sflag:$0x1] =	stream.indirect_vreg.gather [hbm4b:s6+s1], $0x80, v3, vm0, $0xb8;
	[tilespmem:$0x10100] =	vst v63  }
0x180: {  	s31 =	simm.s32 $0x5900  }
0x181: {  	[tilespmem:s31], [sflag:$0x1] =	stream.indirect_vreg.gather [hbm4b:s7+s1], $0x80, v3, vm0, $0xb8;
	[tilespmem:$0x10100] =	vst v63  }
0x182: {  	s31 =	simm.s32 $0x6100  }
0x183: {  	[tilespmem:s31], [sflag:$0x1] =	stream.indirect_vreg.gather [hbm4b:s8+s1], $0x80, v3, vm0, $0xb8;
	[tilespmem:$0x10100] =	vst v63  }
0x184: {  	s31 =	simm.s32 $0x6900  }
0x185: {  	[tilespmem:s31], [sflag:$0x1] =	stream.indirect_vreg.gather [hbm4b:s9+s1], $0x80, v3, vm0, $0xb8;
	[tilespmem:$0x10100] =	vst v63  }
0x186: {  	s31 =	simm.s32 $0x7100  }
0x187: {  	[tilespmem:s31], [sflag:$0x1] =	stream.indirect_vreg.gather [hbm4b:s10+s1], $0x80, v3, vm0, $0xb8;
	[tilespmem:$0x10100] =	vst v63  }
0x188: {  	s31 =	simm.s32 $0x7900  }
0x189: {  	[tilespmem:s31], [sflag:$0x1] =	stream.indirect_vreg.gather [hbm4b:s11+s1], $0x80, v3, vm0, $0xb8;
	[tilespmem:$0x10100] =	vst v63  }
0x18a: {  	v3 =	vld [tilespmem:$0x10];
	_ =	sdelay $0x4  }
0x18b: {  	v57 =	vshll.u32 v3, $0x4  }
0x18c: {  	v3 =	vand.u32 $0x7, v3;
	v4 =	vand.u32 $0xFFFFFF80, v57  }
0x18d: {  	v3 =	vor.u32 v3, v4  }
0x18e: {  	v4 =	vperm.xlane v3, v0;
	_ =	sdelay $0x1  }
0x18f: {  	v4 =	vadd.s32 v1, v4;
	_ =	sdelay $0x3  }
0x190: {  	s25 =	simm.s32 $0x8100  }
0x191: {  	[tilespmem:s25], [sflag:$0x1] =	stream.indirect_vreg.gather [hbm4b:s3+s1], $0x80, v4, vm0, $0xb8;
	[tilespmem:$0x10100] =	vst v63  }
0x192: {  	s25 =	simm.s32 $0x8900  }
0x193: {  	[tilespmem:s25], [sflag:$0x1] =	stream.indirect_vreg.gather [hbm4b:s5+s1], $0x80, v4, vm0, $0xb8;
	[tilespmem:$0x10100] =	vst v63  }
0x194: {  	s31 =	simm.s32 $0x9100  }
0x195: {  	[tilespmem:s31], [sflag:$0x1] =	stream.indirect_vreg.gather [hbm4b:s6+s1], $0x80, v4, vm0, $0xb8;
	[tilespmem:$0x10100] =	vst v63  }
0x196: {  	s25 =	simm.s32 $0x9900  }
0x197: {  	[tilespmem:s25], [sflag:$0x1] =	stream.indirect_vreg.gather [hbm4b:s7+s1], $0x80, v4, vm0, $0xb8;
	[tilespmem:$0x10100] =	vst v63  }
0x198: {  	s31 =	simm.s32 $0xA100  }
0x199: {  	[tilespmem:s31], [sflag:$0x1] =	stream.indirect_vreg.gather [hbm4b:s8+s1], $0x80, v4, vm0, $0xb8;
	[tilespmem:$0x10100] =	vst v63  }
0x19a: {  	v3 =	vperm.xlane v3, v2;
	s25 =	simm.s32 $0xA900  }
0x19b: {  	[tilespmem:s25], [sflag:$0x1] =	stream.indirect_vreg.gather [hbm4b:s9+s1], $0x80, v4, vm0, $0xb8;
	[tilespmem:$0x10100] =	vst v63  }
0x19c: {  	s26 =	simm.s32 $0xB100;
	v3 =	vadd.s32 v1, v3  }
0x19d: {  	[tilespmem:s26], [sflag:$0x1] =	stream.indirect_vreg.gather [hbm4b:s10+s1], $0x80, v4, vm0, $0xb8;
	[tilespmem:$0x10100] =	vst v63  }
0x19e: {  	s29 =	simm.s32 $0xB900  }
0x19f: {  	[tilespmem:s29], [sflag:$0x1] =	stream.indirect_vreg.gather [hbm4b:s11+s1], $0x80, v4, vm0, $0xb8;
	[tilespmem:$0x10100] =	vst v63  }
0x1a0: {  	s26 =	simm.s32 $0xC100  }
0x1a1: {  	[tilespmem:s26], [sflag:$0x1] =	stream.indirect_vreg.gather [hbm4b:s3+s1], $0x80, v3, vm0, $0xb8;
	[tilespmem:$0x10100] =	vst v63  }
0x1a2: {  	_ = 	snop  }
0x1a3: {  	[tilespmem:s0], [sflag:$0x1] =	stream.indirect_vreg.gather [hbm4b:s5+s1], $0x80, v3, vm0, $0xb8;
	[tilespmem:$0x10100] =	vst v63  }
0x1a4: {  	s29 =	simm.s32 $0xD100  }
0x1a5: {  	[tilespmem:s29], [sflag:$0x1] =	stream.indirect_vreg.gather [hbm4b:s6+s1], $0x80, v3, vm0, $0xb8;
	[tilespmem:$0x10100] =	vst v63  }
0x1a6: {  	s31 =	simm.s32 $0xD900  }
0x1a7: {  	[tilespmem:s31], [sflag:$0x1] =	stream.indirect_vreg.gather [hbm4b:s7+s1], $0x80, v3, vm0, $0xb8;
	[tilespmem:$0x10100] =	vst v63  }
0x1a8: {  	s25 =	simm.s32 $0xE100  }
0x1a9: {  	[tilespmem:s25], [sflag:$0x1] =	stream.indirect_vreg.gather [hbm4b:s8+s1], $0x80, v3, vm0, $0xb8;
	[tilespmem:$0x10100] =	vst v63  }
0x1aa: {  	s26 =	simm.s32 $0xE900  }
0x1ab: {  	[tilespmem:s26], [sflag:$0x1] =	stream.indirect_vreg.gather [hbm4b:s9+s1], $0x80, v3, vm0, $0xb8;
	[tilespmem:$0x10100] =	vst v63  }
0x1ac: {  	s29 =	simm.s32 $0xF100  }
0x1ad: {  	[tilespmem:s29], [sflag:$0x1] =	stream.indirect_vreg.gather [hbm4b:s10+s1], $0x80, v3, vm0, $0xb8;
	[tilespmem:$0x10100] =	vst v63  }
0x1ae: {  	s31 =	simm.s32 $0xF900  }
0x1af: {  	[tilespmem:s31], [sflag:$0x1] =	stream.indirect_vreg.gather [hbm4b:s11+s1], $0x80, v3, vm0, $0xb8;
	[tilespmem:$0x10100] =	vst v63  }
0x1b0: {  	_ =	swait.ge [sflag:s30], $0x10000  }
0x1b1: {  	[sflag:s30] =	ssyncset.done $0x0  }
0x1b2: {  	s26 =	simm.s32 $0x80;
	s25 =	rddreg [dreg:$0x8];
	[sflag:s30] =	ssyncadd.s32 $0xFFFF0000  }
0x1b3: {  	[tilespmem:s26], [sflag:$0x2] =	stream.linear.gather [hbm4b:s25+s1], $0x20, $0x38;
	[tilespmem:$0x10100] =	vst v63  }
0x1b4: {  	_ =	swait.ge [sflag:s20], $0x20  }
0x1b5: {  	[sflag:s20] =	ssyncset.done $0x0  }
0x1b6: {  	[sflag:s20] =	ssyncadd.s32 $0xFFFFFFE0  }
0x1b7: {  	v3 =	vld [tilespmem:$0x80];
	_ =	sdelay $0x4  }
0x1b8: {  	v58 =	vshll.u32 v3, $0x4  }
0x1b9: {  	v3 =	vand.u32 $0x7, v3;
	v4 =	vand.u32 $0xFFFFFF80, v58  }
0x1ba: {  	v3 =	vor.u32 v3, v4  }
0x1bb: {  	v4 =	vperm.xlane v3, v0;
	_ =	sdelay $0x1  }
0x1bc: {  	v4 =	vadd.s32 v1, v4;
	_ =	sdelay $0x3  }
0x1bd: {  	s31 =	simm.s32 $0x100  }
0x1be: {  	[hbm4b:s4+s1] =	stream.indirect_vreg.scatter [tilespmem:s31], [sflag:$0x1], $0x80, v4, vm0, $0xb8;
	[tilespmem:$0x10100] =	vst v63  }
0x1bf: {  	s28 =	simm.s32 $0x900  }
0x1c0: {  	[hbm4b:s12+s1] =	stream.indirect_vreg.scatter [tilespmem:s28], [sflag:$0x1], $0x80, v4, vm0, $0xb8;
	[tilespmem:$0x10100] =	vst v63  }
0x1c1: {  	s19 =	simm.s32 $0x1100  }
0x1c2: {  	[hbm4b:s13+s1] =	stream.indirect_vreg.scatter [tilespmem:s19], [sflag:$0x1], $0x80, v4, vm0, $0xb8;
	[tilespmem:$0x10100] =	vst v63  }
0x1c3: {  	s21 =	simm.s32 $0x1900  }
0x1c4: {  	[hbm4b:s14+s1] =	stream.indirect_vreg.scatter [tilespmem:s21], [sflag:$0x1], $0x80, v4, vm0, $0xb8;
	[tilespmem:$0x10100] =	vst v63  }
0x1c5: {  	s25 =	simm.s32 $0x2100  }
0x1c6: {  	[hbm4b:s15+s1] =	stream.indirect_vreg.scatter [tilespmem:s25], [sflag:$0x1], $0x80, v4, vm0, $0xb8;
	[tilespmem:$0x10100] =	vst v63  }
0x1c7: {  	s26 =	simm.s32 $0x2900;
	v3 =	vperm.xlane v3, v2  }
0x1c8: {  	[hbm4b:s16+s1] =	stream.indirect_vreg.scatter [tilespmem:s26], [sflag:$0x1], $0x80, v4, vm0, $0xb8;
	[tilespmem:$0x10100] =	vst v63  }
0x1c9: {  	s22 =	simm.s32 $0x3100;
	v3 =	vadd.s32 v1, v3  }
0x1ca: {  	[hbm4b:s17+s1] =	stream.indirect_vreg.scatter [tilespmem:s22], [sflag:$0x1], $0x80, v4, vm0, $0xb8;
	[tilespmem:$0x10100] =	vst v63  }
0x1cb: {  	s23 =	simm.s32 $0x3900  }
0x1cc: {  	[hbm4b:s18+s1] =	stream.indirect_vreg.scatter [tilespmem:s23], [sflag:$0x1], $0x80, v4, vm0, $0xb8;
	[tilespmem:$0x10100] =	vst v63  }
0x1cd: {  	s24 =	simm.s32 $0x4100  }
0x1ce: {  	[hbm4b:s4+s1] =	stream.indirect_vreg.scatter [tilespmem:s24], [sflag:$0x1], $0x80, v3, vm0, $0xb8;
	[tilespmem:$0x10100] =	vst v63  }
0x1cf: {  	s24 =	simm.s32 $0x4900  }
0x1d0: {  	[hbm4b:s12+s1] =	stream.indirect_vreg.scatter [tilespmem:s24], [sflag:$0x1], $0x80, v3, vm0, $0xb8;
	[tilespmem:$0x10100] =	vst v63  }
0x1d1: {  	s28 =	simm.s32 $0x5100  }
0x1d2: {  	[hbm4b:s13+s1] =	stream.indirect_vreg.scatter [tilespmem:s28], [sflag:$0x1], $0x80, v3, vm0, $0xb8;
	[tilespmem:$0x10100] =	vst v63  }
0x1d3: {  	s29 =	simm.s32 $0x5900  }
0x1d4: {  	[hbm4b:s14+s1] =	stream.indirect_vreg.scatter [tilespmem:s29], [sflag:$0x1], $0x80, v3, vm0, $0xb8;
	[tilespmem:$0x10100] =	vst v63  }
0x1d5: {  	s31 =	simm.s32 $0x6100  }
0x1d6: {  	[hbm4b:s15+s1] =	stream.indirect_vreg.scatter [tilespmem:s31], [sflag:$0x1], $0x80, v3, vm0, $0xb8;
	[tilespmem:$0x10100] =	vst v63  }
0x1d7: {  	s19 =	simm.s32 $0x6900  }
0x1d8: {  	[hbm4b:s16+s1] =	stream.indirect_vreg.scatter [tilespmem:s19], [sflag:$0x1], $0x80, v3, vm0, $0xb8;
	[tilespmem:$0x10100] =	vst v63  }
0x1d9: {  	s21 =	simm.s32 $0x7100  }
0x1da: {  	[hbm4b:s17+s1] =	stream.indirect_vreg.scatter [tilespmem:s21], [sflag:$0x1], $0x80, v3, vm0, $0xb8;
	[tilespmem:$0x10100] =	vst v63  }
0x1db: {  	s25 =	simm.s32 $0x7900  }
0x1dc: {  	[hbm4b:s18+s1] =	stream.indirect_vreg.scatter [tilespmem:s25], [sflag:$0x1], $0x80, v3, vm0, $0xb8;
	[tilespmem:$0x10100] =	vst v63  }
0x1dd: {  	v3 =	vld [tilespmem:$0x90];
	_ =	sdelay $0x4  }
0x1de: {  	v59 =	vshll.u32 v3, $0x4  }
0x1df: {  	v3 =	vand.u32 $0x7, v3;
	v4 =	vand.u32 $0xFFFFFF80, v59  }
0x1e0: {  	v3 =	vor.u32 v3, v4  }
0x1e1: {  	v4 =	vperm.xlane v3, v0;
	_ =	sdelay $0x1  }
0x1e2: {  	v4 =	vadd.s32 v1, v4;
	_ =	sdelay $0x3  }
0x1e3: {  	s22 =	simm.s32 $0x8100  }
0x1e4: {  	[hbm4b:s4+s1] =	stream.indirect_vreg.scatter [tilespmem:s22], [sflag:$0x1], $0x80, v4, vm0, $0xb8;
	[tilespmem:$0x10100] =	vst v63  }
0x1e5: {  	s23 =	simm.s32 $0x8900  }
0x1e6: {  	[hbm4b:s12+s1] =	stream.indirect_vreg.scatter [tilespmem:s23], [sflag:$0x1], $0x80, v4, vm0, $0xb8;
	[tilespmem:$0x10100] =	vst v63  }
0x1e7: {  	s26 =	simm.s32 $0x9100  }
0x1e8: {  	[hbm4b:s13+s1] =	stream.indirect_vreg.scatter [tilespmem:s26], [sflag:$0x1], $0x80, v4, vm0, $0xb8;
	[tilespmem:$0x10100] =	vst v63  }
0x1e9: {  	s28 =	simm.s32 $0x9900  }
0x1ea: {  	[hbm4b:s14+s1] =	stream.indirect_vreg.scatter [tilespmem:s28], [sflag:$0x1], $0x80, v4, vm0, $0xb8;
	[tilespmem:$0x10100] =	vst v63  }
0x1eb: {  	s26 =	simm.s32 $0xA100  }
0x1ec: {  	[hbm4b:s15+s1] =	stream.indirect_vreg.scatter [tilespmem:s26], [sflag:$0x1], $0x80, v4, vm0, $0xb8;
	[tilespmem:$0x10100] =	vst v63  }
0x1ed: {  	v3 =	vperm.xlane v3, v2;
	s28 =	simm.s32 $0xA900  }
0x1ee: {  	[hbm4b:s16+s1] =	stream.indirect_vreg.scatter [tilespmem:s28], [sflag:$0x1], $0x80, v4, vm0, $0xb8;
	[tilespmem:$0x10100] =	vst v63  }
0x1ef: {  	s29 =	simm.s32 $0xB100;
	v3 =	vadd.s32 v1, v3  }
0x1f0: {  	[hbm4b:s17+s1] =	stream.indirect_vreg.scatter [tilespmem:s29], [sflag:$0x1], $0x80, v4, vm0, $0xb8;
	[tilespmem:$0x10100] =	vst v63  }
0x1f1: {  	s31 =	simm.s32 $0xB900  }
0x1f2: {  	[hbm4b:s18+s1] =	stream.indirect_vreg.scatter [tilespmem:s31], [sflag:$0x1], $0x80, v4, vm0, $0xb8;
	[tilespmem:$0x10100] =	vst v63  }
0x1f3: {  	s0 =	simm.s32 $0xC100  }
0x1f4: {  	[hbm4b:s4+s1] =	stream.indirect_vreg.scatter [tilespmem:s0], [sflag:$0x1], $0x80, v3, vm0, $0xb8;
	[tilespmem:$0x10100] =	vst v63  }
0x1f5: {  	s2 =	simm.s32 $0xC900  }
0x1f6: {  	[hbm4b:s12+s1] =	stream.indirect_vreg.scatter [tilespmem:s2], [sflag:$0x1], $0x80, v3, vm0, $0xb8;
	[tilespmem:$0x10100] =	vst v63  }
0x1f7: {  	s2 =	simm.s32 $0xD100  }
0x1f8: {  	[hbm4b:s13+s1] =	stream.indirect_vreg.scatter [tilespmem:s2], [sflag:$0x1], $0x80, v3, vm0, $0xb8;
	[tilespmem:$0x10100] =	vst v63  }
0x1f9: {  	s19 =	simm.s32 $0xD900  }
0x1fa: {  	[hbm4b:s14+s1] =	stream.indirect_vreg.scatter [tilespmem:s19], [sflag:$0x1], $0x80, v3, vm0, $0xb8;
	[tilespmem:$0x10100] =	vst v63  }
0x1fb: {  	s21 =	simm.s32 $0xE100  }
0x1fc: {  	[hbm4b:s15+s1] =	stream.indirect_vreg.scatter [tilespmem:s21], [sflag:$0x1], $0x80, v3, vm0, $0xb8;
	[tilespmem:$0x10100] =	vst v63  }
0x1fd: {  	s22 =	simm.s32 $0xE900  }
0x1fe: {  	[hbm4b:s16+s1] =	stream.indirect_vreg.scatter [tilespmem:s22], [sflag:$0x1], $0x80, v3, vm0, $0xb8;
	[tilespmem:$0x10100] =	vst v63  }
0x1ff: {  	s23 =	simm.s32 $0xF100  }
0x200: {  	[hbm4b:s17+s1] =	stream.indirect_vreg.scatter [tilespmem:s23], [sflag:$0x1], $0x80, v3, vm0, $0xb8;
	[tilespmem:$0x10100] =	vst v63  }
0x201: {  	s29 =	simm.s32 $0xF900  }
0x202: {  	[hbm4b:s18+s1] =	stream.indirect_vreg.scatter [tilespmem:s29], [sflag:$0x1], $0x80, v3, vm0, $0xb8;
	[tilespmem:$0x10100] =	vst v63  }
0x203: {  	_ =	swait.ge [sflag:s30], $0x10000  }
0x204: {  	[sflag:s30] =	ssyncset.done $0x0  }
0x205: {  	s31 =	rddreg [dreg:$0x9];
	[sflag:s30] =	ssyncadd.s32 $0xFFFF0000  }
0x206: {  	[tilespmem:s1], [sflag:$0x2] =	stream.linear.gather [hbm4b:s31+s1], $0x20, $0x38;
	[tilespmem:$0x10100] =	vst v63  }
0x207: {  	_ =	swait.ge [sflag:s20], $0x20  }
0x208: {  	[sflag:s20] =	ssyncset.done $0x0  }
0x209: {  	[sflag:s20] =	ssyncadd.s32 $0xFFFFFFE0  }
0x20a: {  	v3 =	vld [tilespmem:$0x0];
	_ =	sdelay $0x4  }
0x20b: {  	v60 =	vshll.u32 v3, $0x4  }
0x20c: {  	v3 =	vand.u32 $0x7, v3;
	v4 =	vand.u32 $0xFFFFFF80, v60  }
0x20d: {  	v3 =	vor.u32 v3, v4  }
0x20e: {  	v4 =	vperm.xlane v3, v0;
	_ =	sdelay $0x1  }
0x20f: {  	v4 =	vadd.s32 v1, v4;
	_ =	sdelay $0x3  }
0x210: {  	s31 =	simm.s32 $0x100  }
0x211: {  	[tilespmem:s31], [sflag:$0x1] =	stream.indirect_vreg.gather [hbm4b:s3+s1], $0x80, v4, vm0, $0xb8;
	[tilespmem:$0x10100] =	vst v63  }
0x212: {  	s31 =	simm.s32 $0x900  }
0x213: {  	[tilespmem:s31], [sflag:$0x1] =	stream.indirect_vreg.gather [hbm4b:s5+s1], $0x80, v4, vm0, $0xb8;
	[tilespmem:$0x10100] =	vst v63  }
0x214: {  	s31 =	simm.s32 $0x1100  }
0x215: {  	[tilespmem:s31], [sflag:$0x1] =	stream.indirect_vreg.gather [hbm4b:s6+s1], $0x80, v4, vm0, $0xb8;
	[tilespmem:$0x10100] =	vst v63  }
0x216: {  	s31 =	simm.s32 $0x1900  }
0x217: {  	[tilespmem:s31], [sflag:$0x1] =	stream.indirect_vreg.gather [hbm4b:s7+s1], $0x80, v4, vm0, $0xb8;
	[tilespmem:$0x10100] =	vst v63  }
0x218: {  	s31 =	simm.s32 $0x2100  }
0x219: {  	[tilespmem:s31], [sflag:$0x1] =	stream.indirect_vreg.gather [hbm4b:s8+s1], $0x80, v4, vm0, $0xb8;
	[tilespmem:$0x10100] =	vst v63  }
0x21a: {  	v3 =	vperm.xlane v3, v2;
	s31 =	simm.s32 $0x2900  }
0x21b: {  	[tilespmem:s31], [sflag:$0x1] =	stream.indirect_vreg.gather [hbm4b:s9+s1], $0x80, v4, vm0, $0xb8;
	[tilespmem:$0x10100] =	vst v63  }
0x21c: {  	v3 =	vadd.s32 v1, v3;
	s31 =	simm.s32 $0x3100  }
0x21d: {  	[tilespmem:s31], [sflag:$0x1] =	stream.indirect_vreg.gather [hbm4b:s10+s1], $0x80, v4, vm0, $0xb8;
	[tilespmem:$0x10100] =	vst v63  }
0x21e: {  	s31 =	simm.s32 $0x3900  }
0x21f: {  	[tilespmem:s31], [sflag:$0x1] =	stream.indirect_vreg.gather [hbm4b:s11+s1], $0x80, v4, vm0, $0xb8;
	[tilespmem:$0x10100] =	vst v63  }
0x220: {  	s31 =	simm.s32 $0x4100  }
0x221: {  	[tilespmem:s31], [sflag:$0x1] =	stream.indirect_vreg.gather [hbm4b:s3+s1], $0x80, v3, vm0, $0xb8;
	[tilespmem:$0x10100] =	vst v63  }
0x222: {  	_ = 	snop  }
0x223: {  	[tilespmem:s24], [sflag:$0x1] =	stream.indirect_vreg.gather [hbm4b:s5+s1], $0x80, v3, vm0, $0xb8;
	[tilespmem:$0x10100] =	vst v63  }
0x224: {  	s31 =	simm.s32 $0x5100  }
0x225: {  	[tilespmem:s31], [sflag:$0x1] =	stream.indirect_vreg.gather [hbm4b:s6+s1], $0x80, v3, vm0, $0xb8;
	[tilespmem:$0x10100] =	vst v63  }
0x226: {  	s31 =	simm.s32 $0x5900  }
0x227: {  	[tilespmem:s31], [sflag:$0x1] =	stream.indirect_vreg.gather [hbm4b:s7+s1], $0x80, v3, vm0, $0xb8;
	[tilespmem:$0x10100] =	vst v63  }
0x228: {  	s31 =	simm.s32 $0x6100  }
0x229: {  	[tilespmem:s31], [sflag:$0x1] =	stream.indirect_vreg.gather [hbm4b:s8+s1], $0x80, v3, vm0, $0xb8;
	[tilespmem:$0x10100] =	vst v63  }
0x22a: {  	s31 =	simm.s32 $0x6900  }
0x22b: {  	[tilespmem:s31], [sflag:$0x1] =	stream.indirect_vreg.gather [hbm4b:s9+s1], $0x80, v3, vm0, $0xb8;
	[tilespmem:$0x10100] =	vst v63  }
0x22c: {  	s31 =	simm.s32 $0x7100  }
0x22d: {  	[tilespmem:s31], [sflag:$0x1] =	stream.indirect_vreg.gather [hbm4b:s10+s1], $0x80, v3, vm0, $0xb8;
	[tilespmem:$0x10100] =	vst v63  }
0x22e: {  	_ = 	snop  }
0x22f: {  	[tilespmem:s25], [sflag:$0x1] =	stream.indirect_vreg.gather [hbm4b:s11+s1], $0x80, v3, vm0, $0xb8;
	[tilespmem:$0x10100] =	vst v63  }
0x230: {  	v3 =	vld [tilespmem:$0x10];
	_ =	sdelay $0x4  }
0x231: {  	v61 =	vshll.u32 v3, $0x4  }
0x232: {  	v3 =	vand.u32 $0x7, v3;
	v4 =	vand.u32 $0xFFFFFF80, v61  }
0x233: {  	v3 =	vor.u32 v3, v4  }
0x234: {  	v4 =	vperm.xlane v3, v0;
	_ =	sdelay $0x1  }
0x235: {  	v4 =	vadd.s32 v1, v4;
	_ =	sdelay $0x3  }
0x236: {  	s31 =	simm.s32 $0x8100  }
0x237: {  	[tilespmem:s31], [sflag:$0x1] =	stream.indirect_vreg.gather [hbm4b:s3+s1], $0x80, v4, vm0, $0xb8;
	[tilespmem:$0x10100] =	vst v63  }
0x238: {  	s31 =	simm.s32 $0x8900  }
0x239: {  	[tilespmem:s31], [sflag:$0x1] =	stream.indirect_vreg.gather [hbm4b:s5+s1], $0x80, v4, vm0, $0xb8;
	[tilespmem:$0x10100] =	vst v63  }
0x23a: {  	s31 =	simm.s32 $0x9100  }
0x23b: {  	[tilespmem:s31], [sflag:$0x1] =	stream.indirect_vreg.gather [hbm4b:s6+s1], $0x80, v4, vm0, $0xb8;
	[tilespmem:$0x10100] =	vst v63  }
0x23c: {  	s31 =	simm.s32 $0x9900  }
0x23d: {  	[tilespmem:s31], [sflag:$0x1] =	stream.indirect_vreg.gather [hbm4b:s7+s1], $0x80, v4, vm0, $0xb8;
	[tilespmem:$0x10100] =	vst v63  }
0x23e: {  	_ = 	snop  }
0x23f: {  	[tilespmem:s26], [sflag:$0x1] =	stream.indirect_vreg.gather [hbm4b:s8+s1], $0x80, v4, vm0, $0xb8;
	[tilespmem:$0x10100] =	vst v63  }
0x240: {  	v3 =	vperm.xlane v3, v2  }
0x241: {  	[tilespmem:s28], [sflag:$0x1] =	stream.indirect_vreg.gather [hbm4b:s9+s1], $0x80, v4, vm0, $0xb8;
	[tilespmem:$0x10100] =	vst v63  }
0x242: {  	v3 =	vadd.s32 v1, v3;
	s31 =	simm.s32 $0xB100  }
0x243: {  	[tilespmem:s31], [sflag:$0x1] =	stream.indirect_vreg.gather [hbm4b:s10+s1], $0x80, v4, vm0, $0xb8;
	[tilespmem:$0x10100] =	vst v63  }
0x244: {  	s31 =	simm.s32 $0xB900  }
0x245: {  	[tilespmem:s31], [sflag:$0x1] =	stream.indirect_vreg.gather [hbm4b:s11+s1], $0x80, v4, vm0, $0xb8;
	[tilespmem:$0x10100] =	vst v63  }
0x246: {  	_ = 	snop  }
0x247: {  	[tilespmem:s0], [sflag:$0x1] =	stream.indirect_vreg.gather [hbm4b:s3+s1], $0x80, v3, vm0, $0xb8;
	[tilespmem:$0x10100] =	vst v63  }
0x248: {  	s0 =	simm.s32 $0xC900  }
0x249: {  	[tilespmem:s0], [sflag:$0x1] =	stream.indirect_vreg.gather [hbm4b:s5+s1], $0x80, v3, vm0, $0xb8;
	[tilespmem:$0x10100] =	vst v63  }
0x24a: {  	_ = 	snop  }
0x24b: {  	[tilespmem:s2], [sflag:$0x1] =	stream.indirect_vreg.gather [hbm4b:s6+s1], $0x80, v3, vm0, $0xb8;
	[tilespmem:$0x10100] =	vst v63  }
0x24c: {  	_ = 	snop  }
0x24d: {  	[tilespmem:s19], [sflag:$0x1] =	stream.indirect_vreg.gather [hbm4b:s7+s1], $0x80, v3, vm0, $0xb8;
	[tilespmem:$0x10100] =	vst v63  }
0x24e: {  	_ = 	snop  }
0x24f: {  	[tilespmem:s21], [sflag:$0x1] =	stream.indirect_vreg.gather [hbm4b:s8+s1], $0x80, v3, vm0, $0xb8;
	[tilespmem:$0x10100] =	vst v63  }
0x250: {  	_ = 	snop  }
0x251: {  	[tilespmem:s22], [sflag:$0x1] =	stream.indirect_vreg.gather [hbm4b:s9+s1], $0x80, v3, vm0, $0xb8;
	[tilespmem:$0x10100] =	vst v63  }
0x252: {  	_ = 	snop  }
0x253: {  	[tilespmem:s23], [sflag:$0x1] =	stream.indirect_vreg.gather [hbm4b:s10+s1], $0x80, v3, vm0, $0xb8;
	[tilespmem:$0x10100] =	vst v63  }
0x254: {  	_ = 	snop  }
0x255: {  	[tilespmem:s29], [sflag:$0x1] =	stream.indirect_vreg.gather [hbm4b:s11+s1], $0x80, v3, vm0, $0xb8;
	[tilespmem:$0x10100] =	vst v63  }
0x256: {  	_ =	swait.ge [sflag:s30], $0x10000  }
0x257: {  	[sflag:s30] =	ssyncset.done $0x0  }
0x258: {  	s0 =	simm.s32 $0x80;
	s31 =	rddreg [dreg:$0xa];
	[sflag:s30] =	ssyncadd.s32 $0xFFFF0000  }
0x259: {  	[tilespmem:s0], [sflag:$0x2] =	stream.linear.gather [hbm4b:s31+s1], $0x20, $0x38;
	[tilespmem:$0x10100] =	vst v63  }
0x25a: {  	_ =	swait.ge [sflag:s20], $0x20  }
0x25b: {  	[sflag:s20] =	ssyncset.done $0x0  }
0x25c: {  	[sflag:s20] =	ssyncadd.s32 $0xFFFFFFE0  }
0x25d: {  	v3 =	vld [tilespmem:$0x80];
	_ =	sdelay $0x4  }
0x25e: {  	v62 =	vshll.u32 v3, $0x4  }
0x25f: {  	v3 =	vand.u32 $0x7, v3;
	v4 =	vand.u32 $0xFFFFFF80, v62  }
0x260: {  	v3 =	vor.u32 v3, v4  }
0x261: {  	v4 =	vperm.xlane v3, v0;
	_ =	sdelay $0x1  }
0x262: {  	v4 =	vadd.s32 v1, v4;
	_ =	sdelay $0x3  }
0x263: {  	s31 =	simm.s32 $0x100  }
0x264: {  	[hbm4b:s4+s1] =	stream.indirect_vreg.scatter [tilespmem:s31], [sflag:$0x1], $0x80, v4, vm0, $0xb8;
	[tilespmem:$0x10100] =	vst v63  }
0x265: {  	s31 =	simm.s32 $0x900  }
0x266: {  	[hbm4b:s12+s1] =	stream.indirect_vreg.scatter [tilespmem:s31], [sflag:$0x1], $0x80, v4, vm0, $0xb8;
	[tilespmem:$0x10100] =	vst v63  }
0x267: {  	s31 =	simm.s32 $0x1100  }
0x268: {  	[hbm4b:s13+s1] =	stream.indirect_vreg.scatter [tilespmem:s31], [sflag:$0x1], $0x80, v4, vm0, $0xb8;
	[tilespmem:$0x10100] =	vst v63  }
0x269: {  	s31 =	simm.s32 $0x1900  }
0x26a: {  	[hbm4b:s14+s1] =	stream.indirect_vreg.scatter [tilespmem:s31], [sflag:$0x1], $0x80, v4, vm0, $0xb8;
	[tilespmem:$0x10100] =	vst v63  }
0x26b: {  	s31 =	simm.s32 $0x2100  }
0x26c: {  	[hbm4b:s15+s1] =	stream.indirect_vreg.scatter [tilespmem:s31], [sflag:$0x1], $0x80, v4, vm0, $0xb8;
	[tilespmem:$0x10100] =	vst v63  }
0x26d: {  	v3 =	vperm.xlane v3, v2;
	s31 =	simm.s32 $0x2900  }
0x26e: {  	[hbm4b:s16+s1] =	stream.indirect_vreg.scatter [tilespmem:s31], [sflag:$0x1], $0x80, v4, vm0, $0xb8;
	[tilespmem:$0x10100] =	vst v63  }
0x26f: {  	v3 =	vadd.s32 v1, v3;
	s31 =	simm.s32 $0x3100  }
0x270: {  	[hbm4b:s17+s1] =	stream.indirect_vreg.scatter [tilespmem:s31], [sflag:$0x1], $0x80, v4, vm0, $0xb8;
	[tilespmem:$0x10100] =	vst v63  }
0x271: {  	s31 =	simm.s32 $0x3900  }
0x272: {  	[hbm4b:s18+s1] =	stream.indirect_vreg.scatter [tilespmem:s31], [sflag:$0x1], $0x80, v4, vm0, $0xb8;
	[tilespmem:$0x10100] =	vst v63  }
0x273: {  	s31 =	simm.s32 $0x4100  }
0x274: {  	[hbm4b:s4+s1] =	stream.indirect_vreg.scatter [tilespmem:s31], [sflag:$0x1], $0x80, v3, vm0, $0xb8;
	[tilespmem:$0x10100] =	vst v63  }
0x275: {  	s24 =	simm.s32 $0x4900  }
0x276: {  	[hbm4b:s12+s1] =	stream.indirect_vreg.scatter [tilespmem:s24], [sflag:$0x1], $0x80, v3, vm0, $0xb8;
	[tilespmem:$0x10100] =	vst v63  }
0x277: {  	s24 =	simm.s32 $0x5100  }
0x278: {  	[hbm4b:s13+s1] =	stream.indirect_vreg.scatter [tilespmem:s24], [sflag:$0x1], $0x80, v3, vm0, $0xb8;
	[tilespmem:$0x10100] =	vst v63  }
0x279: {  	s31 =	simm.s32 $0x5900  }
0x27a: {  	[hbm4b:s14+s1] =	stream.indirect_vreg.scatter [tilespmem:s31], [sflag:$0x1], $0x80, v3, vm0, $0xb8;
	[tilespmem:$0x10100] =	vst v63  }
0x27b: {  	s24 =	simm.s32 $0x6100  }
0x27c: {  	[hbm4b:s15+s1] =	stream.indirect_vreg.scatter [tilespmem:s24], [sflag:$0x1], $0x80, v3, vm0, $0xb8;
	[tilespmem:$0x10100] =	vst v63  }
0x27d: {  	s31 =	simm.s32 $0x6900  }
0x27e: {  	[hbm4b:s16+s1] =	stream.indirect_vreg.scatter [tilespmem:s31], [sflag:$0x1], $0x80, v3, vm0, $0xb8;
	[tilespmem:$0x10100] =	vst v63  }
0x27f: {  	s24 =	simm.s32 $0x7100  }
0x280: {  	[hbm4b:s17+s1] =	stream.indirect_vreg.scatter [tilespmem:s24], [sflag:$0x1], $0x80, v3, vm0, $0xb8;
	[tilespmem:$0x10100] =	vst v63  }
0x281: {  	s25 =	simm.s32 $0x7900  }
0x282: {  	[hbm4b:s18+s1] =	stream.indirect_vreg.scatter [tilespmem:s25], [sflag:$0x1], $0x80, v3, vm0, $0xb8;
	[tilespmem:$0x10100] =	vst v63  }
0x283: {  	v3 =	vld [tilespmem:$0x90];
	_ =	sdelay $0x4  }
0x284: {  	v63 =	vshll.u32 v3, $0x4  }
0x285: {  	v3 =	vand.u32 $0x7, v3;
	v4 =	vand.u32 $0xFFFFFF80, v63  }
0x286: {  	v3 =	vor.u32 v3, v4  }
0x287: {  	v4 =	vperm.xlane v3, v0;
	_ =	sdelay $0x1  }
0x288: {  	v4 =	vadd.s32 v1, v4;
	_ =	sdelay $0x3  }
0x289: {  	s31 =	simm.s32 $0x8100  }
0x28a: {  	[hbm4b:s4+s1] =	stream.indirect_vreg.scatter [tilespmem:s31], [sflag:$0x1], $0x80, v4, vm0, $0xb8;
	[tilespmem:$0x10100] =	vst v63  }
0x28b: {  	s24 =	simm.s32 $0x8900  }
0x28c: {  	[hbm4b:s12+s1] =	stream.indirect_vreg.scatter [tilespmem:s24], [sflag:$0x1], $0x80, v4, vm0, $0xb8;
	[tilespmem:$0x10100] =	vst v63  }
0x28d: {  	s25 =	simm.s32 $0x9100  }
0x28e: {  	[hbm4b:s13+s1] =	stream.indirect_vreg.scatter [tilespmem:s25], [sflag:$0x1], $0x80, v4, vm0, $0xb8;
	[tilespmem:$0x10100] =	vst v63  }
0x28f: {  	s31 =	simm.s32 $0x9900  }
0x290: {  	[hbm4b:s14+s1] =	stream.indirect_vreg.scatter [tilespmem:s31], [sflag:$0x1], $0x80, v4, vm0, $0xb8;
	[tilespmem:$0x10100] =	vst v63  }
0x291: {  	s26 =	simm.s32 $0xA100  }
0x292: {  	[hbm4b:s15+s1] =	stream.indirect_vreg.scatter [tilespmem:s26], [sflag:$0x1], $0x80, v4, vm0, $0xb8;
	[tilespmem:$0x10100] =	vst v63  }
0x293: {  	s28 =	simm.s32 $0xA900;
	v3 =	vperm.xlane v3, v2  }
0x294: {  	[hbm4b:s16+s1] =	stream.indirect_vreg.scatter [tilespmem:s28], [sflag:$0x1], $0x80, v4, vm0, $0xb8;
	[tilespmem:$0x10100] =	vst v63  }
0x295: {  	v3 =	vadd.s32 v1, v3;
	s24 =	simm.s32 $0xB100  }
0x296: {  	[hbm4b:s17+s1] =	stream.indirect_vreg.scatter [tilespmem:s24], [sflag:$0x1], $0x80, v4, vm0, $0xb8;
	[tilespmem:$0x10100] =	vst v63  }
0x297: {  	s25 =	simm.s32 $0xB900  }
0x298: {  	[hbm4b:s18+s1] =	stream.indirect_vreg.scatter [tilespmem:s25], [sflag:$0x1], $0x80, v4, vm0, $0xb8;
	[tilespmem:$0x10100] =	vst v63  }
0x299: {  	s26 =	simm.s32 $0xC100  }
0x29a: {  	[hbm4b:s4+s1] =	stream.indirect_vreg.scatter [tilespmem:s26], [sflag:$0x1], $0x80, v3, vm0, $0xb8;
	[tilespmem:$0x10100] =	vst v63  }
0x29b: {  	s31 =	simm.s32 $0xC900  }
0x29c: {  	[hbm4b:s12+s1] =	stream.indirect_vreg.scatter [tilespmem:s31], [sflag:$0x1], $0x80, v3, vm0, $0xb8;
	[tilespmem:$0x10100] =	vst v63  }
0x29d: {  	s2 =	simm.s32 $0xD100  }
0x29e: {  	[hbm4b:s13+s1] =	stream.indirect_vreg.scatter [tilespmem:s2], [sflag:$0x1], $0x80, v3, vm0, $0xb8;
	[tilespmem:$0x10100] =	vst v63  }
0x29f: {  	s19 =	simm.s32 $0xD900  }
0x2a0: {  	[hbm4b:s14+s1] =	stream.indirect_vreg.scatter [tilespmem:s19], [sflag:$0x1], $0x80, v3, vm0, $0xb8;
	[tilespmem:$0x10100] =	vst v63  }
0x2a1: {  	s21 =	simm.s32 $0xE100  }
0x2a2: {  	[hbm4b:s15+s1] =	stream.indirect_vreg.scatter [tilespmem:s21], [sflag:$0x1], $0x80, v3, vm0, $0xb8;
	[tilespmem:$0x10100] =	vst v63  }
0x2a3: {  	s22 =	simm.s32 $0xE900;
	s28 =	rddreg [dreg:$0xb]  }
0x2a4: {  	[hbm4b:s16+s1] =	stream.indirect_vreg.scatter [tilespmem:s22], [sflag:$0x1], $0x80, v3, vm0, $0xb8;
	[tilespmem:$0x10100] =	vst v63  }
0x2a5: {  	s23 =	simm.s32 $0xF100;
	p0 =	sne.s32 s28, $0x1  }
0x2a6: {  	[hbm4b:s17+s1] =	stream.indirect_vreg.scatter [tilespmem:s23], [sflag:$0x1], $0x80, v3, vm0, $0xb8;
	[tilespmem:$0x10100] =	vst v63  }
.Ltmp0:
0x2a7: {  	s29 =	simm.s32 $0xF900;
	(pc) =	sbr.rel @p0 .LBB2_1-.Ltmp0, $4  }
0x2a8: {  	[hbm4b:s18+s1] =	stream.indirect_vreg.scatter [tilespmem:s29], [sflag:$0x1], $0x80, v3, vm0, $0xb8;
	[tilespmem:$0x10100] =	vst v63  }
0x2a9: {  	_ =	swait.ge [sflag:s30], $0x10000  }
0x2aa: {  	[sflag:s30] =	ssyncset.done $0x0  }
0x2ab: {  	s0 =	sadd.s32 $0xFFFFFFFF, s28;
	[sflag:s30] =	ssyncadd.s32 $0xFFFF0000  }
0x2ac: {  	_ =	sfence.sel $0x180000  }
0x2ad: {  	[bflag:$0x0] =	sbarrier.arrive $0xFFFF  }
0x2ae: {  	_ =	strace $0x90000050  }
0x2af: {  	s0 =	stileid.u32;
	[bflag:$0x2] =	sbarrier.arrive $0xFFFF  }
0x2b0: {  	p0 =	sne.s32 s0, $0x0;
	s0 =	rddreg [dreg:$0x2]  }
0x2b1: {  	s0 =	sadd.s32 @!p0 $0x100000, s0  }
0x2b2: {  	[sflag:s0] =	ssyncadd.tile.s32 @!p0 $0x1;
	_ =	shalt  }
.Lfunc_end2:
_tile_overlayer_lowered:
.L_overlay_start_2:
0x2b3: {  	(tag) =	ssettag $0x2  }
0x2b4: {  	s0 =	rddreg [dreg:$0x0];
	s2 =	stileid.u32  }
0x2b5: {  	s1 =	rddreg [dreg:$0x1];
	p0 =	sne.s32 s2, $0x0  }
0x2b6: {  	s3 =	rddreg [dreg:$0x2];
	[bflag:$0x3] =	sbarrier.arrive $0xFFFF;
	s2 =	simm.s32 @!p0 $0x1C02  }
0x2b7: {  	[timem:s3], [sflag:s2] =	dma.local @!p0 [hbm:s0], s1  }
0x2b8: {  	s0 =	simm.s32 @!p0 $0x2  }
0x2b9: {  	_ =	swait.ge @!p0 [sflag:s0], s1  }
0x2ba: {  	s1 =	ssub.s32 @!p0 $0x0, s1;
	[sflag:s0] =	ssyncset.done @!p0 $0x0  }
0x2bb: {  	[sflag:s0] =	ssyncadd.s32 @!p0 s1  }
0x2bc: {  	[bflag:$0x3] =	sbarrier.arrive $0xFFFF  }
0x2bd: {  	_ =	shalt  }

// kernel: scatter_offload_async_start
scs
__scs_entry_jumppad:
0x0: {  	(pc) =	sbr.rel $0x88, $3  }
0x1: {  	(tag) =	ssettag $0x0;
	lr =	simm.s32 $0x1  }
0x2: {  	[smem:$0x3F98] =	sst lr;
	_ =	strace $0xD0000000  }
0x3: {  	_ = 	snop  }
0x4: {  	_ = 	snop  }
0x5: {  	_ = 	snop  }
0x6: {  	_ = 	snop  }
0x7: {  	_ = 	snop  }
__scs_overlays_trampoline_lowered:
0x8: {  	[smem:$0x3FA7] =	sst s0  }
0x9: {  	[smem:$0x3FA8] =	sst s1  }
0xa: {  	[smem:$0x3FA9] =	sst s2  }
0xb: {  	[smem:$0x3FAA] =	sst s3  }
0xc: {  	[smem:$0x3FAB] =	sst s4  }
0xd: {  	[smem:$0x3FAC] =	sst s5  }
0xe: {  	[smem:$0x3FAD] =	sst s6  }
0xf: {  	[smem:$0x3FAE] =	sst s7  }
0x10: {  	[smem:$0x3FAF] =	sst s8  }
0x11: {  	[smem:$0x3FB0] =	sst s9;
	s0 =	simm.s32 @!p0 $0x0  }
0x12: {  	s1 =	sld [smem:$0x3F96];
	s0 =	simm.s32 @p0 $0x1  }
0x13: {  	[smem:$0x3FB1] =	sst s0;
	s0 =	simm.s32 @!p1 $0x0  }
0x14: {  	s2 =	sld [smem:$0x3F95];
	s0 =	simm.s32 @p1 $0x1  }
0x15: {  	[smem:$0x3FB2] =	sst s0;
	s0 =	simm.s32 @!p2 $0x0  }
0x16: {  	s3 =	sld [smem:$0x3FDB];
	s0 =	simm.s32 @p2 $0x1  }
0x17: {  	s4 =	simm.s32 $0x1BF5;
	[smem:$0x3FB4] =	sst s0  }
0x18: {  	s0 =	sld [smem:$0x3F97];
	_ =	swait.ge [sflag:s4], $0x0  }
0x19: {  	s7 =	sld [smem:$0x3F98]  }
0x1a: {  	s8 =	sadd.s32 $0xFFFFE003, lr  }
0x1b: {  	s9 =	sadd.s32 $0xFFFFFEF7, lr;
	s5 =	simm.s32 $0xFFFFFFFF;
	p2 =	slt.u32 s8, $0xFFFFF086  }
0x1c: {  	p1 =	slt.u32 s9, $0xF7A;
	s5 =	simm.s32 @!p2 $0x0  }
0x1d: {  	s5 =	simm.s32 @p1 $0x1;
	p0 =	seq.s32 s7, s2  }
0x1e: {  	s7 =	smul.u32 @!p0 $0xF7A, s2;
	p2 =	seq.s32 @!p0 s5, $0x0  }
0x1f: {  	s9 =	smul.u32 $0xF7A, s1;
	s8 =	simm.s32 @!p0 $0x1BF5;
	p2 =	por !p2, p0  }
0x20: {  	[sflag:s8] =	ssyncset.s32 @!p0 $0xFFFFF086;
	s6 =	sadd.s32 @!p0 s3, s7;
	s7 =	simm.s32 @!p0 $0x108  }
0x21: {  	s3 =	sadd.s32 s3, s9;
	s6 =	sadd.s32 @!p0 $0x88, s6;
	s7 =	simm.s32 @p2 $0x1082  }
0x22: {  	[simem:s7], [sflag:s8] =	dma.local @!p0 [hbm:s6], $0xF7A  }
0x23: {  	s9 =	sor.u32 $0xD0000000, s2;
	s6 =	simm.s32 $0x108;
	_ =	swait.ge @!p0 [sflag:s8], $0x0  }
0x24: {  	s3 =	sadd.s32 $0x88, s3;
	s6 =	simm.s32 @!p1 $0x1082;
	[sflag:s4] =	ssyncset.s32 $0xFFFFF086  }
0x25: {  	[simem:s6], [sflag:s4] =	dma.local [hbm:s3], $0xF7A  }
0x26: {  	[smem:$0x3F98] =	sst s1;
	(tag) =	ssettag s2;
	_ =	strace s9  }
0x27: {  	s1 =	sld [smem:$0x3FA8]  }
0x28: {  	s2 =	sld [smem:$0x3FA9]  }
0x29: {  	s4 =	sld [smem:$0x3FAB]  }
0x2a: {  	p0 =	seq.s32 s5, $0x0;
	s5 =	sld [smem:$0x3FAC]  }
0x2b: {  	s6 =	sld [smem:$0x3FAD]  }
0x2c: {  	s7 =	sld [smem:$0x3FAE]  }
0x2d: {  	s3 =	simm.s32 $0x108;
	s8 =	sld [smem:$0x3FAF]  }
0x2e: {  	s3 =	simm.s32 @!p0 $0x1082;
	s9 =	sld [smem:$0x3FB0]  }
0x2f: {  	lr =	sadd.s32 s0, s3;
	s0 =	sld [smem:$0x3FA7]  }
0x30: {  	s3 =	sld [smem:$0x3FAA]  }
0x31: {  	[smem:$0x3FB3] =	sst s10  }
0x32: {  	s10 =	sld [smem:$0x3FB1];
	_ =	sdelay $0x3  }
0x33: {  	p0 =	seq.s32 s10, $0x1;
	s10 =	sld [smem:$0x3FB3];
	_ =	sdelay $0x3  }
0x34: {  	[smem:$0x3FB3] =	sst s10  }
0x35: {  	s10 =	sld [smem:$0x3FB2];
	_ =	sdelay $0x3  }
0x36: {  	p1 =	seq.s32 s10, $0x1;
	s10 =	sld [smem:$0x3FB3];
	_ =	sdelay $0x3  }
0x37: {  	[smem:$0x3FB3] =	sst s10  }
0x38: {  	s10 =	sld [smem:$0x3FB4]  }
0x39: {  	_ = 	snop;
	(pc) =	sbr.ind lr, $3  }
0x3a: {  	_ = 	snop  }
0x3b: {  	_ = 	snop  }
0x3c: {  	p2 =	seq.s32 s10, $0x1;
	s10 =	sld [smem:$0x3FB3]  }
0x3d: {  	_ =	shalt  }
0x3e: {  	_ =	shalt  }
0x3f: {  	_ =	shalt  }
0x40: {  	_ =	shalt  }
0x41: {  	_ =	shalt  }
0x42: {  	_ =	shalt  }
0x43: {  	_ =	shalt  }
0x44: {  	_ =	shalt  }
0x45: {  	_ =	shalt  }
0x46: {  	_ =	shalt  }
0x47: {  	_ =	shalt  }
0x48: {  	_ =	shalt  }
0x49: {  	_ =	shalt  }
0x4a: {  	_ =	shalt  }
0x4b: {  	_ =	shalt  }
0x4c: {  	_ =	shalt  }
0x4d: {  	_ =	shalt  }
0x4e: {  	_ =	shalt  }
0x4f: {  	_ =	shalt  }
0x50: {  	_ =	shalt  }
0x51: {  	_ =	shalt  }
0x52: {  	_ =	shalt  }
0x53: {  	_ =	shalt  }
0x54: {  	_ =	shalt  }
0x55: {  	_ =	shalt  }
0x56: {  	_ =	shalt  }
0x57: {  	_ =	shalt  }
0x58: {  	_ =	shalt  }
0x59: {  	_ =	shalt  }
0x5a: {  	_ =	shalt  }
0x5b: {  	_ =	shalt  }
0x5c: {  	_ =	shalt  }
0x5d: {  	_ =	shalt  }
0x5e: {  	_ =	shalt  }
0x5f: {  	_ =	shalt  }
0x60: {  	_ =	shalt  }
0x61: {  	_ =	shalt  }
0x62: {  	_ =	shalt  }
0x63: {  	_ =	shalt  }
0x64: {  	_ =	shalt  }
0x65: {  	_ =	shalt  }
0x66: {  	_ =	shalt  }
0x67: {  	_ =	shalt  }
0x68: {  	_ =	shalt  }
0x69: {  	_ =	shalt  }
0x6a: {  	_ =	shalt  }
0x6b: {  	_ =	shalt  }
0x6c: {  	_ =	shalt  }
0x6d: {  	_ =	shalt  }
0x6e: {  	_ =	shalt  }
0x6f: {  	_ =	shalt  }
0x70: {  	_ =	shalt  }
0x71: {  	_ =	shalt  }
0x72: {  	_ =	shalt  }
0x73: {  	_ =	shalt  }
0x74: {  	_ =	shalt  }
0x75: {  	_ =	shalt  }
0x76: {  	_ =	shalt  }
0x77: {  	_ =	shalt  }
0x78: {  	_ =	shalt  }
0x79: {  	_ =	shalt  }
0x7a: {  	_ =	shalt  }
0x7b: {  	_ =	shalt  }
0x7c: {  	_ =	shalt  }
0x7d: {  	_ =	shalt  }
0x7e: {  	_ =	shalt  }
0x7f: {  	_ =	shalt  }
0x80: {  	_ =	shalt  }
0x81: {  	_ =	shalt  }
0x82: {  	_ =	shalt  }
0x83: {  	_ =	shalt  }
0x84: {  	_ =	shalt  }
0x85: {  	_ =	shalt  }
0x86: {  	_ =	shalt  }
0x87: {  	_ =	shalt  }
.Lfunc_end0:
.L_simem_size_0:
called_computation_lowered:
.L_overlay_start_0:
0x88: {  	s0 =	sld [smem:$0x3FD9]  }
0x89: {  	s1 =	sld [smem:$0x3FFE];
	_ =	sdelay $0x3  }
0x8a: {  	s0 =	sadd.s32 s1, s0  }
0x8b: {  	[smem:$0x3FBF] =	sst s0  }
0x8c: {  	_ = 	snop  }
0x8d: {  	(tm) =	ssettm $0x1  }
0x8e: {  	s15 =	sld [smem:$0x3FFB];
	_ =	sdelay $0x3  }
0x8f: {  	_ =	strace s15  }
0x90: {  	s0 =	sld [smem:$0x3FFC];
	_ =	sdelay $0x3  }
0x91: {  	_ =	strace s0  }
0x92: {  	s0 =	sld [smem:$0x3FFD];
	_ =	sdelay $0x3  }
0x93: {  	_ =	strace s0  }
0x94: {  	_ =	strace $0x8FFFFFFF  }
0x95: {  	s16 =	sld [smem:$0x3FDB];
	_ =	sdelay $0x1  }
0x96: {  	s17 =	simm.s32 $_scs_section_size  }
0x97: {  	s2 =	simm.s32 $_size__tile_overlayer_lowered;
	s3 =	simm.s32 $_tile_overlayer_lowered  }
0x98: {  	s20 =	simm.s32 $0x1BFF;
	s19 =	sshll.u32 s3, $0x1;
	s0 =	sadd.s32 s17, s16  }
0x99: {  	s4 =	simm.s32 $0x0;
	s18 =	sshll.u32 s2, $0x1;
	s2 =	sadd.s32 s19, s0  }
0x9a: {  	[timem:s4], [sflag:s20] =	dma.local [hbm:s2], s18  }
0x9b: {  	_ =	swait.ge [sflag:s20], s18  }
0x9c: {  	s1 =	ssub.s32 $0x0, s18;
	[sflag:s20] =	ssyncset.done $0x0  }
0x9d: {  	[sflag:s20] =	ssyncadd.s32 s1;
	_ =	sdelay $0x1  }
0x9e: {  	s21 =	simm.s32 $0x1B8B  }
0x9f: {  	_ =	swait.ge [sflag:s21], $0x1  }
0xa0: {  	[sflag:s21] =	ssyncset.done $0x0  }
0xa1: {  	s23 =	simm.s32 $0x1B8E;
	s22 =	sld [smem:$0x3FFE];
	[sflag:s21] =	ssyncadd.s32 $0xFFFFFFFF  }
0xa2: {  	s24 =	simm.s32 $execute0_lowered;
	[smem:$0x3FD2] =	sst s23  }
0xa3: {  	s2 =	sshll.u32 s24, $0x1;
	_ =	strace $0x80000049;
	[dreg:$0x1] =	wrdreg $0xFFFFFFFF  }
0xa4: {  	s25 =	simm.s32 $_size_execute0_lowered;
	s0 =	sadd.s32 s0, s2;
	[dreg:$0x0] =	wrdreg $0x0  }
0xa5: {  	s2 =	sshll.u32 s25, $0x1;
	[dreg:$0x2] =	wrdreg s0  }
0xa6: {  	[dreg:$0x3] =	wrdreg s2  }
0xa7: {  	[dreg:$0x4] =	wrdreg $0xC0  }
0xa8: {  	_ =	task [dreg:s4], $0x5FFFF  }
0xa9: {  	[dreg:$0x1] =	wrdreg $0xFFFFFFFF  }
0xaa: {  	[dreg:$0x0] =	wrdreg $0x60  }
0xab: {  	[dreg:$0x2] =	wrdreg s22  }
0xac: {  	[dreg:$0x3] =	wrdreg $0x9  }
0xad: {  	_ =	task.clear_ibuf [dreg:s4], $0x4FFFF;
	_ =	strace $0x90000049  }
0xae: {  	s26 =	simm.s32 $0x9;
	_ =	strace $0x8000004B  }
0xaf: {  	_ =	swait.ge [sflag:s26], $0x1  }
0xb0: {  	[sflag:s26] =	ssyncadd.s32 $0xFFFFFFFF  }
0xb1: {  	_ =	strace $0x9000004B  }
0xb2: {  	_ =	sfence  }
0xb3: {  	s28 =	sld [smem:$0x0];
	_ =	sdelay $0x1  }
0xb4: {  	s29 =	srdreg.scid  }
0xb5: {  	s30 =	sshll.u32 s29, $0xD;
	s31 =	sshrl.u32 s29, $0x2  }
0xb6: {  	s1 =	sand.u32 $0x1, s29;
	s2 =	sand.u32 $0x4000, s30;
	s0 =	sadd.s32 s31, s28  }
0xb7: {  	s1 =	sor.u32 s2, s1;
	s0 =	sshll.u32 s0, $0x11  }
0xb8: {  	s0 =	sor.u32 s0, s1  }
0xb9: {  	s0 =	sadd.s32 $0x8F2B, s0  }
0xba: {  	[sflag:s0] =	ssyncadd.remote.s32 $0x1  }
0xbb: {  	_ =	sfence.sel $0xFFFF  }
0xbc: {  	[dreg:$0x0] =	wrdreg $0xFFFFFFFF;
	(pc) =	sbr.abs _section_cstart, $3  }
0xbd: {  	[dreg:$0x1] =	wrdreg $0xFFFFFFFF  }
0xbe: {  	_ =	task.clear_ibuf [dreg:s4], $0x2FFFF;
	_ =	strace $0x9FFFFFFF  }
0xbf: {  	(tm) =	ssettm $0x7FFFFFFF  }
tec
execute0_lowered:
.L_overlay_start_1:
0x0: {  	(tag) =	ssettag $0x1  }
0x1: {  	s1 =	rddreg [dreg:$0x0];
	_ =	strace $0x8000004A;
	s2 =	simm.s32 $0x1  }
0x2: {  	v1 =	vimm.s32 $0xFFFFFFFF;
	[sflag:s2] =	ssyncpa.u1 $0x0  }
0x3: {  	[tilespmem:$0x10] =	vst v1  }
0x4: {  	v0 =	vimm.s32 $0x80000000;
	[tilespmem:$0x20] =	vst v1  }
0x5: {  	[tilespmem:$0x30] =	vst v0  }
0x6: {  	s5 =	simm.s32 $0x10;
	[tilespmem:$0x40] =	vst v0  }
0x7: {  	s7 =	simm.s32 $0x2;
	s31 =	simm.s32 $0x7;
	s9 =	simm.s32 $0x9;
	[tilespmem:$0x50] =	vst v0  }
0x8: {  	s16 =	simm.s32 $0x100;
	s17 =	simm.s32 $0xFFFFFFFE;
	s18 =	simm.s32 $0x0;
	[tilespmem:$0x60] =	vst v1  }
0x9: {  	s19 =	simm.s32 $0xFFFFFFFF;
	s20 =	simm.s32 $0xF;
	s21 =	simm.s32 $0x30;
	[tilespmem:$0x70] =	vst v1  }
0xa: {  	s22 =	simm.s32 $0x0;
	s25 =	simm.s32 $0x0;
	s2 =	stileid.u32;
	[tilespmem:$0x80] =	vst v1  }
0xb: {  	s23 =	simm.s32 $0x0;
	v1 =	vimm.s32 $0x0;
	s3 =	smin.u32 s2, $0x4;
	p0 =	slt.u32 s2, $0x4;
	[tilespmem:$0xB0] =	vst v0  }
0xc: {  	s4 =	sadd.s32 $0x400, s1;
	[tilespmem:$0x90] =	vst v1;
	s3 =	sshll.u32 s3, $0x4;
	s5 =	simm.s32 @!p0 $0x0  }
0xd: {  	s12 =	sshllo.u32 s2, $0x1;
	[tilespmem:$0xA0] =	vst v1;
	[sflag:s7] =	ssyncpa.u1 $0x0;
	s6 =	sadd.s32 s5, s3  }
0xe: {  	s7 =	simm.s32 $0x8;
	s5 =	sadd.s32 $0x600, s1;
	s6 =	smin.u32 s6, $0x40  }
.Ltmp0:
0xf: {  	[sflag:s31] =	ssyncpa.u1 $0x0;
	s8 =	ssub.s32 s6, s3;
	(pc) =	sbr.rel .LBB2_1-.Ltmp0, $4  }
0x10: {  	s24 =	smov.u32 s3;
	[sflag:s7] =	ssyncpa.u1 $0x0;
	p0 =	sgt.s32 s8, $0x0  }
0x11: {  	[sflag:s9] =	ssyncpa.u1 $0x0;
	s9 =	sshll.u32 s2, $0x1;
	s8 =	simm.s32 @!p0 $0x0  }
0x12: {  	s11 =	sor.u32 $0x81, s9;
	s13 =	sor.u32 $0x80, s9;
	s8 =	sshrl.u32 s8, $0x4  }
0x13: {  	vm0 =	vmxor vm0, vm0;
	vm1 =	vmmov $0x1;
	vm2 =	vmmov $0xffff;
	s10 =	sadd.s32 $0x2, s8;
	s14 =	sadd.s32 $0x3, s8;
	s15 =	sadd.s32 $0x1, s8  }
.LBB2_3:
0x14: {  	p0 =	slt.u32 s23, $0x3  }
0x15: {  	s0 =	simm.s32 @!p0 $0x2  }
0x16: {  	_ =	swait.ge @!p0 [sflag:s0], $0x10  }
0x17: {  	[sflag:s0] =	ssyncset.done @!p0 $0x0  }
0x18: {  	[sflag:s0] =	ssyncadd.s32 @!p0 $0xFFFFFFF0;
	s0 =	simm.s32 @!p0 $0x9  }
0x19: {  	_ =	swait.ge @!p0 [sflag:s0], $0x10  }
0x1a: {  	s25 =	sadd.s32 $0x10, s24;
	s23 =	sadd.s32 $0x1, s23;
	[sflag:s0] =	ssyncset.done @!p0 $0x0  }
0x1b: {  	[sflag:s0] =	ssyncadd.s32 @!p0 $0xFFFFFFF0;
	p0 =	slt.s32 s25, s6;
	s0 =	smov.u32 s3  }
0x1c: {  	s0 =	smov.u32 @p0 s25;
	p0 =	sne.s32 s14, s23  }
.Ltmp1:
0x1d: {  	_ = 	snop;
	(pc) =	sbr.rel @!p0 .LBB2_4-.Ltmp1, $3  }
0x1e: {  	_ =	sdelay $0x1  }
0x1f: {  	s16 =	sadd.s32 $0x10, s16;
	s17 =	sadd.s32 $0x1, s17;
	s22 =	sadd.s32 $0x10, s22  }
0x20: {  	s19 =	sadd.s32 $0x1, s19;
	s25 =	smov.u32 s24;
	s24 =	smov.u32 s0  }
.LBB2_1:
0x21: {  	s26 =	smulhi.u32 $0xAAAAAAAB, s23;
	_ =	sdelay $0x1  }
0x22: {  	s26 =	sshrl.u32 s26, $0x1  }
0x23: {  	s26 =	smul.u32 $0xFFFFFF40, s26  }
0x24: {  	p0 =	sge.u32 s23, s8  }
0x25: {  	s30 =	smulhi.u32 $0xAAAAAAAB, s19;
	s28 =	sshrl.u32 @!p0 s24, $0x3;
	s26 =	sshra.s32 @!p0 s26, $0x2  }
0x26: {  	s29 =	sand.u32 @!p0 $0x7, s24;
	s28 =	sadd.s32 @!p0 s4, s28;
	s26 =	sadd.s32 @!p0 s26, s16  }
0x27: {  	[tilespmem:s26], [sflag:$0x7] =	stream.linear.gather @!p0 [hbm4b:s28+s29], $0x10, $0x38;
	[tilespmem:$0x1B0] =	vst v63  }
0x28: {  	s31 =	sadd.s32 $0xFFFFFFFF, s23;
	s26 =	sshrl.u32 s30, $0x1  }
0x29: {  	p0 =	sge.u32 s31, s8;
	s26 =	smul.u32 $0xFFFFFF40, s26  }
0x2a: {  	s28 =	simm.s32 @!p0 $0x7  }
0x2b: {  	_ =	swait.ge @!p0 [sflag:s28], $0x10;
	s26 =	sshra.s32 @!p0 s26, $0x2  }
0x2c: {  	[sflag:s28] =	ssyncset.done @!p0 $0x0;
	s26 =	sadd.s32 @!p0 s26, s16  }
0x2d: {  	[sflag:s28] =	ssyncadd.s32 @!p0 $0xFFFFFFF0;
	(ifvalue) =	ssetifvalue @!p0 $0xFFFFFFFF;
	v2 =	vld.msk @!p0 [tilespmem:s26+$0xFFFFFFF0 ss:$0x1], $0xffff;
	_ =	sdelay $0x1  }
0x2e: {  	p1 =	sne.s32 @!p0 s23, $0x1  }
0x2f: {  	p1 =	por p1, p0  }
0x30: {  	v3 =	vimm.s32 @!p1 $0x0  }
0x31: {  	v3 =	vperm.xlane @!p1 v2, v3  }
0x32: {  	vm3 =	vlt.u32 @!p0 v2, $0x80  }
0x33: {  	s28 =	sand.u32 @!p0 $0x10, s22;
	v2 =	vnsel @!p0 vm3, $0xFFFFFFFE, v2;
	vm3 =	vlt.u32 @!p1 v3, $0x80  }
0x34: {  	[tilespmem:s28+$0x60] =	vst @!p0 v2;
	v2 =	vnsel @!p1 vm3, $0xFFFFFFFE, v3  }
0x35: {  	s28 =	sadd.s32 @!p0 $0xFFFFFFF0, s26;
	[tilespmem:$0x80] =	vst @!p1 v2  }
0x36: {  	v2 =	vld.msk @!p0 [tilespmem:s28+$0x0 ss:$0x1], $0xffff;
	_ =	sdelay $0x4  }
0x37: {  	(xrf1) =	vunique.msk.u32 @!p0 $0xffff, v2;
	_ =	sdelay $0xd  }
0x38: {  	v4 =	vlaneseq.u32 @!p0;
	v3, _, _ =	vpop @!p0 (xrf1)  }
0x39: {  	vm3 =	vlt.u32 @!p0 v2, $0x80;
	vm4 =	veq.s32 @!p0 v3, v4  }
0x3a: {  	vm4 =	vmand @!p0 vm3, vm4  }
0x3b: {  	v2 =	vnsel @!p0 vm4, $0xFFFFFFFF, v2;
	_ =	sdelay $0x1  }
0x3c: {  	s28 =	sadd.s32 @!p0 $0xFFFFFFF0, s22  }
0x3d: {  	s30 =	simm.s32 @!p0 $0x0;
	s28 =	sand.u32 @!p0 $0x10, s28  }
0x3e: {  	s25 =	sshrl.u32 @!p0 s25, $0x3;
	s29 =	sadd.s32 @!p0 $0x130, s28;
	(ifvalue) =	ssetifvalue @!p0 $0xFFFFFFFF;
	vm4 =	vmmov @!p0 $0xffff  }
0x3f: {  	[tilespmem:s29], [sflag:$0x8] =	stream.indirect_vreg.gather @!p0 [hbm4b:s1+s30], $0x1, v2, vm4, $0x4038;
	v2 =	vnsel @!p0 vm3, $0xFFFFFFFE, v2;
	[tilespmem:$0x1B0] =	vst v63  }
0x40: {  	s25 =	sadd.s32 @!p0 s5, s25;
	[tilespmem:s26+$0xFFFFFFF0] =	vst @!p0 v2;
	s26 =	sadd.s32 @!p0 $0x150, s28  }
0x41: {  	[tilespmem:s26], [sflag:$0x8] =	stream.linear.gather @!p0 [hbm:s25], $0x10, $0x38;
	[tilespmem:$0x1B0] =	vst v63  }
0x42: {  	p0 =	slt.u32 s23, $0x2  }
0x43: {  	p1 =	sge.u32 @!p0 s23, s10  }
0x44: {  	p0 =	por p0, p1  }
.Ltmp2:
0x45: {  	_ = 	snop;
	(pc) =	sbr.rel @p0 .LBB2_3-.Ltmp2, $1  }
0x46: {  	_ =	sdelay $0x3  }
0x47: {  	s25 =	smulhi.u32 $0xAAAAAAAB, s17;
	_ =	sdelay $0x1  }
0x48: {  	s25 =	sshrl.u32 s25, $0x1  }
0x49: {  	s25 =	smul.u32 $0xC0, s25;
	_ =	sdelay $0x1  }
0x4a: {  	p0 =	sne.s32 s15, s23;
	s29 =	ssub.s32 $0xFFFFFF80, s25  }
0x4b: {  	_ =	swait.ge [sflag:s7], $0x20;
	s25 =	sshra.s32 @!p0 s29, $0x2  }
0x4c: {  	[sflag:s7] =	ssyncset.done $0x0;
	s25 =	sadd.s32 @!p0 s25, s16  }
0x4d: {  	s26 =	simm.s32 @!p0 $0x1;
	[sflag:s7] =	ssyncadd.s32 $0xFFFFFFE0;
	s25 =	sadd.s32 @!p0 $0xF, s25  }
0x4e: {  	[spmem:s11] =	stream.linear.scatter @!p0 [tilespmem:s25], [sflag:$0x1], $0x1, $0x38;
	[tilespmem:$0x1B0] =	vst v63  }
0x4f: {  	_ =	swait.ge @!p0 [sflag:s26], $0x1  }
0x50: {  	[sflag:s26] =	ssyncset.done @!p0 $0x0  }
0x51: {  	s25 =	sand.u32 $0x10, s22;
	[sflag:s26] =	ssyncadd.s32 @!p0 $0xFFFFFFFF  }
0x52: {  	s30 =	sxor.u32 $0x10, s25;
	v2 =	vld [tilespmem:s25+$0x10]  }
0x53: {  	v3 =	vld [tilespmem:s30+$0x60]  }
0x54: {  	v4 =	vld [tilespmem:$0x80];
	_ =	sdelay $0x2  }
0x55: {  	(v2sf) =	vpush v2, $0x0  }
0x56: {  	(v2sf) =	vpush v3, $0x0  }
0x57: {  	(v2sf) =	vpush v4, $0x0;
	_ =	sdelay $0xc  }
0x58: {  	s31 =	spop (v2sf)  }
0x59: {  	s0 =	spop (v2sf)  }
0x5a: {  	s28 =	spop (v2sf)  }
0x5b: {  	p1 =	seq.s32 s31, s0;
	p2 =	seq.s32 s28, s31  }
0x5c: {  	p2 =	por p1, p2  }
0x5d: {  	v2 =	vpsel p2, $0xFFFFFFFF, v2  }
0x5e: {  	v3 =	vld [tilespmem:s25+$0x150];
	[tilespmem:s25+$0x10] =	vst.msk $0x1, v2  }
0x5f: {  	v2 =	vld [tilespmem:$0x30]  }
0x60: {  	v5 =	vld [tilespmem:s25+$0x40];
	_ =	sdelay $0x3  }
0x61: {  	vm3 =	vmmov vm0;
	vm5 =	vmmov vm1;
	vm4 =	vgt.s32 v2, v3  }
0x62: {  	vm3 =	vmmov @p1 vm1;
	vm11 =	vgt.s32 v2, v5;
	v3 =	vsel vm4, v2, v3  }
0x63: {  	vm5 =	vmmov @p2 vm0;
	v2 =	vsel vm11, v2, v5;
	[tilespmem:s25+$0x150] =	vst.msk vm3, v3  }
0x64: {  	[tilespmem:s25+$0x190] =	vst.msk vm5, v2  }
0x65: {  	v2 =	vld [tilespmem:s25+$0x130];
	_ =	sdelay $0x4  }
0x66: {  	v2 =	vshift.insert v2, v1, s20  }
0x67: {  	s31 =	sor.u32 $0x40, s30  }
0x68: {  	s29 =	sshra.s32 s29, $0x2;
	[tilespmem:s31+$0x0] =	vst.msk $0x1, v2  }
0x69: {  	s0 =	sadd.s32 s29, s16;
	[tilespmem:s25+$0x13F] =	vst.msk $0x1, v0  }
0x6a: {  	v2 =	vld [tilespmem:s0+$0x0];
	_ =	sdelay $0x4  }
0x6b: {  	v2 =	vshift.insert v2, v1, s20;
	_ =	sdelay $0x1  }
0x6c: {  	[tilespmem:s30+$0x10] =	vst.msk $0x1, v2  }
0x6d: {  	v3 =	vld [tilespmem:s0+$0x0]  }
0x6e: {  	v60 =	vld [tilespmem:s25+$0x150];
	_ =	sdelay $0x4  }
0x6f: {  	vm3 =	vne.s32 v3, $0xFFFFFFFF;
	v5 =	vxor.u32 $0x80000000, v60  }
0x70: {  	(xrf0) =	vmax.seg.scan.u32 vm3, v5;
	_ =	sdelay $0x1  }
0x71: {  	v61 =	vperm.xlane v2, v1  }
0x72: {  	v6 =	vld [tilespmem:s25+$0x130]  }
0x73: {  	vm12 =	veq.s32 v3, v61;
	vm3 =	veq.s32 v3, v4  }
0x74: {  	vm13 =	vgt.u32 v3, $0xFFFFFFFD;
	vm4 =	vmor vm12, vm3  }
0x75: {  	vm4 =	vmor vm4, vm13;
	v62, _, _ =	vpop (xrf0)  }
0x76: {  	v3 =	vsel vm4, $0xFFFFFFFF, v3;
	v4 =	vxor.u32 $0x80000000, v62  }
0x77: {  	vm14 =	vgt.s32 v4, v6  }
0x78: {  	v6 =	vsel vm14, v4, v6  }
0x79: {  	v63 =	vld [tilespmem:$0xA0];
	v6 =	vsel vm3, v4, v6  }
0x7a: {  	s30 =	sadd.s32 $0x170, s25;
	v7 =	vld [tilespmem:$0x90];
	[tilespmem:s25+$0x170] =	vst v6;
	(ifvalue) =	ssetifvalue $0xFFFFFFFF  }
0x7b: {  	[hbm4b:s1+s18] =	stream.indirect_vreg.scatter [tilespmem:s30], [sflag:$0x2], $0x1, v3, vm2, $0x4038;
	[tilespmem:$0x1B0] =	vst v63  }
0x7c: {  	v3 =	vld [tilespmem:s25+$0x170];
	_ =	sdelay $0x4  }
0x7d: {  	v3 =	vshift.insert v3, v1, s20  }
0x7e: {  	vm15 =	veq.s32 v63, $0x1  }
0x7f: {  	vm4 =	vmor vm15, vm3;
	v4 =	vsel vm3, v4, v7;
	[tilespmem:s21+$0x0] =	vst.msk $0x1, v3  }
0x80: {  	v3 =	vsel vm4, $0x1, v1;
	[tilespmem:$0x90] =	vst v4  }
0x81: {  	s0 =	sadd.s32 @!p0 $0x17F, s25;
	[tilespmem:$0xA0] =	vst v3  }
0x82: {  	[spmem:s12] =	stream.linear.scatter @!p0 [tilespmem:s0], [sflag:$0x1], $0x1, $0x38;
	[tilespmem:$0x1B0] =	vst v63  }
0x83: {  	v3 =	vmctz.xlane @!p0 vm4;
	_ =	swait.ge @!p0 [sflag:s26], $0x1  }
0x84: {  	(v2sf) =	vpush @!p0 v2, $0x0  }
0x85: {  	(v2sf) =	vpush @!p0 v3, $0x0;
	_ =	sdelay $0xd  }
0x86: {  	s0 =	spop @!p0 (v2sf)  }
0x87: {  	s29 =	spop @!p0 (v2sf)  }
0x88: {  	p1 =	sne.s32 @!p0 s28, s0;
	p2 =	slt.s32 @!p0 s29, $0xF  }
0x89: {  	[sflag:s26] =	ssyncset.done @!p0 $0x0;
	p1 =	por p1, p0;
	p2 =	por !p2, p0  }
0x8a: {  	[sflag:s26] =	ssyncadd.s32 @!p0 $0xFFFFFFFF;
	v2 =	vimm.s32 @!p1 $0xFFFFFFFF;
	s29 =	simm.s32 @p2 $0xF  }
0x8b: {  	[tilespmem:$0x80] =	vst @!p1 v2;
	s0 =	sadd.s32 @!p0 $0x90, s29  }
0x8c: {  	[spmem:s9] =	stream.linear.scatter @!p0 [tilespmem:s0], [sflag:$0x1], $0x1, $0x38;
	[tilespmem:$0x1B0] =	vst v63  }
0x8d: {  	_ =	swait.ge @!p0 [sflag:s26], $0x1  }
0x8e: {  	[sflag:s26] =	ssyncset.done @!p0 $0x0  }
0x8f: {  	s0 =	simm.s32 @!p0 $0x80;
	[sflag:s26] =	ssyncadd.s32 @!p0 $0xFFFFFFFF  }
0x90: {  	[spmem:s13] =	stream.linear.scatter @!p0 [tilespmem:s0], [sflag:$0x1], $0x1, $0x38;
	[tilespmem:$0x1B0] =	vst v63  }
0x91: {  	_ =	swait.ge @!p0 [sflag:s26], $0x1  }
0x92: {  	[sflag:s26] =	ssyncset.done @!p0 $0x0  }
0x93: {  	[sflag:s26] =	ssyncadd.s32 @!p0 $0xFFFFFFFF;
	(ifvalue) =	ssetifvalue $0xFFFFFFFF;
	v2 =	vld [tilespmem:s25+$0x10];
	_ =	sdelay $0x3  }
.Ltmp3:
0x94: {  	_ = 	snop;
	(pc) =	sbr.rel .LBB2_3-.Ltmp3, $3  }
0x95: {  	_ =	sdelay $0x1  }
0x96: {  	s31 =	sadd.s32 $0x190, s25;
	(ifvalue) =	ssetifvalue $0xFFFFFFFF  }
0x97: {  	[hbm4b:s1+s18] =	stream.indirect_vreg.scatter [tilespmem:s31], [sflag:$0x9], $0x1, v2, vm2, $0x4038;
	[tilespmem:$0x1B0] =	vst v63  }
.LBB2_4:
0x98: {  	_ =	sfence.sel $0x180000  }
0x99: {  	s0 =	simm.s32 $0x7;
	[bflag:$0x0] =	sbarrier.arrive $0xFFFF  }
0x9a: {  	s26 =	simm.s32 $0x8;
	[sflag:s0] =	ssyncpa.u1 $0x1  }
0x9b: {  	s28 =	simm.s32 $0x9;
	[sflag:s26] =	ssyncpa.u1 $0x1  }
0x9c: {  	[sflag:s28] =	ssyncpa.u1 $0x1  }
0x9d: {  	_ =	sfence.stream.spmem  }
0x9e: {  	s29 =	simm.s32 $0x3;
	[bflag:$0x0] =	sbarrier.arrive $0xFFFF  }
0x9f: {  	s30 =	simm.s32 $0x4;
	[sflag:s29] =	ssyncpa.u1 $0x1  }
0xa0: {  	s31 =	simm.s32 $0x3C;
	[sflag:s30] =	ssyncpa.u1 $0x1  }
0xa1: {  	p0 =	sne.s32 s2, $0x0;
	[sflag:s31] =	ssyncpa.u1 $0x1  }
0xa2: {  	s0 =	simm.s32 @p0 $0x1;
	_ =	sfence @p0  }
0xa3: {  	[sflag:s0] =	ssyncpa.u1 @p0 $0x1;
	s0 =	simm.s32 @p0 $0x2  }
0xa4: {  	[sflag:s0] =	ssyncpa.u1 @p0 $0x1  }
0xa5: {  	_ =	strace @p0 $0x9000004A  }
0xa6: {  	[bflag:$0x2] =	sbarrier.arrive @p0 $0xFFFF  }
0xa7: {  	_ =	shalt @p0  }
.LBB2_5:
0xa8: {  	_ =	sfence.stream.spmem;
	s0 =	simm.s32 $0x5  }
0xa9: {  	s2 =	simm.s32 $0x80;
	s3 =	simm.s32 $0xC0;
	[sflag:s0] =	ssyncpa.u1 $0x0  }
0xaa: {  	[tilespmem:s3], [sflag:$0x5] =	stream.linear.gather [spmem:s2], $0x8, $0x38;
	[tilespmem:$0x1B0] =	vst v63  }
0xab: {  	s30 =	simm.s32 $0xE0;
	s2 =	simm.s32 $0x0  }
0xac: {  	[tilespmem:s30], [sflag:$0x5] =	stream.linear.gather [spmem:s2], $0x8, $0x38;
	[tilespmem:$0x1B0] =	vst v63  }
.Ltmp4:
0xad: {  	_ = 	snop;
	(pc) =	sbr.rel .LBB2_6-.Ltmp4, $4  }
0xae: {  	_ =	swait.ge [sflag:s0], $0x10  }
0xaf: {  	[sflag:s0] =	ssyncset.done $0x0  }
0xb0: {  	s31 =	simm.s32 $0x6;
	[sflag:s0] =	ssyncadd.s32 $0xFFFFFFF0  }
0xb1: {  	s3 =	simm.s32 $0x0;
	[sflag:s31] =	ssyncpa.u1 $0x0  }
.LBB2_11:
0xb2: {  	p0 =	sgt.u32 s4, $0x7F  }
0xb3: {  	s0 =	sshrl.u32 @!p0 s4, $0x3  }
0xb4: {  	s4 =	sand.u32 @!p0 $0x7, s4;
	s5 =	simm.s32 @!p0 $0xB0;
	s0 =	sadd.s32 @!p0 s1, s0  }
0xb5: {  	[tilespmem:s5], [sflag:$0x6] =	stream.linear.gather @!p0 [hbm4b:s0+s4], $0x1, $0x38;
	[tilespmem:$0x1B0] =	vst v63  }
0xb6: {  	s0 =	simm.s32 @!p0 $0x6  }
0xb7: {  	_ =	swait.ge @!p0 [sflag:s0], $0x1  }
0xb8: {  	[sflag:s0] =	ssyncset.done @!p0 $0x0  }
0xb9: {  	[sflag:s0] =	ssyncadd.s32 @!p0 $0xFFFFFFFF  }
0xba: {  	v1 =	vld.msk @!p0 [tilespmem:$0xB0], $0x1  }
0xbb: {  	v2 =	vld.msk @!p0 [tilespmem:s3+$0xE0], $0x1;
	_ =	sdelay $0x4  }
0xbc: {  	vm0 =	vgt.s32 @!p0 v2, v1  }
0xbd: {  	v1 =	vsel @!p0 vm0, v2, v1  }
0xbe: {  	[tilespmem:s3+$0xE0] =	vst.msk @!p0 $0x1, v1  }
0xbf: {  	[tilespmem:s2+$0xC0] =	vst.msk $0x1, v0  }
0xc0: {  	v0 =	vld.msk [tilespmem:s3+$0xE0], $0x1;
	_ =	sdelay $0x4  }
0xc1: {  	[tilespmem:s2+$0xE0] =	vst.msk $0x1, v0;
	s2 =	sadd.s32 $0x1, s2  }
.LBB2_13:
0xc2: {  	s3 =	sadd.s32 $0x1, s3  }
0xc3: {  	p0 =	sne.s32 s3, $0x8  }
.Ltmp5:
0xc4: {  	_ = 	snop;
	(pc) =	sbr.rel @!p0 .LBB2_14-.Ltmp5, $1  }
0xc5: {  	_ =	sdelay $0x3  }
.LBB2_6:
0xc6: {  	v0 =	vld.msk [tilespmem:s3+$0xC0], $0x1;
	_ =	sdelay $0x4  }
0xc7: {  	(v2sf) =	vpush v0, $0x0;
	_ =	sdelay $0xe  }
0xc8: {  	s4 =	spop (v2sf)  }
0xc9: {  	p0 =	seq.s32 s4, $0xFFFFFFFF  }
.Ltmp6:
0xca: {  	_ = 	snop;
	(pc) =	sbr.rel @p0 .LBB2_13-.Ltmp6, $1  }
0xcb: {  	_ =	sdelay $0x3  }
0xcc: {  	p0 =	slt.s32 s2, $0x1  }
.Ltmp7:
0xcd: {  	_ = 	snop;
	(pc) =	sbr.rel @p0 .LBB2_11-.Ltmp7, $1  }
0xce: {  	_ =	sdelay $0x3  }
0xcf: {  	s5 =	simm.s32 $0xC0;
	p0 =	por $0x0, $0x0  }
0xd0: {  	v1 =	vld.msk @!p0 [tilespmem:s5+$0x0], $0x1;
	_ =	sdelay $0x4  }
0xd1: {  	(v2sf) =	vpush @!p0 v1, $0x0;
	_ =	sdelay $0xd  }
0xd2: {  	p2 =	sne.s32 s2, $0x1  }
.Ltmp8:
0xd3: {  	s0 =	spop @!p0 (v2sf);
	(pc) =	sbr.rel @!p2 .LBB2_10-.Ltmp8, $4  }
0xd4: {  	p1 =	seq.s32 @!p0 s4, s0  }
0xd5: {  	s6 =	simm.s32 $0x0;
	p1 =	por !p1, p0  }
0xd6: {  	s0 =	simm.s32 $0xFFFFFFFF;
	s6 =	simm.s32 @p1 $0xFFFFFFFF  }
0xd7: {  	s7 =	simm.s32 $0x1;
	s6 =	smov.u32 @p0 s0  }
.LBB2_9:
0xd8: {  	s0 =	smov.u32 s6;
	p0 =	sne.s32 s6, $0xFFFFFFFF  }
0xd9: {  	s5 =	sadd.s32 $0x1, s5;
	s6 =	smov.u32 s7;
	s7 =	sadd.s32 $0x1, s7  }
0xda: {  	p1 =	sne.s32 s2, s7;
	v1 =	vld.msk @!p0 [tilespmem:s5+$0x0], $0x1;
	_ =	sdelay $0x4  }
0xdb: {  	(v2sf) =	vpush @!p0 v1, $0x0;
	_ =	sdelay $0xe  }
.Ltmp9:
0xdc: {  	s8 =	spop @!p0 (v2sf);
	(pc) =	sbr.rel @p1 .LBB2_9-.Ltmp9, $4  }
0xdd: {  	p2 =	seq.s32 @!p0 s4, s8  }
0xde: {  	p2 =	por !p2, p0  }
0xdf: {  	s6 =	simm.s32 @p2 $0xFFFFFFFF  }
0xe0: {  	s6 =	smov.u32 @p0 s0  }
.LBB2_10:
0xe1: {  	p0 =	sne.s32 s6, $0xFFFFFFFF  }
.Ltmp10:
0xe2: {  	_ = 	snop;
	(pc) =	sbr.rel @!p0 .LBB2_11-.Ltmp10, $1  }
0xe3: {  	_ =	sdelay $0x3  }
0xe4: {  	v0 =	vld.msk [tilespmem:s3+$0xE0], $0x1  }
0xe5: {  	v1 =	vld.msk [tilespmem:s6+$0xE0], $0x1;
	_ =	sdelay $0x2  }
.Ltmp11:
0xe6: {  	_ = 	snop;
	(pc) =	sbr.rel .LBB2_13-.Ltmp11, $4  }
0xe7: {  	_ = 	snop  }
0xe8: {  	vm0 =	vgt.s32 v1, v0  }
0xe9: {  	v0 =	vsel vm0, v1, v0  }
0xea: {  	[tilespmem:s6+$0xE0] =	vst.msk $0x1, v0  }
.LBB2_14:
0xeb: {  	p0 =	slt.s32 s2, $0x1  }
.Ltmp12:
0xec: {  	_ = 	snop;
	(pc) =	sbr.rel @p0 .LBB2_18-.Ltmp12, $3  }
0xed: {  	_ =	sdelay $0x1  }
0xee: {  	s0 =	simm.s32 $0x6  }
0xef: {  	s3 =	simm.s32 $0x0;
	[sflag:s0] =	ssyncpa.u1 $0x1  }
0xf0: {  	s0 =	simm.s32 $0xC0  }
0xf1: {  	v0 =	vld.msk [tilespmem:s0+$0x0], $0x1;
	_ =	sdelay $0x4  }
0xf2: {  	(v2sf) =	vpush v0, $0x0;
	_ =	sdelay $0xd  }
0xf3: {  	s2 =	sadd.s32 $0xFFFFFFFF, s2  }
0xf4: {  	p1 =	sne.s32 s2, $0x0;
	s0 =	spop (v2sf)  }
.Ltmp13:
0xf5: {  	p0 =	sgt.u32 s0, $0x7F;
	(pc) =	sbr.rel @!p1 .LBB2_17-.Ltmp13, $4  }
0xf6: {  	s4 =	simm.s32 $0xE0;
	s5 =	sshrl.u32 @!p0 s0, $0x3  }
0xf7: {  	s6 =	simm.s32 $0x0;
	s0 =	sand.u32 @!p0 $0x7, s0;
	s5 =	sadd.s32 @!p0 s1, s5  }
0xf8: {  	[hbm4b:s5+s0] =	stream.linear.scatter @!p0 [tilespmem:s4], [sflag:$0x5], $0x1, $0x38;
	[tilespmem:$0x1B0] =	vst v63  }
0xf9: {  	s6 =	simm.s32 @!p0 $0x4;
	s5 =	simm.s32 $0xC1  }
.LBB2_16:
0xfa: {  	v0 =	vld.msk [tilespmem:s5+$0x0], $0x1;
	s2 =	sadd.s32 $0xFFFFFFFF, s2;
	s3 =	sadd.s32 s3, s6  }
0xfb: {  	p0 =	sne.s32 s2, $0x0;
	_ =	sdelay $0x3  }
0xfc: {  	(v2sf) =	vpush v0, $0x0;
	_ =	sdelay $0xe  }
.Ltmp14:
0xfd: {  	s0 =	spop (v2sf);
	(pc) =	sbr.rel @p0 .LBB2_16-.Ltmp14, $4  }
0xfe: {  	s6 =	simm.s32 $0x0;
	p1 =	sgt.u32 s0, $0x7F  }
0xff: {  	s4 =	sadd.s32 $0x1, s4;
	s6 =	simm.s32 @!p1 $0x4;
	s7 =	sshrl.u32 @!p1 s0, $0x3  }
0x100: {  	s5 =	sadd.s32 $0x1, s5;
	s0 =	sand.u32 @!p1 $0x7, s0;
	s7 =	sadd.s32 @!p1 s1, s7  }
0x101: {  	[hbm4b:s7+s0] =	stream.linear.scatter @!p1 [tilespmem:s4], [sflag:$0x5], $0x1, $0x38;
	[tilespmem:$0x1B0] =	vst v63  }
.LBB2_17:
0x102: {  	s0 =	sadd.s32 s3, s6  }
0x103: {  	s3 =	sshrl.u32 s0, $0x2  }
.LBB2_18:
0x104: {  	s0 =	simm.s32 $0x5  }
0x105: {  	_ =	swait.ge [sflag:s0], s3  }
0x106: {  	s1 =	ssub.s32 $0x0, s3;
	[sflag:s0] =	ssyncset.done $0x0  }
0x107: {  	[sflag:s0] =	ssyncadd.s32 s1  }
0x108: {  	[sflag:s0] =	ssyncpa.u1 $0x1  }
0x109: {  	s29 =	simm.s32 $0x1;
	_ =	sfence  }
0x10a: {  	s30 =	simm.s32 $0x2;
	[sflag:s29] =	ssyncpa.u1 $0x1  }
0x10b: {  	[sflag:s30] =	ssyncpa.u1 $0x1  }
0x10c: {  	_ =	strace $0x9000004A  }
0x10d: {  	[bflag:$0x2] =	sbarrier.arrive $0xFFFF  }
0x10e: {  	s31 =	rddreg [dreg:$0x1]  }
0x10f: {  	s0 =	sadd.s32 $0x100000, s31  }
0x110: {  	[sflag:s0] =	ssyncadd.tile.s32 $0x1;
	_ =	shalt  }
.Lfunc_end2:
_tile_overlayer_lowered:
.L_overlay_start_2:
0x111: {  	(tag) =	ssettag $0x2  }
0x112: {  	s0 =	rddreg [dreg:$0x0];
	s2 =	stileid.u32  }
0x113: {  	s1 =	rddreg [dreg:$0x1];
	p0 =	sne.s32 s2, $0x0  }
0x114: {  	s3 =	rddreg [dreg:$0x2];
	[bflag:$0x3] =	sbarrier.arrive $0xFFFF;
	s2 =	simm.s32 @!p0 $0x1C01  }
0x115: {  	[timem:s3], [sflag:s2] =	dma.local @!p0 [hbm:s0], s1  }
0x116: {  	s0 =	simm.s32 @!p0 $0x1  }
0x117: {  	_ =	swait.ge @!p0 [sflag:s0], s1  }
0x118: {  	s1 =	ssub.s32 @!p0 $0x0, s1;
	[sflag:s0] =	ssyncset.done @!p0 $0x0  }
0x119: {  	[sflag:s0] =	ssyncadd.s32 @!p0 s1  }
0x11a: {  	[bflag:$0x3] =	sbarrier.arrive $0xFFFF  }
0x11b: {  	_ =	shalt  }

</sc_bundles>
